<compile_context>
chip_gen: v7x
topology: tpu7x:2x2x1
jax: 0.10.2.dev20260603
libtpu: 0.0.44.dev20260713+nightly
codegen_flags: <defaults>
</compile_context>

<pallas_src>
import functools

import jax
import jax.numpy as jnp
from jax import lax
from jax.experimental import pallas as pl
from jax.experimental.pallas import tpu as pltpu
from jax.experimental.pallas import tpu_sc as plsc

N = 10000
D_IN = 128
D_HID = 64
E = 320000

NCORES = 2
NSUB = 16
NTILES = NCORES * NSUB
CHUNK = 512
EDGES_PER_TILE = 10240
NCHUNK = EDGES_PER_TILE // CHUNK
EPAD = NTILES * EDGES_PER_TILE
NACC = N + 8
ROWS_A = 624
ROWS_B = N - 15 * ROWS_A

F32 = jnp.float32


def _make_scatter_add(width):
  mesh = plsc.VectorSubcoreMesh(core_axis_name="c", subcore_axis_name="s")

  @functools.partial(
      pl.kernel,
      out_type=jax.ShapeDtypeStruct((NCORES, N, width), F32),
      mesh=mesh,
      scratch_types=[
          pltpu.VMEM_SHARED((NACC, width), F32),
          pltpu.VMEM((CHUNK,), jnp.int32),
          pltpu.VMEM((CHUNK,), jnp.int32),
          pltpu.VMEM((CHUNK, width), F32),
          pltpu.SemaphoreType.DMA,
      ],
      compiler_params=pltpu.CompilerParams(use_tc_tiling_on_sc=False),
  )
  def scatter_add(u_hbm, src_hbm, dst_hbm, out_hbm,
                  accum, src_v, dst_v, rows_v, sem):
    c = lax.axis_index("c")
    s = lax.axis_index("s")
    wid = c * NSUB + s
    row0 = s * ROWS_A

    @pl.when(s < NSUB - 1)
    def _():
      pltpu.sync_copy(u_hbm.at[pl.ds(row0, ROWS_A)],
                      accum.at[pl.ds(row0, ROWS_A)])

    @pl.when(s == NSUB - 1)
    def _():
      pltpu.sync_copy(u_hbm.at[pl.ds(15 * ROWS_A, ROWS_B)],
                      accum.at[pl.ds(15 * ROWS_A, ROWS_B)])

    plsc.subcore_barrier()

    base = wid * EDGES_PER_TILE

    def body(j, carry):
      off = base + j * CHUNK
      pltpu.sync_copy(src_hbm.at[pl.ds(off, CHUNK)], src_v)
      pltpu.sync_copy(dst_hbm.at[pl.ds(off, CHUNK)], dst_v)
      pltpu.async_copy(u_hbm.at[src_v], rows_v, sem).wait()
      pltpu.sync_copy(rows_v, accum.at[dst_v], add=True)
      return carry

    lax.fori_loop(0, NCHUNK, body, 0)
    plsc.subcore_barrier()

    @pl.when(s < NSUB - 1)
    def _():
      pltpu.sync_copy(accum.at[pl.ds(row0, ROWS_A)],
                      out_hbm.at[c, pl.ds(row0, ROWS_A)])

    @pl.when(s == NSUB - 1)
    def _():
      pltpu.sync_copy(accum.at[pl.ds(15 * ROWS_A, ROWS_B)],
                      out_hbm.at[c, pl.ds(15 * ROWS_A, ROWS_B)])

  return scatter_add


_scatter64 = _make_scatter_add(D_HID)
_scatter16 = _make_scatter_add(16)


BR = 1000
GRID = N // BR


def _row_spec(w):
  return pl.BlockSpec((BR, w), lambda i: (i, 0))


def _full_spec(r, c):
  return pl.BlockSpec((r, c), lambda i: (0, 0))


def _deg_body(d0, d1, o):
  o[...] = lax.rsqrt(d0[...][:, :1] + d1[...][:, :1] - 1.0)


def _tc_deg(d0, d1):
  return pl.pallas_call(
      _deg_body,
      grid=(GRID,),
      in_specs=[_row_spec(16), _row_spec(16)],
      out_specs=pl.BlockSpec((BR, 1), lambda i: (i, 0)),
      out_shape=jax.ShapeDtypeStruct((N, 1), F32),
  )(d0, d1)


def _pre_body(x, w, dinv, o):
  o[...] = dinv[...] * jnp.dot(x[...], w[...], preferred_element_type=F32)


def _tc_pre(x, w, dinv):
  return pl.pallas_call(
      _pre_body,
      grid=(GRID,),
      in_specs=[_row_spec(D_IN), _full_spec(D_IN, D_HID), _row_spec(1)],
      out_specs=_row_spec(D_HID),
      out_shape=jax.ShapeDtypeStruct((N, D_HID), F32),
  )(x, w, dinv)


def _finish(q0, q1, u, b, dinv):
  return jnp.maximum(dinv[...] * (q0[...] + q1[...] - u[...]) + b[...], 0.0)


def _mid_body(q0, q1, u, b, w, dinv, o):
  z = _finish(q0, q1, u, b, dinv)
  o[...] = dinv[...] * jnp.dot(z, w[...], preferred_element_type=F32)


def _tc_mid(q, u, b, w, dinv):
  return pl.pallas_call(
      _mid_body,
      grid=(GRID,),
      in_specs=[_row_spec(D_HID), _row_spec(D_HID), _row_spec(D_HID),
                _full_spec(1, D_HID), _full_spec(D_HID, D_HID), _row_spec(1)],
      out_specs=_row_spec(D_HID),
      out_shape=jax.ShapeDtypeStruct((N, D_HID), F32),
  )(q[0], q[1], u, b, w, dinv)


def _two_body(q0, q1, u, b, wa, wb, dinv, oa, ob):
  z = _finish(q0, q1, u, b, dinv)
  oa[...] = dinv[...] * jnp.dot(z, wa[...], preferred_element_type=F32)
  ob[...] = dinv[...] * jnp.dot(z, wb[...], preferred_element_type=F32)


def _tc_two(q, u, b, wa, wb, dinv):
  return pl.pallas_call(
      _two_body,
      grid=(GRID,),
      in_specs=[_row_spec(D_HID), _row_spec(D_HID), _row_spec(D_HID),
                _full_spec(1, D_HID), _full_spec(D_HID, D_HID),
                _full_spec(D_HID, D_HID), _row_spec(1)],
      out_specs=(_row_spec(D_HID), _row_spec(D_HID)),
      out_shape=(jax.ShapeDtypeStruct((N, D_HID), F32),
                 jax.ShapeDtypeStruct((N, D_HID), F32)),
  )(q[0], q[1], u, b, wa, wb, dinv)


def _fin_body(q0, q1, u, b, dinv, o):
  o[...] = _finish(q0, q1, u, b, dinv)


def _tc_fin(q, u, b, dinv):
  return pl.pallas_call(
      _fin_body,
      grid=(GRID,),
      in_specs=[_row_spec(D_HID), _row_spec(D_HID), _row_spec(D_HID),
                _full_spec(1, D_HID), _row_spec(1)],
      out_specs=_row_spec(D_HID),
      out_shape=jax.ShapeDtypeStruct((N, D_HID), F32),
  )(q[0], q[1], u, b, dinv)


def _nw_body(q0, q1, u, b, dinv, o):
  o[...] = dinv[...] * _finish(q0, q1, u, b, dinv)


def _tc_nw(q, u, b, dinv):
  return pl.pallas_call(
      _nw_body,
      grid=(GRID,),
      in_specs=[_row_spec(D_HID), _row_spec(D_HID), _row_spec(D_HID),
                _full_spec(1, D_HID), _row_spec(1)],
      out_specs=_row_spec(D_HID),
      out_shape=jax.ShapeDtypeStruct((N, D_HID), F32),
  )(q[0], q[1], u, b, dinv)


def _att_body(q0, q1, u, b, w, dinv, o):
  ph = dinv[...] * (q0[...] + q1[...] - u[...])
  o[...] = jnp.maximum(
      jnp.dot(ph, w[...], preferred_element_type=F32) + b[...], 0.0)


def _tc_att(q, u, b, w, dinv):
  return pl.pallas_call(
      _att_body,
      grid=(GRID,),
      in_specs=[_row_spec(D_HID), _row_spec(D_HID), _row_spec(D_HID),
                _full_spec(1, D_IN), _full_spec(D_HID, D_IN), _row_spec(1)],
      out_specs=_row_spec(D_IN),
      out_shape=jax.ShapeDtypeStruct((N, D_IN), F32),
  )(q[0], q[1], u, b, w, dinv)


def _sst_body(a, b, o):
  o[...] = lax.dot_general(a[...], b[...], (((1,), (1,)), ((), ())),
                           preferred_element_type=F32)


CB = 1024


def _tc_sst(s):
  return pl.pallas_call(
      _sst_body,
      grid=(GRID, pl.cdiv(N, CB)),
      in_specs=[pl.BlockSpec((BR, D_HID), lambda i, j: (i, 0)),
                pl.BlockSpec((CB, D_HID), lambda i, j: (j, 0))],
      out_specs=pl.BlockSpec((BR, CB), lambda i, j: (i, j)),
      out_shape=jax.ShapeDtypeStruct((N, N), F32),
  )(s, s)


def kernel(x, edge_index, W_enc0, b_enc0, W_enc1, b_enc1, W_str0, b_str0,
           W_str1, b_str1, W_att0, b_att0, W_att1, b_att1):
  pad = EPAD - E
  src = jnp.concatenate([edge_index[0], jnp.zeros((pad,), jnp.int32)])
  dst = jnp.concatenate([edge_index[1], jnp.full((pad,), N, jnp.int32)])

  b_enc0 = b_enc0.reshape(1, -1)
  b_enc1 = b_enc1.reshape(1, -1)
  b_str0 = b_str0.reshape(1, -1)
  b_str1 = b_str1.reshape(1, -1)
  b_att0 = b_att0.reshape(1, -1)
  b_att1 = b_att1.reshape(1, -1)

  ones16 = jnp.ones((N, 16), F32)
  dpart = _scatter16(ones16, src, dst)
  dinv = _tc_deg(dpart[0], dpart[1])

  u1 = _tc_pre(x, W_enc0, dinv)
  q1 = _scatter64(u1, src, dst)
  u2 = _tc_mid(q1, u1, b_enc0, W_enc1, dinv)
  q2 = _scatter64(u2, src, dst)
  u3, u5 = _tc_two(q2, u2, b_enc1, W_str0, W_att0, dinv)
  q3 = _scatter64(u3, src, dst)
  u4 = _tc_mid(q3, u3, b_str0, W_str1, dinv)
  q4 = _scatter64(u4, src, dst)
  s = _tc_fin(q4, u4, b_str1, dinv)
  stru_recon = _tc_sst(s)
  q5 = _scatter64(u5, src, dst)
  u6 = _tc_nw(q5, u5, b_att0, dinv)
  q6 = _scatter64(u6, src, dst)
  attr_recon = _tc_att(q6, u6, b_att1, W_att1, dinv)
  return (stru_recon, attr_recon)

# --- scband reference (transcript-rebuilt; emitter-appended) ---
"""Pipeline reference for scband-dominant-model-54786602828559 (READ-ONLY COPY).

The authoritative reference and input builder live on the scoring server;
editing this copy changes nothing except your own understanding.
"""

import jax, jax.numpy as jnp
import numpy as np

N = 10000
D_IN = 128
D_HID = 64
E = 320000


def _glorot(key, fan_in, fan_out):
    s = float(np.sqrt(6.0 / (fan_in + fan_out)))
    return jax.random.uniform(key, (fan_in, fan_out), dtype=jnp.float32, minval=-s, maxval=s)


def setup_inputs(seed: int = 0) -> dict:
    key = jax.random.key(seed)
    ks = jax.random.split(key, 16)
    x = jax.random.normal(ks[0], (N, D_IN), dtype=jnp.float32)
    edge_index = jax.random.randint(ks[1], (2, E), 0, N, dtype=jnp.int32)
    params = {}
    # encoder GCN: D_IN -> D_HID -> D_HID
    params['W_enc0'] = _glorot(ks[2], D_IN, D_HID)
    params['b_enc0'] = jnp.zeros((D_HID,), dtype=jnp.float32)
    params['W_enc1'] = _glorot(ks[3], D_HID, D_HID)
    params['b_enc1'] = jnp.zeros((D_HID,), dtype=jnp.float32)
    # structure decoder GCN: D_HID -> D_HID -> D_HID
    params['W_str0'] = _glorot(ks[4], D_HID, D_HID)
    params['b_str0'] = jnp.zeros((D_HID,), dtype=jnp.float32)
    params['W_str1'] = _glorot(ks[5], D_HID, D_HID)
    params['b_str1'] = jnp.zeros((D_HID,), dtype=jnp.float32)
    # attribute decoder GCN: D_HID -> D_HID -> D_IN
    params['W_att0'] = _glorot(ks[6], D_HID, D_HID)
    params['b_att0'] = jnp.zeros((D_HID,), dtype=jnp.float32)
    params['W_att1'] = _glorot(ks[7], D_HID, D_IN)
    params['b_att1'] = jnp.zeros((D_IN,), dtype=jnp.float32)
    return dict(x=x, edge_index=edge_index, **params)


def _gcn_layer(h, W, b, src, dst, coef):
    h = h @ W
    msg = h[src] * coef[:, None]
    agg = jax.ops.segment_sum(msg, dst, num_segments=N)
    return jax.nn.relu(agg + b)


def reference(x, edge_index, W_enc0, b_enc0, W_enc1, b_enc1, W_str0, b_str0, W_str1, b_str1, W_att0, b_att0, W_att1, b_att1):
    # add self-loops and compute symmetric GCN normalization
    loop = jnp.arange(N, dtype=edge_index.dtype)
    src = jnp.concatenate([edge_index[0], loop])
    dst = jnp.concatenate([edge_index[1], loop])
    deg = jax.ops.segment_sum(jnp.ones_like(dst, dtype=jnp.float32), dst, num_segments=N)
    dinv = jnp.where(deg > 0, 1.0 / jnp.sqrt(deg), 0.0)
    coef = dinv[src] * dinv[dst]
    # encoder
    z = _gcn_layer(x, W_enc0, b_enc0, src, dst, coef)
    z = _gcn_layer(z, W_enc1, b_enc1, src, dst, coef)
    # structure decoder
    s = _gcn_layer(z, W_str0, b_str0, src, dst, coef)
    s = _gcn_layer(s, W_str1, b_str1, src, dst, coef)
    # attribute decoder
    a = _gcn_layer(z, W_att0, b_att0, src, dst, coef)
    a = _gcn_layer(a, W_att1, b_att1, src, dst, coef)
    stru_recon = s @ s.T
    attr_recon = a
    return (stru_recon, attr_recon)

if __name__ == "__main__":
    import jax
    _d = setup_inputs()
    print(jax.jit(kernel)(*tuple(_d.values())))

</pallas_src>

<mosaic_0001>
#map = affine_map<(d0, d1) -> (0, 0)>
#map1 = affine_map<(d0, d1) -> (0)>
#map2 = affine_map<(d0, d1) -> (0, 0, 0)>
module attributes {stable_mosaic.version = 14 : i64} {
  func.func @scatter_add(%arg0: i32, %arg1: i32, %arg2: memref<10000x64xf32, #tpu.memory_space<hbm>>, %arg3: memref<327680xi32, #tpu.memory_space<hbm>>, %arg4: memref<327680xi32, #tpu.memory_space<hbm>>, %arg5: memref<2x10000x64xf32, #tpu.memory_space<hbm>>, %arg6: memref<10008x64xf32, #tpu.memory_space<vmem_shared>>, %arg7: memref<512xi32, #tpu.memory_space<vmem>>, %arg8: memref<512xi32, #tpu.memory_space<vmem>>, %arg9: memref<512x64xf32, #tpu.memory_space<vmem>>, %arg10: memref<!tpu.dma_semaphore, #tpu.memory_space<semaphore_mem>>) attributes {dimension_semantics = [#tpu.dimension_semantics<core_parallel>, #tpu.dimension_semantics<subcore_parallel>], iteration_bounds = array<i64: 2, 16>, scalar_prefetch = 0 : i64, scratch_operands = 5 : i64, tpu.core_type = #tpu.core_type<sc_vector_subcore>, window_params = [{transform_indices = #map}, {transform_indices = #map1}, {transform_indices = #map1}, {transform_indices = #map2}]} {
    %mul3A = arith.constant 16 : i32
    %mul3A_0 = arith.muli %arg0, %mul3A : i32
    %add3A = arith.addi %mul3A_0, %arg1 : i32
    %mul3A_1 = arith.constant 624 : i32
    %mul3A_2 = arith.muli %arg1, %mul3A_1 : i32
    %lt3A = arith.constant 15 : i32
    %lt3A_3 = arith.cmpi slt, %arg1, %lt3A : i32
    %convert_element_type3A = arith.extui %lt3A_3 : i1 to i32
    %cond3A = arith.constant 0 : i32
    %cond3A_4 = arith.cmpi ne, %convert_element_type3A, %cond3A : i32
    scf.if %cond3A_4 {
      "tpu.region"() ({
        %run_scoped3A = tpu.sem_alloc : memref<!tpu.dma_semaphore, #tpu.memory_space<semaphore_mem>>
        %dma_start3A = arith.constant 0 : i32
        %dma_start3A_27 = tpu.memref_slice %arg6[%mul3A_2, %dma_start3A] : memref<10008x64xf32, #tpu.memory_space<vmem_shared>> -> memref<624x64xf32, #tpu.memory_space<vmem_shared>>
        %dma_start3A_28 = arith.constant 0 : i32
        %dma_start3A_29 = tpu.memref_slice %arg2[%mul3A_2, %dma_start3A_28] : memref<10000x64xf32, #tpu.memory_space<hbm>> -> memref<624x64xf32, #tpu.memory_space<hbm>>
        tpu.enqueue_dma source(%dma_start3A_29 : memref<624x64xf32, #tpu.memory_space<hbm>>) target(%dma_start3A_27 : memref<624x64xf32, #tpu.memory_space<vmem_shared>>) target_semaphore(%run_scoped3A : memref<!tpu.dma_semaphore, #tpu.memory_space<semaphore_mem>>)
        %dma_wait3A = arith.constant 0 : i32
        %dma_wait3A_30 = tpu.memref_slice %arg6[%mul3A_2, %dma_wait3A] : memref<10008x64xf32, #tpu.memory_space<vmem_shared>> -> memref<624x64xf32, #tpu.memory_space<vmem_shared>>
        %dma_wait3A_31 = arith.constant 0 : i32
        %dma_wait3A_32 = tpu.memref_slice %arg2[%mul3A_2, %dma_wait3A_31] : memref<10000x64xf32, #tpu.memory_space<hbm>> -> memref<624x64xf32, #tpu.memory_space<hbm>>
        tpu.wait_dma2 semaphore(%run_scoped3A : memref<!tpu.dma_semaphore, #tpu.memory_space<semaphore_mem>>) src(%dma_wait3A_32 : memref<624x64xf32, #tpu.memory_space<hbm>>) dst(%dma_wait3A_30 : memref<624x64xf32, #tpu.memory_space<vmem_shared>>)
        tpu.yield
      }) : () -> ()
    } else {
    }
    %eq3A = arith.constant 15 : i32
    %eq3A_5 = arith.cmpi eq, %arg1, %eq3A : i32
    %convert_element_type3A_6 = arith.extui %eq3A_5 : i1 to i32
    %cond3A_7 = arith.constant 0 : i32
    %cond3A_8 = arith.cmpi ne, %convert_element_type3A_6, %cond3A_7 : i32
    scf.if %cond3A_8 {
      "tpu.region"() ({
        %run_scoped3A = tpu.sem_alloc : memref<!tpu.dma_semaphore, #tpu.memory_space<semaphore_mem>>
        %dma_start3A = arith.constant 9360 : i32
        %dma_start3A_27 = arith.constant 0 : i32
        %dma_start3A_28 = tpu.memref_slice %arg6[%dma_start3A, %dma_start3A_27] : memref<10008x64xf32, #tpu.memory_space<vmem_shared>> -> memref<640x64xf32, #tpu.memory_space<vmem_shared>>
        %dma_start3A_29 = arith.constant 9360 : i32
        %dma_start3A_30 = arith.constant 0 : i32
        %dma_start3A_31 = tpu.memref_slice %arg2[%dma_start3A_29, %dma_start3A_30] : memref<10000x64xf32, #tpu.memory_space<hbm>> -> memref<640x64xf32, #tpu.memory_space<hbm>>
        tpu.enqueue_dma source(%dma_start3A_31 : memref<640x64xf32, #tpu.memory_space<hbm>>) target(%dma_start3A_28 : memref<640x64xf32, #tpu.memory_space<vmem_shared>>) target_semaphore(%run_scoped3A : memref<!tpu.dma_semaphore, #tpu.memory_space<semaphore_mem>>)
        %dma_wait3A = arith.constant 9360 : i32
        %dma_wait3A_32 = arith.constant 0 : i32
        %dma_wait3A_33 = tpu.memref_slice %arg6[%dma_wait3A, %dma_wait3A_32] : memref<10008x64xf32, #tpu.memory_space<vmem_shared>> -> memref<640x64xf32, #tpu.memory_space<vmem_shared>>
        %dma_wait3A_34 = arith.constant 9360 : i32
        %dma_wait3A_35 = arith.constant 0 : i32
        %dma_wait3A_36 = tpu.memref_slice %arg2[%dma_wait3A_34, %dma_wait3A_35] : memref<10000x64xf32, #tpu.memory_space<hbm>> -> memref<640x64xf32, #tpu.memory_space<hbm>>
        tpu.wait_dma2 semaphore(%run_scoped3A : memref<!tpu.dma_semaphore, #tpu.memory_space<semaphore_mem>>) src(%dma_wait3A_36 : memref<640x64xf32, #tpu.memory_space<hbm>>) dst(%dma_wait3A_33 : memref<640x64xf32, #tpu.memory_space<vmem_shared>>)
        tpu.yield
      }) : () -> ()
    } else {
    }
    %barrier3A = arith.constant 0 : index
    tpu.barrier barrier_id(%barrier3A)
    %mul3A_9 = arith.constant 10240 : i32
    %mul3A_10 = arith.muli %add3A, %mul3A_9 : i32
    %scan3A = arith.constant 0 : i32
    %scan3A_11 = arith.constant 0 : i32
    %scan3A_12 = arith.constant 20 : i32
    %scan3A_13 = arith.addi %scan3A_11, %scan3A_12 : i32
    %scan3A_14 = arith.constant 1 : i32
    scf.for %scan3A_27 = %scan3A_11 to %scan3A_13 step %scan3A_14  : i32 {
      %mul3A_28 = arith.constant 512 : i32
      %mul3A_29 = arith.muli %scan3A_27, %mul3A_28 : i32
      %add3A_30 = arith.addi %mul3A_10, %mul3A_29 : i32
      "tpu.region"() ({
        %run_scoped3A = tpu.sem_alloc : memref<!tpu.dma_semaphore, #tpu.memory_space<semaphore_mem>>
        %dma_start3A_35 = tpu.memref_slice %arg3[%add3A_30] : memref<327680xi32, #tpu.memory_space<hbm>> -> memref<512xi32, #tpu.memory_space<hbm>>
        %dma_start3A_36 = tpu.memref_slice %arg3[%add3A_30] : memref<327680xi32, #tpu.memory_space<hbm>> -> memref<512xi32, #tpu.memory_space<hbm>>
        tpu.enqueue_dma source(%dma_start3A_36 : memref<512xi32, #tpu.memory_space<hbm>>) target(%arg7 : memref<512xi32, #tpu.memory_space<vmem>>) target_semaphore(%run_scoped3A : memref<!tpu.dma_semaphore, #tpu.memory_space<semaphore_mem>>)
        %dma_wait3A_37 = tpu.memref_slice %arg3[%add3A_30] : memref<327680xi32, #tpu.memory_space<hbm>> -> memref<512xi32, #tpu.memory_space<hbm>>
        %dma_wait3A_38 = tpu.memref_slice %arg3[%add3A_30] : memref<327680xi32, #tpu.memory_space<hbm>> -> memref<512xi32, #tpu.memory_space<hbm>>
        tpu.wait_dma2 semaphore(%run_scoped3A : memref<!tpu.dma_semaphore, #tpu.memory_space<semaphore_mem>>) src(%dma_wait3A_38 : memref<512xi32, #tpu.memory_space<hbm>>) dst(%arg7 : memref<512xi32, #tpu.memory_space<vmem>>)
        tpu.yield
      }) : () -> ()
      "tpu.region"() ({
        %run_scoped3A = tpu.sem_alloc : memref<!tpu.dma_semaphore, #tpu.memory_space<semaphore_mem>>
        %dma_start3A_35 = tpu.memref_slice %arg4[%add3A_30] : memref<327680xi32, #tpu.memory_space<hbm>> -> memref<512xi32, #tpu.memory_space<hbm>>
        %dma_start3A_36 = tpu.memref_slice %arg4[%add3A_30] : memref<327680xi32, #tpu.memory_space<hbm>> -> memref<512xi32, #tpu.memory_space<hbm>>
        tpu.enqueue_dma source(%dma_start3A_36 : memref<512xi32, #tpu.memory_space<hbm>>) target(%arg8 : memref<512xi32, #tpu.memory_space<vmem>>) target_semaphore(%run_scoped3A : memref<!tpu.dma_semaphore, #tpu.memory_space<semaphore_mem>>)
        %dma_wait3A_37 = tpu.memref_slice %arg4[%add3A_30] : memref<327680xi32, #tpu.memory_space<hbm>> -> memref<512xi32, #tpu.memory_space<hbm>>
        %dma_wait3A_38 = tpu.memref_slice %arg4[%add3A_30] : memref<327680xi32, #tpu.memory_space<hbm>> -> memref<512xi32, #tpu.memory_space<hbm>>
        tpu.wait_dma2 semaphore(%run_scoped3A : memref<!tpu.dma_semaphore, #tpu.memory_space<semaphore_mem>>) src(%dma_wait3A_38 : memref<512xi32, #tpu.memory_space<hbm>>) dst(%arg8 : memref<512xi32, #tpu.memory_space<vmem>>)
        tpu.yield
      }) : () -> ()
      %dma_start3A = arith.constant 0 : i32
      %dma_start3A_31 = arith.constant 0 : i32
      %dma_start3A_32 = tpu.memref_slice %arg2[%dma_start3A, %dma_start3A_31] : memref<10000x64xf32, #tpu.memory_space<hbm>> -> memref<10000x64xf32, #tpu.memory_space<hbm>>
      tpu.enqueue_indirect_dma source(%dma_start3A_32 : memref<10000x64xf32, #tpu.memory_space<hbm>>) target(%arg9 : memref<512x64xf32, #tpu.memory_space<vmem>>) offsets(%arg7 : memref<512xi32, #tpu.memory_space<vmem>>) semaphore(%arg10 : memref<!tpu.dma_semaphore, #tpu.memory_space<semaphore_mem>>)
      %dma_wait3A = arith.constant 0 : i32
      %dma_wait3A_33 = arith.constant 0 : i32
      %dma_wait3A_34 = tpu.memref_slice %arg2[%dma_wait3A, %dma_wait3A_33] : memref<10000x64xf32, #tpu.memory_space<hbm>> -> memref<10000x64xf32, #tpu.memory_space<hbm>>
      tpu.wait_indirect_dma semaphore(%arg10 : memref<!tpu.dma_semaphore, #tpu.memory_space<semaphore_mem>>) src(%dma_wait3A_34 : memref<10000x64xf32, #tpu.memory_space<hbm>>) dst(%arg9 : memref<512x64xf32, #tpu.memory_space<vmem>>)
      "tpu.region"() ({
        %run_scoped3A = tpu.sem_alloc : memref<!tpu.dma_semaphore, #tpu.memory_space<semaphore_mem>>
        %dma_start3A_35 = arith.constant 0 : i32
        %dma_start3A_36 = arith.constant 0 : i32
        %dma_start3A_37 = tpu.memref_slice %arg6[%dma_start3A_35, %dma_start3A_36] : memref<10008x64xf32, #tpu.memory_space<vmem_shared>> -> memref<10008x64xf32, #tpu.memory_space<vmem_shared>>
        tpu.enqueue_indirect_dma source(%arg9 : memref<512x64xf32, #tpu.memory_space<vmem>>) target(%dma_start3A_37 : memref<10008x64xf32, #tpu.memory_space<vmem_shared>>) offsets(%arg8 : memref<512xi32, #tpu.memory_space<vmem>>) semaphore(%run_scoped3A : memref<!tpu.dma_semaphore, #tpu.memory_space<semaphore_mem>>) {add = true}
        %dma_wait3A_38 = arith.constant 0 : i32
        %dma_wait3A_39 = arith.constant 0 : i32
        %dma_wait3A_40 = tpu.memref_slice %arg6[%dma_wait3A_38, %dma_wait3A_39] : memref<10008x64xf32, #tpu.memory_space<vmem_shared>> -> memref<10008x64xf32, #tpu.memory_space<vmem_shared>>
        tpu.wait_indirect_dma semaphore(%run_scoped3A : memref<!tpu.dma_semaphore, #tpu.memory_space<semaphore_mem>>) src(%arg9 : memref<512x64xf32, #tpu.memory_space<vmem>>) dst(%dma_wait3A_40 : memref<10008x64xf32, #tpu.memory_space<vmem_shared>>)
        tpu.yield
      }) : () -> ()
    }
    %scan3A_15 = arith.constant 20 : i32
    %barrier3A_16 = arith.constant 0 : index
    tpu.barrier barrier_id(%barrier3A_16)
    %lt3A_17 = arith.constant 15 : i32
    %lt3A_18 = arith.cmpi slt, %arg1, %lt3A_17 : i32
    %convert_element_type3A_19 = arith.extui %lt3A_18 : i1 to i32
    %cond3A_20 = arith.constant 0 : i32
    %cond3A_21 = arith.cmpi ne, %convert_element_type3A_19, %cond3A_20 : i32
    scf.if %cond3A_21 {
      "tpu.region"() ({
        %run_scoped3A = tpu.sem_alloc : memref<!tpu.dma_semaphore, #tpu.memory_space<semaphore_mem>>
        %dma_start3A = arith.constant 0 : i32
        %dma_start3A_27 = tpu.memref_slice %arg5[%arg0, %mul3A_2, %dma_start3A] : memref<2x10000x64xf32, #tpu.memory_space<hbm>> -> memref<1x624x64xf32, #tpu.memory_space<hbm>>
        %dma_start3A_28 = tpu.memref_squeeze %dma_start3A_27 : memref<1x624x64xf32, #tpu.memory_space<hbm>> -> memref<624x64xf32, #tpu.memory_space<hbm>>
        %dma_start3A_29 = arith.constant 0 : i32
        %dma_start3A_30 = tpu.memref_slice %arg6[%mul3A_2, %dma_start3A_29] : memref<10008x64xf32, #tpu.memory_space<vmem_shared>> -> memref<624x64xf32, #tpu.memory_space<vmem_shared>>
        tpu.enqueue_dma source(%dma_start3A_30 : memref<624x64xf32, #tpu.memory_space<vmem_shared>>) target(%dma_start3A_28 : memref<624x64xf32, #tpu.memory_space<hbm>>) target_semaphore(%run_scoped3A : memref<!tpu.dma_semaphore, #tpu.memory_space<semaphore_mem>>)
        %dma_wait3A = arith.constant 0 : i32
        %dma_wait3A_31 = tpu.memref_slice %arg5[%arg0, %mul3A_2, %dma_wait3A] : memref<2x10000x64xf32, #tpu.memory_space<hbm>> -> memref<1x624x64xf32, #tpu.memory_space<hbm>>
        %dma_wait3A_32 = tpu.memref_squeeze %dma_wait3A_31 : memref<1x624x64xf32, #tpu.memory_space<hbm>> -> memref<624x64xf32, #tpu.memory_space<hbm>>
        %dma_wait3A_33 = arith.constant 0 : i32
        %dma_wait3A_34 = tpu.memref_slice %arg6[%mul3A_2, %dma_wait3A_33] : memref<10008x64xf32, #tpu.memory_space<vmem_shared>> -> memref<624x64xf32, #tpu.memory_space<vmem_shared>>
        tpu.wait_dma2 semaphore(%run_scoped3A : memref<!tpu.dma_semaphore, #tpu.memory_space<semaphore_mem>>) src(%dma_wait3A_34 : memref<624x64xf32, #tpu.memory_space<vmem_shared>>) dst(%dma_wait3A_32 : memref<624x64xf32, #tpu.memory_space<hbm>>)
        tpu.yield
      }) : () -> ()
    } else {
    }
    %eq3A_22 = arith.constant 15 : i32
    %eq3A_23 = arith.cmpi eq, %arg1, %eq3A_22 : i32
    %convert_element_type3A_24 = arith.extui %eq3A_23 : i1 to i32
    %cond3A_25 = arith.constant 0 : i32
    %cond3A_26 = arith.cmpi ne, %convert_element_type3A_24, %cond3A_25 : i32
    scf.if %cond3A_26 {
      "tpu.region"() ({
        %run_scoped3A = tpu.sem_alloc : memref<!tpu.dma_semaphore, #tpu.memory_space<semaphore_mem>>
        %dma_start3A = arith.constant 9360 : i32
        %dma_start3A_27 = arith.constant 0 : i32
        %dma_start3A_28 = tpu.memref_slice %arg5[%arg0, %dma_start3A, %dma_start3A_27] : memref<2x10000x64xf32, #tpu.memory_space<hbm>> -> memref<1x640x64xf32, #tpu.memory_space<hbm>>
        %dma_start3A_29 = tpu.memref_squeeze %dma_start3A_28 : memref<1x640x64xf32, #tpu.memory_space<hbm>> -> memref<640x64xf32, #tpu.memory_space<hbm>>
        %dma_start3A_30 = arith.constant 9360 : i32
        %dma_start3A_31 = arith.constant 0 : i32
        %dma_start3A_32 = tpu.memref_slice %arg6[%dma_start3A_30, %dma_start3A_31] : memref<10008x64xf32, #tpu.memory_space<vmem_shared>> -> memref<640x64xf32, #tpu.memory_space<vmem_shared>>
        tpu.enqueue_dma source(%dma_start3A_32 : memref<640x64xf32, #tpu.memory_space<vmem_shared>>) target(%dma_start3A_29 : memref<640x64xf32, #tpu.memory_space<hbm>>) target_semaphore(%run_scoped3A : memref<!tpu.dma_semaphore, #tpu.memory_space<semaphore_mem>>)
        %dma_wait3A = arith.constant 9360 : i32
        %dma_wait3A_33 = arith.constant 0 : i32
        %dma_wait3A_34 = tpu.memref_slice %arg5[%arg0, %dma_wait3A, %dma_wait3A_33] : memref<2x10000x64xf32, #tpu.memory_space<hbm>> -> memref<1x640x64xf32, #tpu.memory_space<hbm>>
        %dma_wait3A_35 = tpu.memref_squeeze %dma_wait3A_34 : memref<1x640x64xf32, #tpu.memory_space<hbm>> -> memref<640x64xf32, #tpu.memory_space<hbm>>
        %dma_wait3A_36 = arith.constant 9360 : i32
        %dma_wait3A_37 = arith.constant 0 : i32
        %dma_wait3A_38 = tpu.memref_slice %arg6[%dma_wait3A_36, %dma_wait3A_37] : memref<10008x64xf32, #tpu.memory_space<vmem_shared>> -> memref<640x64xf32, #tpu.memory_space<vmem_shared>>
        tpu.wait_dma2 semaphore(%run_scoped3A : memref<!tpu.dma_semaphore, #tpu.memory_space<semaphore_mem>>) src(%dma_wait3A_38 : memref<640x64xf32, #tpu.memory_space<vmem_shared>>) dst(%dma_wait3A_35 : memref<640x64xf32, #tpu.memory_space<hbm>>)
        tpu.yield
      }) : () -> ()
    } else {
    }
    return
  }
}

#map = affine_map<(d0, d1) -> (0, 0)>
#map1 = affine_map<(d0, d1) -> (0)>
#map2 = affine_map<(d0, d1) -> (0, 0, 0)>
module attributes {stable_mosaic.version = 14 : i64} {
  func.func @scatter_add(%arg0: i32, %arg1: i32, %arg2: memref<10000x64xf32, #tpu.memory_space<hbm>>, %arg3: memref<327680xi32, #tpu.memory_space<hbm>>, %arg4: memref<327680xi32, #tpu.memory_space<hbm>>, %arg5: memref<2x10000x64xf32, #tpu.memory_space<hbm>>, %arg6: memref<10008x64xf32, #tpu.memory_space<vmem_shared>>, %arg7: memref<512xi32, #tpu.memory_space<vmem>>, %arg8: memref<512xi32, #tpu.memory_space<vmem>>, %arg9: memref<512x64xf32, #tpu.memory_space<vmem>>, %arg10: memref<!tpu.dma_semaphore, #tpu.memory_space<semaphore_mem>>) attributes {dimension_semantics = [#tpu.dimension_semantics<core_parallel>, #tpu.dimension_semantics<subcore_parallel>], iteration_bounds = array<i64: 2, 16>, scalar_prefetch = 0 : i64, scratch_operands = 5 : i64, tpu.core_type = #tpu.core_type<sc_vector_subcore>, window_params = [{transform_indices = #map}, {transform_indices = #map1}, {transform_indices = #map1}, {transform_indices = #map2}]} {
    %mul3A = arith.constant 16 : i32
    %mul3A_0 = arith.muli %arg0, %mul3A : i32
    %add3A = arith.addi %mul3A_0, %arg1 : i32
    %mul3A_1 = arith.constant 624 : i32
    %mul3A_2 = arith.muli %arg1, %mul3A_1 : i32
    %lt3A = arith.constant 15 : i32
    %lt3A_3 = arith.cmpi slt, %arg1, %lt3A : i32
    %convert_element_type3A = arith.extui %lt3A_3 : i1 to i32
    %cond3A = arith.constant 0 : i32
    %cond3A_4 = arith.cmpi ne, %convert_element_type3A, %cond3A : i32
    scf.if %cond3A_4 {
      "tpu.region"() ({
        %run_scoped3A = tpu.sem_alloc : memref<!tpu.dma_semaphore, #tpu.memory_space<semaphore_mem>>
        %dma_start3A = arith.constant 0 : i32
        %dma_start3A_27 = tpu.memref_slice %arg6[%mul3A_2, %dma_start3A] : memref<10008x64xf32, #tpu.memory_space<vmem_shared>> -> memref<624x64xf32, #tpu.memory_space<vmem_shared>>
        %dma_start3A_28 = arith.constant 0 : i32
        %dma_start3A_29 = tpu.memref_slice %arg2[%mul3A_2, %dma_start3A_28] : memref<10000x64xf32, #tpu.memory_space<hbm>> -> memref<624x64xf32, #tpu.memory_space<hbm>>
        tpu.enqueue_dma source(%dma_start3A_29 : memref<624x64xf32, #tpu.memory_space<hbm>>) target(%dma_start3A_27 : memref<624x64xf32, #tpu.memory_space<vmem_shared>>) target_semaphore(%run_scoped3A : memref<!tpu.dma_semaphore, #tpu.memory_space<semaphore_mem>>)
        %dma_wait3A = arith.constant 0 : i32
        %dma_wait3A_30 = tpu.memref_slice %arg6[%mul3A_2, %dma_wait3A] : memref<10008x64xf32, #tpu.memory_space<vmem_shared>> -> memref<624x64xf32, #tpu.memory_space<vmem_shared>>
        %dma_wait3A_31 = arith.constant 0 : i32
        %dma_wait3A_32 = tpu.memref_slice %arg2[%mul3A_2, %dma_wait3A_31] : memref<10000x64xf32, #tpu.memory_space<hbm>> -> memref<624x64xf32, #tpu.memory_space<hbm>>
        tpu.wait_dma2 semaphore(%run_scoped3A : memref<!tpu.dma_semaphore, #tpu.memory_space<semaphore_mem>>) src(%dma_wait3A_32 : memref<624x64xf32, #tpu.memory_space<hbm>>) dst(%dma_wait3A_30 : memref<624x64xf32, #tpu.memory_space<vmem_shared>>)
        tpu.yield
      }) : () -> ()
    } else {
    }
    %eq3A = arith.constant 15 : i32
    %eq3A_5 = arith.cmpi eq, %arg1, %eq3A : i32
    %convert_element_type3A_6 = arith.extui %eq3A_5 : i1 to i32
    %cond3A_7 = arith.constant 0 : i32
    %cond3A_8 = arith.cmpi ne, %convert_element_type3A_6, %cond3A_7 : i32
    scf.if %cond3A_8 {
      "tpu.region"() ({
        %run_scoped3A = tpu.sem_alloc : memref<!tpu.dma_semaphore, #tpu.memory_space<semaphore_mem>>
        %dma_start3A = arith.constant 9360 : i32
        %dma_start3A_27 = arith.constant 0 : i32
        %dma_start3A_28 = tpu.memref_slice %arg6[%dma_start3A, %dma_start3A_27] : memref<10008x64xf32, #tpu.memory_space<vmem_shared>> -> memref<640x64xf32, #tpu.memory_space<vmem_shared>>
        %dma_start3A_29 = arith.constant 9360 : i32
        %dma_start3A_30 = arith.constant 0 : i32
        %dma_start3A_31 = tpu.memref_slice %arg2[%dma_start3A_29, %dma_start3A_30] : memref<10000x64xf32, #tpu.memory_space<hbm>> -> memref<640x64xf32, #tpu.memory_space<hbm>>
        tpu.enqueue_dma source(%dma_start3A_31 : memref<640x64xf32, #tpu.memory_space<hbm>>) target(%dma_start3A_28 : memref<640x64xf32, #tpu.memory_space<vmem_shared>>) target_semaphore(%run_scoped3A : memref<!tpu.dma_semaphore, #tpu.memory_space<semaphore_mem>>)
        %dma_wait3A = arith.constant 9360 : i32
        %dma_wait3A_32 = arith.constant 0 : i32
        %dma_wait3A_33 = tpu.memref_slice %arg6[%dma_wait3A, %dma_wait3A_32] : memref<10008x64xf32, #tpu.memory_space<vmem_shared>> -> memref<640x64xf32, #tpu.memory_space<vmem_shared>>
        %dma_wait3A_34 = arith.constant 9360 : i32
        %dma_wait3A_35 = arith.constant 0 : i32
        %dma_wait3A_36 = tpu.memref_slice %arg2[%dma_wait3A_34, %dma_wait3A_35] : memref<10000x64xf32, #tpu.memory_space<hbm>> -> memref<640x64xf32, #tpu.memory_space<hbm>>
        tpu.wait_dma2 semaphore(%run_scoped3A : memref<!tpu.dma_semaphore, #tpu.memory_space<semaphore_mem>>) src(%dma_wait3A_36 : memref<640x64xf32, #tpu.memory_space<hbm>>) dst(%dma_wait3A_33 : memref<640x64xf32, #tpu.memory_space<vmem_shared>>)
        tpu.yield
      }) : () -> ()
    } else {
    }
    %barrier3A = arith.constant 0 : index
    tpu.barrier barrier_id(%barrier3A)
    %mul3A_9 = arith.constant 10240 : i32
    %mul3A_10 = arith.muli %add3A, %mul3A_9 : i32
    %scan3A = arith.constant 0 : i32
    %scan3A_11 = arith.constant 0 : i32
    %scan3A_12 = arith.constant 20 : i32
    %scan3A_13 = arith.addi %scan3A_11, %scan3A_12 : i32
    %scan3A_14 = arith.constant 1 : i32
    scf.for %scan3A_27 = %scan3A_11 to %scan3A_13 step %scan3A_14  : i32 {
      %mul3A_28 = arith.constant 512 : i32
      %mul3A_29 = arith.muli %scan3A_27, %mul3A_28 : i32
      %add3A_30 = arith.addi %mul3A_10, %mul3A_29 : i32
      "tpu.region"() ({
        %run_scoped3A = tpu.sem_alloc : memref<!tpu.dma_semaphore, #tpu.memory_space<semaphore_mem>>
        %dma_start3A_35 = tpu.memref_slice %arg3[%add3A_30] : memref<327680xi32, #tpu.memory_space<hbm>> -> memref<512xi32, #tpu.memory_space<hbm>>
        %dma_start3A_36 = tpu.memref_slice %arg3[%add3A_30] : memref<327680xi32, #tpu.memory_space<hbm>> -> memref<512xi32, #tpu.memory_space<hbm>>
        tpu.enqueue_dma source(%dma_start3A_36 : memref<512xi32, #tpu.memory_space<hbm>>) target(%arg7 : memref<512xi32, #tpu.memory_space<vmem>>) target_semaphore(%run_scoped3A : memref<!tpu.dma_semaphore, #tpu.memory_space<semaphore_mem>>)
        %dma_wait3A_37 = tpu.memref_slice %arg3[%add3A_30] : memref<327680xi32, #tpu.memory_space<hbm>> -> memref<512xi32, #tpu.memory_space<hbm>>
        %dma_wait3A_38 = tpu.memref_slice %arg3[%add3A_30] : memref<327680xi32, #tpu.memory_space<hbm>> -> memref<512xi32, #tpu.memory_space<hbm>>
        tpu.wait_dma2 semaphore(%run_scoped3A : memref<!tpu.dma_semaphore, #tpu.memory_space<semaphore_mem>>) src(%dma_wait3A_38 : memref<512xi32, #tpu.memory_space<hbm>>) dst(%arg7 : memref<512xi32, #tpu.memory_space<vmem>>)
        tpu.yield
      }) : () -> ()
      "tpu.region"() ({
        %run_scoped3A = tpu.sem_alloc : memref<!tpu.dma_semaphore, #tpu.memory_space<semaphore_mem>>
        %dma_start3A_35 = tpu.memref_slice %arg4[%add3A_30] : memref<327680xi32, #tpu.memory_space<hbm>> -> memref<512xi32, #tpu.memory_space<hbm>>
        %dma_start3A_36 = tpu.memref_slice %arg4[%add3A_30] : memref<327680xi32, #tpu.memory_space<hbm>> -> memref<512xi32, #tpu.memory_space<hbm>>
        tpu.enqueue_dma source(%dma_start3A_36 : memref<512xi32, #tpu.memory_space<hbm>>) target(%arg8 : memref<512xi32, #tpu.memory_space<vmem>>) target_semaphore(%run_scoped3A : memref<!tpu.dma_semaphore, #tpu.memory_space<semaphore_mem>>)
        %dma_wait3A_37 = tpu.memref_slice %arg4[%add3A_30] : memref<327680xi32, #tpu.memory_space<hbm>> -> memref<512xi32, #tpu.memory_space<hbm>>
        %dma_wait3A_38 = tpu.memref_slice %arg4[%add3A_30] : memref<327680xi32, #tpu.memory_space<hbm>> -> memref<512xi32, #tpu.memory_space<hbm>>
        tpu.wait_dma2 semaphore(%run_scoped3A : memref<!tpu.dma_semaphore, #tpu.memory_space<semaphore_mem>>) src(%dma_wait3A_38 : memref<512xi32, #tpu.memory_space<hbm>>) dst(%arg8 : memref<512xi32, #tpu.memory_space<vmem>>)
        tpu.yield
      }) : () -> ()
      %dma_start3A = arith.constant 0 : i32
      %dma_start3A_31 = arith.constant 0 : i32
      %dma_start3A_32 = tpu.memref_slice %arg2[%dma_start3A, %dma_start3A_31] : memref<10000x64xf32, #tpu.memory_space<hbm>> -> memref<10000x64xf32, #tpu.memory_space<hbm>>
      tpu.enqueue_indirect_dma source(%dma_start3A_32 : memref<10000x64xf32, #tpu.memory_space<hbm>>) target(%arg9 : memref<512x64xf32, #tpu.memory_space<vmem>>) offsets(%arg7 : memref<512xi32, #tpu.memory_space<vmem>>) semaphore(%arg10 : memref<!tpu.dma_semaphore, #tpu.memory_space<semaphore_mem>>)
      %dma_wait3A = arith.constant 0 : i32
      %dma_wait3A_33 = arith.constant 0 : i32
      %dma_wait3A_34 = tpu.memref_slice %arg2[%dma_wait3A, %dma_wait3A_33] : memref<10000x64xf32, #tpu.memory_space<hbm>> -> memref<10000x64xf32, #tpu.memory_space<hbm>>
      tpu.wait_indirect_dma semaphore(%arg10 : memref<!tpu.dma_semaphore, #tpu.memory_space<semaphore_mem>>) src(%dma_wait3A_34 : memref<10000x64xf32, #tpu.memory_space<hbm>>) dst(%arg9 : memref<512x64xf32, #tpu.memory_space<vmem>>)
      "tpu.region"() ({
        %run_scoped3A = tpu.sem_alloc : memref<!tpu.dma_semaphore, #tpu.memory_space<semaphore_mem>>
        %dma_start3A_35 = arith.constant 0 : i32
        %dma_start3A_36 = arith.constant 0 : i32
        %dma_start3A_37 = tpu.memref_slice %arg6[%dma_start3A_35, %dma_start3A_36] : memref<10008x64xf32, #tpu.memory_space<vmem_shared>> -> memref<10008x64xf32, #tpu.memory_space<vmem_shared>>
        tpu.enqueue_indirect_dma source(%arg9 : memref<512x64xf32, #tpu.memory_space<vmem>>) target(%dma_start3A_37 : memref<10008x64xf32, #tpu.memory_space<vmem_shared>>) offsets(%arg8 : memref<512xi32, #tpu.memory_space<vmem>>) semaphore(%run_scoped3A : memref<!tpu.dma_semaphore, #tpu.memory_space<semaphore_mem>>) {add = true}
        %dma_wait3A_38 = arith.constant 0 : i32
        %dma_wait3A_39 = arith.constant 0 : i32
        %dma_wait3A_40 = tpu.memref_slice %arg6[%dma_wait3A_38, %dma_wait3A_39] : memref<10008x64xf32, #tpu.memory_space<vmem_shared>> -> memref<10008x64xf32, #tpu.memory_space<vmem_shared>>
        tpu.wait_indirect_dma semaphore(%run_scoped3A : memref<!tpu.dma_semaphore, #tpu.memory_space<semaphore_mem>>) src(%arg9 : memref<512x64xf32, #tpu.memory_space<vmem>>) dst(%dma_wait3A_40 : memref<10008x64xf32, #tpu.memory_space<vmem_shared>>)
        tpu.yield
      }) : () -> ()
    }
    %scan3A_15 = arith.constant 20 : i32
    %barrier3A_16 = arith.constant 0 : index
    tpu.barrier barrier_id(%barrier3A_16)
    %lt3A_17 = arith.constant 15 : i32
    %lt3A_18 = arith.cmpi slt, %arg1, %lt3A_17 : i32
    %convert_element_type3A_19 = arith.extui %lt3A_18 : i1 to i32
    %cond3A_20 = arith.constant 0 : i32
    %cond3A_21 = arith.cmpi ne, %convert_element_type3A_19, %cond3A_20 : i32
    scf.if %cond3A_21 {
      "tpu.region"() ({
        %run_scoped3A = tpu.sem_alloc : memref<!tpu.dma_semaphore, #tpu.memory_space<semaphore_mem>>
        %dma_start3A = arith.constant 0 : i32
        %dma_start3A_27 = tpu.memref_slice %arg5[%arg0, %mul3A_2, %dma_start3A] : memref<2x10000x64xf32, #tpu.memory_space<hbm>> -> memref<1x624x64xf32, #tpu.memory_space<hbm>>
        %dma_start3A_28 = tpu.memref_squeeze %dma_start3A_27 : memref<1x624x64xf32, #tpu.memory_space<hbm>> -> memref<624x64xf32, #tpu.memory_space<hbm>>
        %dma_start3A_29 = arith.constant 0 : i32
        %dma_start3A_30 = tpu.memref_slice %arg6[%mul3A_2, %dma_start3A_29] : memref<10008x64xf32, #tpu.memory_space<vmem_shared>> -> memref<624x64xf32, #tpu.memory_space<vmem_shared>>
        tpu.enqueue_dma source(%dma_start3A_30 : memref<624x64xf32, #tpu.memory_space<vmem_shared>>) target(%dma_start3A_28 : memref<624x64xf32, #tpu.memory_space<hbm>>) target_semaphore(%run_scoped3A : memref<!tpu.dma_semaphore, #tpu.memory_space<semaphore_mem>>)
        %dma_wait3A = arith.constant 0 : i32
        %dma_wait3A_31 = tpu.memref_slice %arg5[%arg0, %mul3A_2, %dma_wait3A] : memref<2x10000x64xf32, #tpu.memory_space<hbm>> -> memref<1x624x64xf32, #tpu.memory_space<hbm>>
        %dma_wait3A_32 = tpu.memref_squeeze %dma_wait3A_31 : memref<1x624x64xf32, #tpu.memory_space<hbm>> -> memref<624x64xf32, #tpu.memory_space<hbm>>
        %dma_wait3A_33 = arith.constant 0 : i32
        %dma_wait3A_34 = tpu.memref_slice %arg6[%mul3A_2, %dma_wait3A_33] : memref<10008x64xf32, #tpu.memory_space<vmem_shared>> -> memref<624x64xf32, #tpu.memory_space<vmem_shared>>
        tpu.wait_dma2 semaphore(%run_scoped3A : memref<!tpu.dma_semaphore, #tpu.memory_space<semaphore_mem>>) src(%dma_wait3A_34 : memref<624x64xf32, #tpu.memory_space<vmem_shared>>) dst(%dma_wait3A_32 : memref<624x64xf32, #tpu.memory_space<hbm>>)
        tpu.yield
      }) : () -> ()
    } else {
    }
    %eq3A_22 = arith.constant 15 : i32
    %eq3A_23 = arith.cmpi eq, %arg1, %eq3A_22 : i32
    %convert_element_type3A_24 = arith.extui %eq3A_23 : i1 to i32
    %cond3A_25 = arith.constant 0 : i32
    %cond3A_26 = arith.cmpi ne, %convert_element_type3A_24, %cond3A_25 : i32
    scf.if %cond3A_26 {
      "tpu.region"() ({
        %run_scoped3A = tpu.sem_alloc : memref<!tpu.dma_semaphore, #tpu.memory_space<semaphore_mem>>
        %dma_start3A = arith.constant 9360 : i32
        %dma_start3A_27 = arith.constant 0 : i32
        %dma_start3A_28 = tpu.memref_slice %arg5[%arg0, %dma_start3A, %dma_start3A_27] : memref<2x10000x64xf32, #tpu.memory_space<hbm>> -> memref<1x640x64xf32, #tpu.memory_space<hbm>>
        %dma_start3A_29 = tpu.memref_squeeze %dma_start3A_28 : memref<1x640x64xf32, #tpu.memory_space<hbm>> -> memref<640x64xf32, #tpu.memory_space<hbm>>
        %dma_start3A_30 = arith.constant 9360 : i32
        %dma_start3A_31 = arith.constant 0 : i32
        %dma_start3A_32 = tpu.memref_slice %arg6[%dma_start3A_30, %dma_start3A_31] : memref<10008x64xf32, #tpu.memory_space<vmem_shared>> -> memref<640x64xf32, #tpu.memory_space<vmem_shared>>
        tpu.enqueue_dma source(%dma_start3A_32 : memref<640x64xf32, #tpu.memory_space<vmem_shared>>) target(%dma_start3A_29 : memref<640x64xf32, #tpu.memory_space<hbm>>) target_semaphore(%run_scoped3A : memref<!tpu.dma_semaphore, #tpu.memory_space<semaphore_mem>>)
        %dma_wait3A = arith.constant 9360 : i32
        %dma_wait3A_33 = arith.constant 0 : i32
        %dma_wait3A_34 = tpu.memref_slice %arg5[%arg0, %dma_wait3A, %dma_wait3A_33] : memref<2x10000x64xf32, #tpu.memory_space<hbm>> -> memref<1x640x64xf32, #tpu.memory_space<hbm>>
        %dma_wait3A_35 = tpu.memref_squeeze %dma_wait3A_34 : memref<1x640x64xf32, #tpu.memory_space<hbm>> -> memref<640x64xf32, #tpu.memory_space<hbm>>
        %dma_wait3A_36 = arith.constant 9360 : i32
        %dma_wait3A_37 = arith.constant 0 : i32
        %dma_wait3A_38 = tpu.memref_slice %arg6[%dma_wait3A_36, %dma_wait3A_37] : memref<10008x64xf32, #tpu.memory_space<vmem_shared>> -> memref<640x64xf32, #tpu.memory_space<vmem_shared>>
        tpu.wait_dma2 semaphore(%run_scoped3A : memref<!tpu.dma_semaphore, #tpu.memory_space<semaphore_mem>>) src(%dma_wait3A_38 : memref<640x64xf32, #tpu.memory_space<vmem_shared>>) dst(%dma_wait3A_35 : memref<640x64xf32, #tpu.memory_space<hbm>>)
        tpu.yield
      }) : () -> ()
    } else {
    }
    return
  }
}

#map = affine_map<(d0, d1) -> (0, 0)>
#map1 = affine_map<(d0, d1) -> (0)>
#map2 = affine_map<(d0, d1) -> (0, 0, 0)>
module attributes {stable_mosaic.version = 14 : i64} {
  func.func @scatter_add(%arg0: i32, %arg1: i32, %arg2: memref<10000x16xf32, #tpu.memory_space<hbm>>, %arg3: memref<327680xi32, #tpu.memory_space<hbm>>, %arg4: memref<327680xi32, #tpu.memory_space<hbm>>, %arg5: memref<2x10000x16xf32, #tpu.memory_space<hbm>>, %arg6: memref<10008x16xf32, #tpu.memory_space<vmem_shared>>, %arg7: memref<512xi32, #tpu.memory_space<vmem>>, %arg8: memref<512xi32, #tpu.memory_space<vmem>>, %arg9: memref<512x16xf32, #tpu.memory_space<vmem>>, %arg10: memref<!tpu.dma_semaphore, #tpu.memory_space<semaphore_mem>>) attributes {dimension_semantics = [#tpu.dimension_semantics<core_parallel>, #tpu.dimension_semantics<subcore_parallel>], iteration_bounds = array<i64: 2, 16>, scalar_prefetch = 0 : i64, scratch_operands = 5 : i64, tpu.core_type = #tpu.core_type<sc_vector_subcore>, window_params = [{transform_indices = #map}, {transform_indices = #map1}, {transform_indices = #map1}, {transform_indices = #map2}]} {
    %mul3A = arith.constant 16 : i32
    %mul3A_0 = arith.muli %arg0, %mul3A : i32
    %add3A = arith.addi %mul3A_0, %arg1 : i32
    %mul3A_1 = arith.constant 624 : i32
    %mul3A_2 = arith.muli %arg1, %mul3A_1 : i32
    %lt3A = arith.constant 15 : i32
    %lt3A_3 = arith.cmpi slt, %arg1, %lt3A : i32
    %convert_element_type3A = arith.extui %lt3A_3 : i1 to i32
    %cond3A = arith.constant 0 : i32
    %cond3A_4 = arith.cmpi ne, %convert_element_type3A, %cond3A : i32
    scf.if %cond3A_4 {
      "tpu.region"() ({
        %run_scoped3A = tpu.sem_alloc : memref<!tpu.dma_semaphore, #tpu.memory_space<semaphore_mem>>
        %dma_start3A = arith.constant 0 : i32
        %dma_start3A_27 = tpu.memref_slice %arg6[%mul3A_2, %dma_start3A] : memref<10008x16xf32, #tpu.memory_space<vmem_shared>> -> memref<624x16xf32, #tpu.memory_space<vmem_shared>>
        %dma_start3A_28 = arith.constant 0 : i32
        %dma_start3A_29 = tpu.memref_slice %arg2[%mul3A_2, %dma_start3A_28] : memref<10000x16xf32, #tpu.memory_space<hbm>> -> memref<624x16xf32, #tpu.memory_space<hbm>>
        tpu.enqueue_dma source(%dma_start3A_29 : memref<624x16xf32, #tpu.memory_space<hbm>>) target(%dma_start3A_27 : memref<624x16xf32, #tpu.memory_space<vmem_shared>>) target_semaphore(%run_scoped3A : memref<!tpu.dma_semaphore, #tpu.memory_space<semaphore_mem>>)
        %dma_wait3A = arith.constant 0 : i32
        %dma_wait3A_30 = tpu.memref_slice %arg6[%mul3A_2, %dma_wait3A] : memref<10008x16xf32, #tpu.memory_space<vmem_shared>> -> memref<624x16xf32, #tpu.memory_space<vmem_shared>>
        %dma_wait3A_31 = arith.constant 0 : i32
        %dma_wait3A_32 = tpu.memref_slice %arg2[%mul3A_2, %dma_wait3A_31] : memref<10000x16xf32, #tpu.memory_space<hbm>> -> memref<624x16xf32, #tpu.memory_space<hbm>>
        tpu.wait_dma2 semaphore(%run_scoped3A : memref<!tpu.dma_semaphore, #tpu.memory_space<semaphore_mem>>) src(%dma_wait3A_32 : memref<624x16xf32, #tpu.memory_space<hbm>>) dst(%dma_wait3A_30 : memref<624x16xf32, #tpu.memory_space<vmem_shared>>)
        tpu.yield
      }) : () -> ()
    } else {
    }
    %eq3A = arith.constant 15 : i32
    %eq3A_5 = arith.cmpi eq, %arg1, %eq3A : i32
    %convert_element_type3A_6 = arith.extui %eq3A_5 : i1 to i32
    %cond3A_7 = arith.constant 0 : i32
    %cond3A_8 = arith.cmpi ne, %convert_element_type3A_6, %cond3A_7 : i32
    scf.if %cond3A_8 {
      "tpu.region"() ({
        %run_scoped3A = tpu.sem_alloc : memref<!tpu.dma_semaphore, #tpu.memory_space<semaphore_mem>>
        %dma_start3A = arith.constant 9360 : i32
        %dma_start3A_27 = arith.constant 0 : i32
        %dma_start3A_28 = tpu.memref_slice %arg6[%dma_start3A, %dma_start3A_27] : memref<10008x16xf32, #tpu.memory_space<vmem_shared>> -> memref<640x16xf32, #tpu.memory_space<vmem_shared>>
        %dma_start3A_29 = arith.constant 9360 : i32
        %dma_start3A_30 = arith.constant 0 : i32
        %dma_start3A_31 = tpu.memref_slice %arg2[%dma_start3A_29, %dma_start3A_30] : memref<10000x16xf32, #tpu.memory_space<hbm>> -> memref<640x16xf32, #tpu.memory_space<hbm>>
        tpu.enqueue_dma source(%dma_start3A_31 : memref<640x16xf32, #tpu.memory_space<hbm>>) target(%dma_start3A_28 : memref<640x16xf32, #tpu.memory_space<vmem_shared>>) target_semaphore(%run_scoped3A : memref<!tpu.dma_semaphore, #tpu.memory_space<semaphore_mem>>)
        %dma_wait3A = arith.constant 9360 : i32
        %dma_wait3A_32 = arith.constant 0 : i32
        %dma_wait3A_33 = tpu.memref_slice %arg6[%dma_wait3A, %dma_wait3A_32] : memref<10008x16xf32, #tpu.memory_space<vmem_shared>> -> memref<640x16xf32, #tpu.memory_space<vmem_shared>>
        %dma_wait3A_34 = arith.constant 9360 : i32
        %dma_wait3A_35 = arith.constant 0 : i32
        %dma_wait3A_36 = tpu.memref_slice %arg2[%dma_wait3A_34, %dma_wait3A_35] : memref<10000x16xf32, #tpu.memory_space<hbm>> -> memref<640x16xf32, #tpu.memory_space<hbm>>
        tpu.wait_dma2 semaphore(%run_scoped3A : memref<!tpu.dma_semaphore, #tpu.memory_space<semaphore_mem>>) src(%dma_wait3A_36 : memref<640x16xf32, #tpu.memory_space<hbm>>) dst(%dma_wait3A_33 : memref<640x16xf32, #tpu.memory_space<vmem_shared>>)
        tpu.yield
      }) : () -> ()
    } else {
    }
    %barrier3A = arith.constant 0 : index
    tpu.barrier barrier_id(%barrier3A)
    %mul3A_9 = arith.constant 10240 : i32
    %mul3A_10 = arith.muli %add3A, %mul3A_9 : i32
    %scan3A = arith.constant 0 : i32
    %scan3A_11 = arith.constant 0 : i32
    %scan3A_12 = arith.constant 20 : i32
    %scan3A_13 = arith.addi %scan3A_11, %scan3A_12 : i32
    %scan3A_14 = arith.constant 1 : i32
    scf.for %scan3A_27 = %scan3A_11 to %scan3A_13 step %scan3A_14  : i32 {
      %mul3A_28 = arith.constant 512 : i32
      %mul3A_29 = arith.muli %scan3A_27, %mul3A_28 : i32
      %add3A_30 = arith.addi %mul3A_10, %mul3A_29 : i32
      "tpu.region"() ({
        %run_scoped3A = tpu.sem_alloc : memref<!tpu.dma_semaphore, #tpu.memory_space<semaphore_mem>>
        %dma_start3A_35 = tpu.memref_slice %arg3[%add3A_30] : memref<327680xi32, #tpu.memory_space<hbm>> -> memref<512xi32, #tpu.memory_space<hbm>>
        %dma_start3A_36 = tpu.memref_slice %arg3[%add3A_30] : memref<327680xi32, #tpu.memory_space<hbm>> -> memref<512xi32, #tpu.memory_space<hbm>>
        tpu.enqueue_dma source(%dma_start3A_36 : memref<512xi32, #tpu.memory_space<hbm>>) target(%arg7 : memref<512xi32, #tpu.memory_space<vmem>>) target_semaphore(%run_scoped3A : memref<!tpu.dma_semaphore, #tpu.memory_space<semaphore_mem>>)
        %dma_wait3A_37 = tpu.memref_slice %arg3[%add3A_30] : memref<327680xi32, #tpu.memory_space<hbm>> -> memref<512xi32, #tpu.memory_space<hbm>>
        %dma_wait3A_38 = tpu.memref_slice %arg3[%add3A_30] : memref<327680xi32, #tpu.memory_space<hbm>> -> memref<512xi32, #tpu.memory_space<hbm>>
        tpu.wait_dma2 semaphore(%run_scoped3A : memref<!tpu.dma_semaphore, #tpu.memory_space<semaphore_mem>>) src(%dma_wait3A_38 : memref<512xi32, #tpu.memory_space<hbm>>) dst(%arg7 : memref<512xi32, #tpu.memory_space<vmem>>)
        tpu.yield
      }) : () -> ()
      "tpu.region"() ({
        %run_scoped3A = tpu.sem_alloc : memref<!tpu.dma_semaphore, #tpu.memory_space<semaphore_mem>>
        %dma_start3A_35 = tpu.memref_slice %arg4[%add3A_30] : memref<327680xi32, #tpu.memory_space<hbm>> -> memref<512xi32, #tpu.memory_space<hbm>>
        %dma_start3A_36 = tpu.memref_slice %arg4[%add3A_30] : memref<327680xi32, #tpu.memory_space<hbm>> -> memref<512xi32, #tpu.memory_space<hbm>>
        tpu.enqueue_dma source(%dma_start3A_36 : memref<512xi32, #tpu.memory_space<hbm>>) target(%arg8 : memref<512xi32, #tpu.memory_space<vmem>>) target_semaphore(%run_scoped3A : memref<!tpu.dma_semaphore, #tpu.memory_space<semaphore_mem>>)
        %dma_wait3A_37 = tpu.memref_slice %arg4[%add3A_30] : memref<327680xi32, #tpu.memory_space<hbm>> -> memref<512xi32, #tpu.memory_space<hbm>>
        %dma_wait3A_38 = tpu.memref_slice %arg4[%add3A_30] : memref<327680xi32, #tpu.memory_space<hbm>> -> memref<512xi32, #tpu.memory_space<hbm>>
        tpu.wait_dma2 semaphore(%run_scoped3A : memref<!tpu.dma_semaphore, #tpu.memory_space<semaphore_mem>>) src(%dma_wait3A_38 : memref<512xi32, #tpu.memory_space<hbm>>) dst(%arg8 : memref<512xi32, #tpu.memory_space<vmem>>)
        tpu.yield
      }) : () -> ()
      %dma_start3A = arith.constant 0 : i32
      %dma_start3A_31 = arith.constant 0 : i32
      %dma_start3A_32 = tpu.memref_slice %arg2[%dma_start3A, %dma_start3A_31] : memref<10000x16xf32, #tpu.memory_space<hbm>> -> memref<10000x16xf32, #tpu.memory_space<hbm>>
      tpu.enqueue_indirect_dma source(%dma_start3A_32 : memref<10000x16xf32, #tpu.memory_space<hbm>>) target(%arg9 : memref<512x16xf32, #tpu.memory_space<vmem>>) offsets(%arg7 : memref<512xi32, #tpu.memory_space<vmem>>) semaphore(%arg10 : memref<!tpu.dma_semaphore, #tpu.memory_space<semaphore_mem>>)
      %dma_wait3A = arith.constant 0 : i32
      %dma_wait3A_33 = arith.constant 0 : i32
      %dma_wait3A_34 = tpu.memref_slice %arg2[%dma_wait3A, %dma_wait3A_33] : memref<10000x16xf32, #tpu.memory_space<hbm>> -> memref<10000x16xf32, #tpu.memory_space<hbm>>
      tpu.wait_indirect_dma semaphore(%arg10 : memref<!tpu.dma_semaphore, #tpu.memory_space<semaphore_mem>>) src(%dma_wait3A_34 : memref<10000x16xf32, #tpu.memory_space<hbm>>) dst(%arg9 : memref<512x16xf32, #tpu.memory_space<vmem>>)
      "tpu.region"() ({
        %run_scoped3A = tpu.sem_alloc : memref<!tpu.dma_semaphore, #tpu.memory_space<semaphore_mem>>
        %dma_start3A_35 = arith.constant 0 : i32
        %dma_start3A_36 = arith.constant 0 : i32
        %dma_start3A_37 = tpu.memref_slice %arg6[%dma_start3A_35, %dma_start3A_36] : memref<10008x16xf32, #tpu.memory_space<vmem_shared>> -> memref<10008x16xf32, #tpu.memory_space<vmem_shared>>
        tpu.enqueue_indirect_dma source(%arg9 : memref<512x16xf32, #tpu.memory_space<vmem>>) target(%dma_start3A_37 : memref<10008x16xf32, #tpu.memory_space<vmem_shared>>) offsets(%arg8 : memref<512xi32, #tpu.memory_space<vmem>>) semaphore(%run_scoped3A : memref<!tpu.dma_semaphore, #tpu.memory_space<semaphore_mem>>) {add = true}
        %dma_wait3A_38 = arith.constant 0 : i32
        %dma_wait3A_39 = arith.constant 0 : i32
        %dma_wait3A_40 = tpu.memref_slice %arg6[%dma_wait3A_38, %dma_wait3A_39] : memref<10008x16xf32, #tpu.memory_space<vmem_shared>> -> memref<10008x16xf32, #tpu.memory_space<vmem_shared>>
        tpu.wait_indirect_dma semaphore(%run_scoped3A : memref<!tpu.dma_semaphore, #tpu.memory_space<semaphore_mem>>) src(%arg9 : memref<512x16xf32, #tpu.memory_space<vmem>>) dst(%dma_wait3A_40 : memref<10008x16xf32, #tpu.memory_space<vmem_shared>>)
        tpu.yield
      }) : () -> ()
    }
    %scan3A_15 = arith.constant 20 : i32
    %barrier3A_16 = arith.constant 0 : index
    tpu.barrier barrier_id(%barrier3A_16)
    %lt3A_17 = arith.constant 15 : i32
    %lt3A_18 = arith.cmpi slt, %arg1, %lt3A_17 : i32
    %convert_element_type3A_19 = arith.extui %lt3A_18 : i1 to i32
    %cond3A_20 = arith.constant 0 : i32
    %cond3A_21 = arith.cmpi ne, %convert_element_type3A_19, %cond3A_20 : i32
    scf.if %cond3A_21 {
      "tpu.region"() ({
        %run_scoped3A = tpu.sem_alloc : memref<!tpu.dma_semaphore, #tpu.memory_space<semaphore_mem>>
        %dma_start3A = arith.constant 0 : i32
        %dma_start3A_27 = tpu.memref_slice %arg5[%arg0, %mul3A_2, %dma_start3A] : memref<2x10000x16xf32, #tpu.memory_space<hbm>> -> memref<1x624x16xf32, #tpu.memory_space<hbm>>
        %dma_start3A_28 = tpu.memref_squeeze %dma_start3A_27 : memref<1x624x16xf32, #tpu.memory_space<hbm>> -> memref<624x16xf32, #tpu.memory_space<hbm>>
        %dma_start3A_29 = arith.constant 0 : i32
        %dma_start3A_30 = tpu.memref_slice %arg6[%mul3A_2, %dma_start3A_29] : memref<10008x16xf32, #tpu.memory_space<vmem_shared>> -> memref<624x16xf32, #tpu.memory_space<vmem_shared>>
        tpu.enqueue_dma source(%dma_start3A_30 : memref<624x16xf32, #tpu.memory_space<vmem_shared>>) target(%dma_start3A_28 : memref<624x16xf32, #tpu.memory_space<hbm>>) target_semaphore(%run_scoped3A : memref<!tpu.dma_semaphore, #tpu.memory_space<semaphore_mem>>)
        %dma_wait3A = arith.constant 0 : i32
        %dma_wait3A_31 = tpu.memref_slice %arg5[%arg0, %mul3A_2, %dma_wait3A] : memref<2x10000x16xf32, #tpu.memory_space<hbm>> -> memref<1x624x16xf32, #tpu.memory_space<hbm>>
        %dma_wait3A_32 = tpu.memref_squeeze %dma_wait3A_31 : memref<1x624x16xf32, #tpu.memory_space<hbm>> -> memref<624x16xf32, #tpu.memory_space<hbm>>
        %dma_wait3A_33 = arith.constant 0 : i32
        %dma_wait3A_34 = tpu.memref_slice %arg6[%mul3A_2, %dma_wait3A_33] : memref<10008x16xf32, #tpu.memory_space<vmem_shared>> -> memref<624x16xf32, #tpu.memory_space<vmem_shared>>
        tpu.wait_dma2 semaphore(%run_scoped3A : memref<!tpu.dma_semaphore, #tpu.memory_space<semaphore_mem>>) src(%dma_wait3A_34 : memref<624x16xf32, #tpu.memory_space<vmem_shared>>) dst(%dma_wait3A_32 : memref<624x16xf32, #tpu.memory_space<hbm>>)
        tpu.yield
      }) : () -> ()
    } else {
    }
    %eq3A_22 = arith.constant 15 : i32
    %eq3A_23 = arith.cmpi eq, %arg1, %eq3A_22 : i32
    %convert_element_type3A_24 = arith.extui %eq3A_23 : i1 to i32
    %cond3A_25 = arith.constant 0 : i32
    %cond3A_26 = arith.cmpi ne, %convert_element_type3A_24, %cond3A_25 : i32
    scf.if %cond3A_26 {
      "tpu.region"() ({
        %run_scoped3A = tpu.sem_alloc : memref<!tpu.dma_semaphore, #tpu.memory_space<semaphore_mem>>
        %dma_start3A = arith.constant 9360 : i32
        %dma_start3A_27 = arith.constant 0 : i32
        %dma_start3A_28 = tpu.memref_slice %arg5[%arg0, %dma_start3A, %dma_start3A_27] : memref<2x10000x16xf32, #tpu.memory_space<hbm>> -> memref<1x640x16xf32, #tpu.memory_space<hbm>>
        %dma_start3A_29 = tpu.memref_squeeze %dma_start3A_28 : memref<1x640x16xf32, #tpu.memory_space<hbm>> -> memref<640x16xf32, #tpu.memory_space<hbm>>
        %dma_start3A_30 = arith.constant 9360 : i32
        %dma_start3A_31 = arith.constant 0 : i32
        %dma_start3A_32 = tpu.memref_slice %arg6[%dma_start3A_30, %dma_start3A_31] : memref<10008x16xf32, #tpu.memory_space<vmem_shared>> -> memref<640x16xf32, #tpu.memory_space<vmem_shared>>
        tpu.enqueue_dma source(%dma_start3A_32 : memref<640x16xf32, #tpu.memory_space<vmem_shared>>) target(%dma_start3A_29 : memref<640x16xf32, #tpu.memory_space<hbm>>) target_semaphore(%run_scoped3A : memref<!tpu.dma_semaphore, #tpu.memory_space<semaphore_mem>>)
        %dma_wait3A = arith.constant 9360 : i32
        %dma_wait3A_33 = arith.constant 0 : i32
        %dma_wait3A_34 = tpu.memref_slice %arg5[%arg0, %dma_wait3A, %dma_wait3A_33] : memref<2x10000x16xf32, #tpu.memory_space<hbm>> -> memref<1x640x16xf32, #tpu.memory_space<hbm>>
        %dma_wait3A_35 = tpu.memref_squeeze %dma_wait3A_34 : memref<1x640x16xf32, #tpu.memory_space<hbm>> -> memref<640x16xf32, #tpu.memory_space<hbm>>
        %dma_wait3A_36 = arith.constant 9360 : i32
        %dma_wait3A_37 = arith.constant 0 : i32
        %dma_wait3A_38 = tpu.memref_slice %arg6[%dma_wait3A_36, %dma_wait3A_37] : memref<10008x16xf32, #tpu.memory_space<vmem_shared>> -> memref<640x16xf32, #tpu.memory_space<vmem_shared>>
        tpu.wait_dma2 semaphore(%run_scoped3A : memref<!tpu.dma_semaphore, #tpu.memory_space<semaphore_mem>>) src(%dma_wait3A_38 : memref<640x16xf32, #tpu.memory_space<vmem_shared>>) dst(%dma_wait3A_35 : memref<640x16xf32, #tpu.memory_space<hbm>>)
        tpu.yield
      }) : () -> ()
    } else {
    }
    return
  }
}

#map = affine_map<(d0, d1) -> (0, 0)>
#map1 = affine_map<(d0, d1) -> (0)>
#map2 = affine_map<(d0, d1) -> (0, 0, 0)>
module attributes {stable_mosaic.version = 14 : i64} {
  func.func @scatter_add(%arg0: i32, %arg1: i32, %arg2: memref<10000x64xf32, #tpu.memory_space<hbm>>, %arg3: memref<327680xi32, #tpu.memory_space<hbm>>, %arg4: memref<327680xi32, #tpu.memory_space<hbm>>, %arg5: memref<2x10000x64xf32, #tpu.memory_space<hbm>>, %arg6: memref<10008x64xf32, #tpu.memory_space<vmem_shared>>, %arg7: memref<512xi32, #tpu.memory_space<vmem>>, %arg8: memref<512xi32, #tpu.memory_space<vmem>>, %arg9: memref<512x64xf32, #tpu.memory_space<vmem>>, %arg10: memref<!tpu.dma_semaphore, #tpu.memory_space<semaphore_mem>>) attributes {dimension_semantics = [#tpu.dimension_semantics<core_parallel>, #tpu.dimension_semantics<subcore_parallel>], iteration_bounds = array<i64: 2, 16>, scalar_prefetch = 0 : i64, scratch_operands = 5 : i64, tpu.core_type = #tpu.core_type<sc_vector_subcore>, window_params = [{transform_indices = #map}, {transform_indices = #map1}, {transform_indices = #map1}, {transform_indices = #map2}]} {
    %mul3A = arith.constant 16 : i32
    %mul3A_0 = arith.muli %arg0, %mul3A : i32
    %add3A = arith.addi %mul3A_0, %arg1 : i32
    %mul3A_1 = arith.constant 624 : i32
    %mul3A_2 = arith.muli %arg1, %mul3A_1 : i32
    %lt3A = arith.constant 15 : i32
    %lt3A_3 = arith.cmpi slt, %arg1, %lt3A : i32
    %convert_element_type3A = arith.extui %lt3A_3 : i1 to i32
    %cond3A = arith.constant 0 : i32
    %cond3A_4 = arith.cmpi ne, %convert_element_type3A, %cond3A : i32
    scf.if %cond3A_4 {
      "tpu.region"() ({
        %run_scoped3A = tpu.sem_alloc : memref<!tpu.dma_semaphore, #tpu.memory_space<semaphore_mem>>
        %dma_start3A = arith.constant 0 : i32
        %dma_start3A_27 = tpu.memref_slice %arg6[%mul3A_2, %dma_start3A] : memref<10008x64xf32, #tpu.memory_space<vmem_shared>> -> memref<624x64xf32, #tpu.memory_space<vmem_shared>>
        %dma_start3A_28 = arith.constant 0 : i32
        %dma_start3A_29 = tpu.memref_slice %arg2[%mul3A_2, %dma_start3A_28] : memref<10000x64xf32, #tpu.memory_space<hbm>> -> memref<624x64xf32, #tpu.memory_space<hbm>>
        tpu.enqueue_dma source(%dma_start3A_29 : memref<624x64xf32, #tpu.memory_space<hbm>>) target(%dma_start3A_27 : memref<624x64xf32, #tpu.memory_space<vmem_shared>>) target_semaphore(%run_scoped3A : memref<!tpu.dma_semaphore, #tpu.memory_space<semaphore_mem>>)
        %dma_wait3A = arith.constant 0 : i32
        %dma_wait3A_30 = tpu.memref_slice %arg6[%mul3A_2, %dma_wait3A] : memref<10008x64xf32, #tpu.memory_space<vmem_shared>> -> memref<624x64xf32, #tpu.memory_space<vmem_shared>>
        %dma_wait3A_31 = arith.constant 0 : i32
        %dma_wait3A_32 = tpu.memref_slice %arg2[%mul3A_2, %dma_wait3A_31] : memref<10000x64xf32, #tpu.memory_space<hbm>> -> memref<624x64xf32, #tpu.memory_space<hbm>>
        tpu.wait_dma2 semaphore(%run_scoped3A : memref<!tpu.dma_semaphore, #tpu.memory_space<semaphore_mem>>) src(%dma_wait3A_32 : memref<624x64xf32, #tpu.memory_space<hbm>>) dst(%dma_wait3A_30 : memref<624x64xf32, #tpu.memory_space<vmem_shared>>)
        tpu.yield
      }) : () -> ()
    } else {
    }
    %eq3A = arith.constant 15 : i32
    %eq3A_5 = arith.cmpi eq, %arg1, %eq3A : i32
    %convert_element_type3A_6 = arith.extui %eq3A_5 : i1 to i32
    %cond3A_7 = arith.constant 0 : i32
    %cond3A_8 = arith.cmpi ne, %convert_element_type3A_6, %cond3A_7 : i32
    scf.if %cond3A_8 {
      "tpu.region"() ({
        %run_scoped3A = tpu.sem_alloc : memref<!tpu.dma_semaphore, #tpu.memory_space<semaphore_mem>>
        %dma_start3A = arith.constant 9360 : i32
        %dma_start3A_27 = arith.constant 0 : i32
        %dma_start3A_28 = tpu.memref_slice %arg6[%dma_start3A, %dma_start3A_27] : memref<10008x64xf32, #tpu.memory_space<vmem_shared>> -> memref<640x64xf32, #tpu.memory_space<vmem_shared>>
        %dma_start3A_29 = arith.constant 9360 : i32
        %dma_start3A_30 = arith.constant 0 : i32
        %dma_start3A_31 = tpu.memref_slice %arg2[%dma_start3A_29, %dma_start3A_30] : memref<10000x64xf32, #tpu.memory_space<hbm>> -> memref<640x64xf32, #tpu.memory_space<hbm>>
        tpu.enqueue_dma source(%dma_start3A_31 : memref<640x64xf32, #tpu.memory_space<hbm>>) target(%dma_start3A_28 : memref<640x64xf32, #tpu.memory_space<vmem_shared>>) target_semaphore(%run_scoped3A : memref<!tpu.dma_semaphore, #tpu.memory_space<semaphore_mem>>)
        %dma_wait3A = arith.constant 9360 : i32
        %dma_wait3A_32 = arith.constant 0 : i32
        %dma_wait3A_33 = tpu.memref_slice %arg6[%dma_wait3A, %dma_wait3A_32] : memref<10008x64xf32, #tpu.memory_space<vmem_shared>> -> memref<640x64xf32, #tpu.memory_space<vmem_shared>>
        %dma_wait3A_34 = arith.constant 9360 : i32
        %dma_wait3A_35 = arith.constant 0 : i32
        %dma_wait3A_36 = tpu.memref_slice %arg2[%dma_wait3A_34, %dma_wait3A_35] : memref<10000x64xf32, #tpu.memory_space<hbm>> -> memref<640x64xf32, #tpu.memory_space<hbm>>
        tpu.wait_dma2 semaphore(%run_scoped3A : memref<!tpu.dma_semaphore, #tpu.memory_space<semaphore_mem>>) src(%dma_wait3A_36 : memref<640x64xf32, #tpu.memory_space<hbm>>) dst(%dma_wait3A_33 : memref<640x64xf32, #tpu.memory_space<vmem_shared>>)
        tpu.yield
      }) : () -> ()
    } else {
    }
    %barrier3A = arith.constant 0 : index
    tpu.barrier barrier_id(%barrier3A)
    %mul3A_9 = arith.constant 10240 : i32
    %mul3A_10 = arith.muli %add3A, %mul3A_9 : i32
    %scan3A = arith.constant 0 : i32
    %scan3A_11 = arith.constant 0 : i32
    %scan3A_12 = arith.constant 20 : i32
    %scan3A_13 = arith.addi %scan3A_11, %scan3A_12 : i32
    %scan3A_14 = arith.constant 1 : i32
    scf.for %scan3A_27 = %scan3A_11 to %scan3A_13 step %scan3A_14  : i32 {
      %mul3A_28 = arith.constant 512 : i32
      %mul3A_29 = arith.muli %scan3A_27, %mul3A_28 : i32
      %add3A_30 = arith.addi %mul3A_10, %mul3A_29 : i32
      "tpu.region"() ({
        %run_scoped3A = tpu.sem_alloc : memref<!tpu.dma_semaphore, #tpu.memory_space<semaphore_mem>>
        %dma_start3A_35 = tpu.memref_slice %arg3[%add3A_30] : memref<327680xi32, #tpu.memory_space<hbm>> -> memref<512xi32, #tpu.memory_space<hbm>>
        %dma_start3A_36 = tpu.memref_slice %arg3[%add3A_30] : memref<327680xi32, #tpu.memory_space<hbm>> -> memref<512xi32, #tpu.memory_space<hbm>>
        tpu.enqueue_dma source(%dma_start3A_36 : memref<512xi32, #tpu.memory_space<hbm>>) target(%arg7 : memref<512xi32, #tpu.memory_space<vmem>>) target_semaphore(%run_scoped3A : memref<!tpu.dma_semaphore, #tpu.memory_space<semaphore_mem>>)
        %dma_wait3A_37 = tpu.memref_slice %arg3[%add3A_30] : memref<327680xi32, #tpu.memory_space<hbm>> -> memref<512xi32, #tpu.memory_space<hbm>>
        %dma_wait3A_38 = tpu.memref_slice %arg3[%add3A_30] : memref<327680xi32, #tpu.memory_space<hbm>> -> memref<512xi32, #tpu.memory_space<hbm>>
        tpu.wait_dma2 semaphore(%run_scoped3A : memref<!tpu.dma_semaphore, #tpu.memory_space<semaphore_mem>>) src(%dma_wait3A_38 : memref<512xi32, #tpu.memory_space<hbm>>) dst(%arg7 : memref<512xi32, #tpu.memory_space<vmem>>)
        tpu.yield
      }) : () -> ()
      "tpu.region"() ({
        %run_scoped3A = tpu.sem_alloc : memref<!tpu.dma_semaphore, #tpu.memory_space<semaphore_mem>>
        %dma_start3A_35 = tpu.memref_slice %arg4[%add3A_30] : memref<327680xi32, #tpu.memory_space<hbm>> -> memref<512xi32, #tpu.memory_space<hbm>>
        %dma_start3A_36 = tpu.memref_slice %arg4[%add3A_30] : memref<327680xi32, #tpu.memory_space<hbm>> -> memref<512xi32, #tpu.memory_space<hbm>>
        tpu.enqueue_dma source(%dma_start3A_36 : memref<512xi32, #tpu.memory_space<hbm>>) target(%arg8 : memref<512xi32, #tpu.memory_space<vmem>>) target_semaphore(%run_scoped3A : memref<!tpu.dma_semaphore, #tpu.memory_space<semaphore_mem>>)
        %dma_wait3A_37 = tpu.memref_slice %arg4[%add3A_30] : memref<327680xi32, #tpu.memory_space<hbm>> -> memref<512xi32, #tpu.memory_space<hbm>>
        %dma_wait3A_38 = tpu.memref_slice %arg4[%add3A_30] : memref<327680xi32, #tpu.memory_space<hbm>> -> memref<512xi32, #tpu.memory_space<hbm>>
        tpu.wait_dma2 semaphore(%run_scoped3A : memref<!tpu.dma_semaphore, #tpu.memory_space<semaphore_mem>>) src(%dma_wait3A_38 : memref<512xi32, #tpu.memory_space<hbm>>) dst(%arg8 : memref<512xi32, #tpu.memory_space<vmem>>)
        tpu.yield
      }) : () -> ()
      %dma_start3A = arith.constant 0 : i32
      %dma_start3A_31 = arith.constant 0 : i32
      %dma_start3A_32 = tpu.memref_slice %arg2[%dma_start3A, %dma_start3A_31] : memref<10000x64xf32, #tpu.memory_space<hbm>> -> memref<10000x64xf32, #tpu.memory_space<hbm>>
      tpu.enqueue_indirect_dma source(%dma_start3A_32 : memref<10000x64xf32, #tpu.memory_space<hbm>>) target(%arg9 : memref<512x64xf32, #tpu.memory_space<vmem>>) offsets(%arg7 : memref<512xi32, #tpu.memory_space<vmem>>) semaphore(%arg10 : memref<!tpu.dma_semaphore, #tpu.memory_space<semaphore_mem>>)
      %dma_wait3A = arith.constant 0 : i32
      %dma_wait3A_33 = arith.constant 0 : i32
      %dma_wait3A_34 = tpu.memref_slice %arg2[%dma_wait3A, %dma_wait3A_33] : memref<10000x64xf32, #tpu.memory_space<hbm>> -> memref<10000x64xf32, #tpu.memory_space<hbm>>
      tpu.wait_indirect_dma semaphore(%arg10 : memref<!tpu.dma_semaphore, #tpu.memory_space<semaphore_mem>>) src(%dma_wait3A_34 : memref<10000x64xf32, #tpu.memory_space<hbm>>) dst(%arg9 : memref<512x64xf32, #tpu.memory_space<vmem>>)
      "tpu.region"() ({
        %run_scoped3A = tpu.sem_alloc : memref<!tpu.dma_semaphore, #tpu.memory_space<semaphore_mem>>
        %dma_start3A_35 = arith.constant 0 : i32
        %dma_start3A_36 = arith.constant 0 : i32
        %dma_start3A_37 = tpu.memref_slice %arg6[%dma_start3A_35, %dma_start3A_36] : memref<10008x64xf32, #tpu.memory_space<vmem_shared>> -> memref<10008x64xf32, #tpu.memory_space<vmem_shared>>
        tpu.enqueue_indirect_dma source(%arg9 : memref<512x64xf32, #tpu.memory_space<vmem>>) target(%dma_start3A_37 : memref<10008x64xf32, #tpu.memory_space<vmem_shared>>) offsets(%arg8 : memref<512xi32, #tpu.memory_space<vmem>>) semaphore(%run_scoped3A : memref<!tpu.dma_semaphore, #tpu.memory_space<semaphore_mem>>) {add = true}
        %dma_wait3A_38 = arith.constant 0 : i32
        %dma_wait3A_39 = arith.constant 0 : i32
        %dma_wait3A_40 = tpu.memref_slice %arg6[%dma_wait3A_38, %dma_wait3A_39] : memref<10008x64xf32, #tpu.memory_space<vmem_shared>> -> memref<10008x64xf32, #tpu.memory_space<vmem_shared>>
        tpu.wait_indirect_dma semaphore(%run_scoped3A : memref<!tpu.dma_semaphore, #tpu.memory_space<semaphore_mem>>) src(%arg9 : memref<512x64xf32, #tpu.memory_space<vmem>>) dst(%dma_wait3A_40 : memref<10008x64xf32, #tpu.memory_space<vmem_shared>>)
        tpu.yield
      }) : () -> ()
    }
    %scan3A_15 = arith.constant 20 : i32
    %barrier3A_16 = arith.constant 0 : index
    tpu.barrier barrier_id(%barrier3A_16)
    %lt3A_17 = arith.constant 15 : i32
    %lt3A_18 = arith.cmpi slt, %arg1, %lt3A_17 : i32
    %convert_element_type3A_19 = arith.extui %lt3A_18 : i1 to i32
    %cond3A_20 = arith.constant 0 : i32
    %cond3A_21 = arith.cmpi ne, %convert_element_type3A_19, %cond3A_20 : i32
    scf.if %cond3A_21 {
      "tpu.region"() ({
        %run_scoped3A = tpu.sem_alloc : memref<!tpu.dma_semaphore, #tpu.memory_space<semaphore_mem>>
        %dma_start3A = arith.constant 0 : i32
        %dma_start3A_27 = tpu.memref_slice %arg5[%arg0, %mul3A_2, %dma_start3A] : memref<2x10000x64xf32, #tpu.memory_space<hbm>> -> memref<1x624x64xf32, #tpu.memory_space<hbm>>
        %dma_start3A_28 = tpu.memref_squeeze %dma_start3A_27 : memref<1x624x64xf32, #tpu.memory_space<hbm>> -> memref<624x64xf32, #tpu.memory_space<hbm>>
        %dma_start3A_29 = arith.constant 0 : i32
        %dma_start3A_30 = tpu.memref_slice %arg6[%mul3A_2, %dma_start3A_29] : memref<10008x64xf32, #tpu.memory_space<vmem_shared>> -> memref<624x64xf32, #tpu.memory_space<vmem_shared>>
        tpu.enqueue_dma source(%dma_start3A_30 : memref<624x64xf32, #tpu.memory_space<vmem_shared>>) target(%dma_start3A_28 : memref<624x64xf32, #tpu.memory_space<hbm>>) target_semaphore(%run_scoped3A : memref<!tpu.dma_semaphore, #tpu.memory_space<semaphore_mem>>)
        %dma_wait3A = arith.constant 0 : i32
        %dma_wait3A_31 = tpu.memref_slice %arg5[%arg0, %mul3A_2, %dma_wait3A] : memref<2x10000x64xf32, #tpu.memory_space<hbm>> -> memref<1x624x64xf32, #tpu.memory_space<hbm>>
        %dma_wait3A_32 = tpu.memref_squeeze %dma_wait3A_31 : memref<1x624x64xf32, #tpu.memory_space<hbm>> -> memref<624x64xf32, #tpu.memory_space<hbm>>
        %dma_wait3A_33 = arith.constant 0 : i32
        %dma_wait3A_34 = tpu.memref_slice %arg6[%mul3A_2, %dma_wait3A_33] : memref<10008x64xf32, #tpu.memory_space<vmem_shared>> -> memref<624x64xf32, #tpu.memory_space<vmem_shared>>
        tpu.wait_dma2 semaphore(%run_scoped3A : memref<!tpu.dma_semaphore, #tpu.memory_space<semaphore_mem>>) src(%dma_wait3A_34 : memref<624x64xf32, #tpu.memory_space<vmem_shared>>) dst(%dma_wait3A_32 : memref<624x64xf32, #tpu.memory_space<hbm>>)
        tpu.yield
      }) : () -> ()
    } else {
    }
    %eq3A_22 = arith.constant 15 : i32
    %eq3A_23 = arith.cmpi eq, %arg1, %eq3A_22 : i32
    %convert_element_type3A_24 = arith.extui %eq3A_23 : i1 to i32
    %cond3A_25 = arith.constant 0 : i32
    %cond3A_26 = arith.cmpi ne, %convert_element_type3A_24, %cond3A_25 : i32
    scf.if %cond3A_26 {
      "tpu.region"() ({
        %run_scoped3A = tpu.sem_alloc : memref<!tpu.dma_semaphore, #tpu.memory_space<semaphore_mem>>
        %dma_start3A = arith.constant 9360 : i32
        %dma_start3A_27 = arith.constant 0 : i32
        %dma_start3A_28 = tpu.memref_slice %arg5[%arg0, %dma_start3A, %dma_start3A_27] : memref<2x10000x64xf32, #tpu.memory_space<hbm>> -> memref<1x640x64xf32, #tpu.memory_space<hbm>>
        %dma_start3A_29 = tpu.memref_squeeze %dma_start3A_28 : memref<1x640x64xf32, #tpu.memory_space<hbm>> -> memref<640x64xf32, #tpu.memory_space<hbm>>
        %dma_start3A_30 = arith.constant 9360 : i32
        %dma_start3A_31 = arith.constant 0 : i32
        %dma_start3A_32 = tpu.memref_slice %arg6[%dma_start3A_30, %dma_start3A_31] : memref<10008x64xf32, #tpu.memory_space<vmem_shared>> -> memref<640x64xf32, #tpu.memory_space<vmem_shared>>
        tpu.enqueue_dma source(%dma_start3A_32 : memref<640x64xf32, #tpu.memory_space<vmem_shared>>) target(%dma_start3A_29 : memref<640x64xf32, #tpu.memory_space<hbm>>) target_semaphore(%run_scoped3A : memref<!tpu.dma_semaphore, #tpu.memory_space<semaphore_mem>>)
        %dma_wait3A = arith.constant 9360 : i32
        %dma_wait3A_33 = arith.constant 0 : i32
        %dma_wait3A_34 = tpu.memref_slice %arg5[%arg0, %dma_wait3A, %dma_wait3A_33] : memref<2x10000x64xf32, #tpu.memory_space<hbm>> -> memref<1x640x64xf32, #tpu.memory_space<hbm>>
        %dma_wait3A_35 = tpu.memref_squeeze %dma_wait3A_34 : memref<1x640x64xf32, #tpu.memory_space<hbm>> -> memref<640x64xf32, #tpu.memory_space<hbm>>
        %dma_wait3A_36 = arith.constant 9360 : i32
        %dma_wait3A_37 = arith.constant 0 : i32
        %dma_wait3A_38 = tpu.memref_slice %arg6[%dma_wait3A_36, %dma_wait3A_37] : memref<10008x64xf32, #tpu.memory_space<vmem_shared>> -> memref<640x64xf32, #tpu.memory_space<vmem_shared>>
        tpu.wait_dma2 semaphore(%run_scoped3A : memref<!tpu.dma_semaphore, #tpu.memory_space<semaphore_mem>>) src(%dma_wait3A_38 : memref<640x64xf32, #tpu.memory_space<vmem_shared>>) dst(%dma_wait3A_35 : memref<640x64xf32, #tpu.memory_space<hbm>>)
        tpu.yield
      }) : () -> ()
    } else {
    }
    return
  }
}

#map = affine_map<(d0, d1) -> (0, 0)>
#map1 = affine_map<(d0, d1) -> (0)>
#map2 = affine_map<(d0, d1) -> (0, 0, 0)>
module attributes {stable_mosaic.version = 14 : i64} {
  func.func @scatter_add(%arg0: i32, %arg1: i32, %arg2: memref<10000x64xf32, #tpu.memory_space<hbm>>, %arg3: memref<327680xi32, #tpu.memory_space<hbm>>, %arg4: memref<327680xi32, #tpu.memory_space<hbm>>, %arg5: memref<2x10000x64xf32, #tpu.memory_space<hbm>>, %arg6: memref<10008x64xf32, #tpu.memory_space<vmem_shared>>, %arg7: memref<512xi32, #tpu.memory_space<vmem>>, %arg8: memref<512xi32, #tpu.memory_space<vmem>>, %arg9: memref<512x64xf32, #tpu.memory_space<vmem>>, %arg10: memref<!tpu.dma_semaphore, #tpu.memory_space<semaphore_mem>>) attributes {dimension_semantics = [#tpu.dimension_semantics<core_parallel>, #tpu.dimension_semantics<subcore_parallel>], iteration_bounds = array<i64: 2, 16>, scalar_prefetch = 0 : i64, scratch_operands = 5 : i64, tpu.core_type = #tpu.core_type<sc_vector_subcore>, window_params = [{transform_indices = #map}, {transform_indices = #map1}, {transform_indices = #map1}, {transform_indices = #map2}]} {
    %mul3A = arith.constant 16 : i32
    %mul3A_0 = arith.muli %arg0, %mul3A : i32
    %add3A = arith.addi %mul3A_0, %arg1 : i32
    %mul3A_1 = arith.constant 624 : i32
    %mul3A_2 = arith.muli %arg1, %mul3A_1 : i32
    %lt3A = arith.constant 15 : i32
    %lt3A_3 = arith.cmpi slt, %arg1, %lt3A : i32
    %convert_element_type3A = arith.extui %lt3A_3 : i1 to i32
    %cond3A = arith.constant 0 : i32
    %cond3A_4 = arith.cmpi ne, %convert_element_type3A, %cond3A : i32
    scf.if %cond3A_4 {
      "tpu.region"() ({
        %run_scoped3A = tpu.sem_alloc : memref<!tpu.dma_semaphore, #tpu.memory_space<semaphore_mem>>
        %dma_start3A = arith.constant 0 : i32
        %dma_start3A_27 = tpu.memref_slice %arg6[%mul3A_2, %dma_start3A] : memref<10008x64xf32, #tpu.memory_space<vmem_shared>> -> memref<624x64xf32, #tpu.memory_space<vmem_shared>>
        %dma_start3A_28 = arith.constant 0 : i32
        %dma_start3A_29 = tpu.memref_slice %arg2[%mul3A_2, %dma_start3A_28] : memref<10000x64xf32, #tpu.memory_space<hbm>> -> memref<624x64xf32, #tpu.memory_space<hbm>>
        tpu.enqueue_dma source(%dma_start3A_29 : memref<624x64xf32, #tpu.memory_space<hbm>>) target(%dma_start3A_27 : memref<624x64xf32, #tpu.memory_space<vmem_shared>>) target_semaphore(%run_scoped3A : memref<!tpu.dma_semaphore, #tpu.memory_space<semaphore_mem>>)
        %dma_wait3A = arith.constant 0 : i32
        %dma_wait3A_30 = tpu.memref_slice %arg6[%mul3A_2, %dma_wait3A] : memref<10008x64xf32, #tpu.memory_space<vmem_shared>> -> memref<624x64xf32, #tpu.memory_space<vmem_shared>>
        %dma_wait3A_31 = arith.constant 0 : i32
        %dma_wait3A_32 = tpu.memref_slice %arg2[%mul3A_2, %dma_wait3A_31] : memref<10000x64xf32, #tpu.memory_space<hbm>> -> memref<624x64xf32, #tpu.memory_space<hbm>>
        tpu.wait_dma2 semaphore(%run_scoped3A : memref<!tpu.dma_semaphore, #tpu.memory_space<semaphore_mem>>) src(%dma_wait3A_32 : memref<624x64xf32, #tpu.memory_space<hbm>>) dst(%dma_wait3A_30 : memref<624x64xf32, #tpu.memory_space<vmem_shared>>)
        tpu.yield
      }) : () -> ()
    } else {
    }
    %eq3A = arith.constant 15 : i32
    %eq3A_5 = arith.cmpi eq, %arg1, %eq3A : i32
    %convert_element_type3A_6 = arith.extui %eq3A_5 : i1 to i32
    %cond3A_7 = arith.constant 0 : i32
    %cond3A_8 = arith.cmpi ne, %convert_element_type3A_6, %cond3A_7 : i32
    scf.if %cond3A_8 {
      "tpu.region"() ({
        %run_scoped3A = tpu.sem_alloc : memref<!tpu.dma_semaphore, #tpu.memory_space<semaphore_mem>>
        %dma_start3A = arith.constant 9360 : i32
        %dma_start3A_27 = arith.constant 0 : i32
        %dma_start3A_28 = tpu.memref_slice %arg6[%dma_start3A, %dma_start3A_27] : memref<10008x64xf32, #tpu.memory_space<vmem_shared>> -> memref<640x64xf32, #tpu.memory_space<vmem_shared>>
        %dma_start3A_29 = arith.constant 9360 : i32
        %dma_start3A_30 = arith.constant 0 : i32
        %dma_start3A_31 = tpu.memref_slice %arg2[%dma_start3A_29, %dma_start3A_30] : memref<10000x64xf32, #tpu.memory_space<hbm>> -> memref<640x64xf32, #tpu.memory_space<hbm>>
        tpu.enqueue_dma source(%dma_start3A_31 : memref<640x64xf32, #tpu.memory_space<hbm>>) target(%dma_start3A_28 : memref<640x64xf32, #tpu.memory_space<vmem_shared>>) target_semaphore(%run_scoped3A : memref<!tpu.dma_semaphore, #tpu.memory_space<semaphore_mem>>)
        %dma_wait3A = arith.constant 9360 : i32
        %dma_wait3A_32 = arith.constant 0 : i32
        %dma_wait3A_33 = tpu.memref_slice %arg6[%dma_wait3A, %dma_wait3A_32] : memref<10008x64xf32, #tpu.memory_space<vmem_shared>> -> memref<640x64xf32, #tpu.memory_space<vmem_shared>>
        %dma_wait3A_34 = arith.constant 9360 : i32
        %dma_wait3A_35 = arith.constant 0 : i32
        %dma_wait3A_36 = tpu.memref_slice %arg2[%dma_wait3A_34, %dma_wait3A_35] : memref<10000x64xf32, #tpu.memory_space<hbm>> -> memref<640x64xf32, #tpu.memory_space<hbm>>
        tpu.wait_dma2 semaphore(%run_scoped3A : memref<!tpu.dma_semaphore, #tpu.memory_space<semaphore_mem>>) src(%dma_wait3A_36 : memref<640x64xf32, #tpu.memory_space<hbm>>) dst(%dma_wait3A_33 : memref<640x64xf32, #tpu.memory_space<vmem_shared>>)
        tpu.yield
      }) : () -> ()
    } else {
    }
    %barrier3A = arith.constant 0 : index
    tpu.barrier barrier_id(%barrier3A)
    %mul3A_9 = arith.constant 10240 : i32
    %mul3A_10 = arith.muli %add3A, %mul3A_9 : i32
    %scan3A = arith.constant 0 : i32
    %scan3A_11 = arith.constant 0 : i32
    %scan3A_12 = arith.constant 20 : i32
    %scan3A_13 = arith.addi %scan3A_11, %scan3A_12 : i32
    %scan3A_14 = arith.constant 1 : i32
    scf.for %scan3A_27 = %scan3A_11 to %scan3A_13 step %scan3A_14  : i32 {
      %mul3A_28 = arith.constant 512 : i32
      %mul3A_29 = arith.muli %scan3A_27, %mul3A_28 : i32
      %add3A_30 = arith.addi %mul3A_10, %mul3A_29 : i32
      "tpu.region"() ({
        %run_scoped3A = tpu.sem_alloc : memref<!tpu.dma_semaphore, #tpu.memory_space<semaphore_mem>>
        %dma_start3A_35 = tpu.memref_slice %arg3[%add3A_30] : memref<327680xi32, #tpu.memory_space<hbm>> -> memref<512xi32, #tpu.memory_space<hbm>>
        %dma_start3A_36 = tpu.memref_slice %arg3[%add3A_30] : memref<327680xi32, #tpu.memory_space<hbm>> -> memref<512xi32, #tpu.memory_space<hbm>>
        tpu.enqueue_dma source(%dma_start3A_36 : memref<512xi32, #tpu.memory_space<hbm>>) target(%arg7 : memref<512xi32, #tpu.memory_space<vmem>>) target_semaphore(%run_scoped3A : memref<!tpu.dma_semaphore, #tpu.memory_space<semaphore_mem>>)
        %dma_wait3A_37 = tpu.memref_slice %arg3[%add3A_30] : memref<327680xi32, #tpu.memory_space<hbm>> -> memref<512xi32, #tpu.memory_space<hbm>>
        %dma_wait3A_38 = tpu.memref_slice %arg3[%add3A_30] : memref<327680xi32, #tpu.memory_space<hbm>> -> memref<512xi32, #tpu.memory_space<hbm>>
        tpu.wait_dma2 semaphore(%run_scoped3A : memref<!tpu.dma_semaphore, #tpu.memory_space<semaphore_mem>>) src(%dma_wait3A_38 : memref<512xi32, #tpu.memory_space<hbm>>) dst(%arg7 : memref<512xi32, #tpu.memory_space<vmem>>)
        tpu.yield
      }) : () -> ()
      "tpu.region"() ({
        %run_scoped3A = tpu.sem_alloc : memref<!tpu.dma_semaphore, #tpu.memory_space<semaphore_mem>>
        %dma_start3A_35 = tpu.memref_slice %arg4[%add3A_30] : memref<327680xi32, #tpu.memory_space<hbm>> -> memref<512xi32, #tpu.memory_space<hbm>>
        %dma_start3A_36 = tpu.memref_slice %arg4[%add3A_30] : memref<327680xi32, #tpu.memory_space<hbm>> -> memref<512xi32, #tpu.memory_space<hbm>>
        tpu.enqueue_dma source(%dma_start3A_36 : memref<512xi32, #tpu.memory_space<hbm>>) target(%arg8 : memref<512xi32, #tpu.memory_space<vmem>>) target_semaphore(%run_scoped3A : memref<!tpu.dma_semaphore, #tpu.memory_space<semaphore_mem>>)
        %dma_wait3A_37 = tpu.memref_slice %arg4[%add3A_30] : memref<327680xi32, #tpu.memory_space<hbm>> -> memref<512xi32, #tpu.memory_space<hbm>>
        %dma_wait3A_38 = tpu.memref_slice %arg4[%add3A_30] : memref<327680xi32, #tpu.memory_space<hbm>> -> memref<512xi32, #tpu.memory_space<hbm>>
        tpu.wait_dma2 semaphore(%run_scoped3A : memref<!tpu.dma_semaphore, #tpu.memory_space<semaphore_mem>>) src(%dma_wait3A_38 : memref<512xi32, #tpu.memory_space<hbm>>) dst(%arg8 : memref<512xi32, #tpu.memory_space<vmem>>)
        tpu.yield
      }) : () -> ()
      %dma_start3A = arith.constant 0 : i32
      %dma_start3A_31 = arith.constant 0 : i32
      %dma_start3A_32 = tpu.memref_slice %arg2[%dma_start3A, %dma_start3A_31] : memref<10000x64xf32, #tpu.memory_space<hbm>> -> memref<10000x64xf32, #tpu.memory_space<hbm>>
      tpu.enqueue_indirect_dma source(%dma_start3A_32 : memref<10000x64xf32, #tpu.memory_space<hbm>>) target(%arg9 : memref<512x64xf32, #tpu.memory_space<vmem>>) offsets(%arg7 : memref<512xi32, #tpu.memory_space<vmem>>) semaphore(%arg10 : memref<!tpu.dma_semaphore, #tpu.memory_space<semaphore_mem>>)
      %dma_wait3A = arith.constant 0 : i32
      %dma_wait3A_33 = arith.constant 0 : i32
      %dma_wait3A_34 = tpu.memref_slice %arg2[%dma_wait3A, %dma_wait3A_33] : memref<10000x64xf32, #tpu.memory_space<hbm>> -> memref<10000x64xf32, #tpu.memory_space<hbm>>
      tpu.wait_indirect_dma semaphore(%arg10 : memref<!tpu.dma_semaphore, #tpu.memory_space<semaphore_mem>>) src(%dma_wait3A_34 : memref<10000x64xf32, #tpu.memory_space<hbm>>) dst(%arg9 : memref<512x64xf32, #tpu.memory_space<vmem>>)
      "tpu.region"() ({
        %run_scoped3A = tpu.sem_alloc : memref<!tpu.dma_semaphore, #tpu.memory_space<semaphore_mem>>
        %dma_start3A_35 = arith.constant 0 : i32
        %dma_start3A_36 = arith.constant 0 : i32
        %dma_start3A_37 = tpu.memref_slice %arg6[%dma_start3A_35, %dma_start3A_36] : memref<10008x64xf32, #tpu.memory_space<vmem_shared>> -> memref<10008x64xf32, #tpu.memory_space<vmem_shared>>
        tpu.enqueue_indirect_dma source(%arg9 : memref<512x64xf32, #tpu.memory_space<vmem>>) target(%dma_start3A_37 : memref<10008x64xf32, #tpu.memory_space<vmem_shared>>) offsets(%arg8 : memref<512xi32, #tpu.memory_space<vmem>>) semaphore(%run_scoped3A : memref<!tpu.dma_semaphore, #tpu.memory_space<semaphore_mem>>) {add = true}
        %dma_wait3A_38 = arith.constant 0 : i32
        %dma_wait3A_39 = arith.constant 0 : i32
        %dma_wait3A_40 = tpu.memref_slice %arg6[%dma_wait3A_38, %dma_wait3A_39] : memref<10008x64xf32, #tpu.memory_space<vmem_shared>> -> memref<10008x64xf32, #tpu.memory_space<vmem_shared>>
        tpu.wait_indirect_dma semaphore(%run_scoped3A : memref<!tpu.dma_semaphore, #tpu.memory_space<semaphore_mem>>) src(%arg9 : memref<512x64xf32, #tpu.memory_space<vmem>>) dst(%dma_wait3A_40 : memref<10008x64xf32, #tpu.memory_space<vmem_shared>>)
        tpu.yield
      }) : () -> ()
    }
    %scan3A_15 = arith.constant 20 : i32
    %barrier3A_16 = arith.constant 0 : index
    tpu.barrier barrier_id(%barrier3A_16)
    %lt3A_17 = arith.constant 15 : i32
    %lt3A_18 = arith.cmpi slt, %arg1, %lt3A_17 : i32
    %convert_element_type3A_19 = arith.extui %lt3A_18 : i1 to i32
    %cond3A_20 = arith.constant 0 : i32
    %cond3A_21 = arith.cmpi ne, %convert_element_type3A_19, %cond3A_20 : i32
    scf.if %cond3A_21 {
      "tpu.region"() ({
        %run_scoped3A = tpu.sem_alloc : memref<!tpu.dma_semaphore, #tpu.memory_space<semaphore_mem>>
        %dma_start3A = arith.constant 0 : i32
        %dma_start3A_27 = tpu.memref_slice %arg5[%arg0, %mul3A_2, %dma_start3A] : memref<2x10000x64xf32, #tpu.memory_space<hbm>> -> memref<1x624x64xf32, #tpu.memory_space<hbm>>
        %dma_start3A_28 = tpu.memref_squeeze %dma_start3A_27 : memref<1x624x64xf32, #tpu.memory_space<hbm>> -> memref<624x64xf32, #tpu.memory_space<hbm>>
        %dma_start3A_29 = arith.constant 0 : i32
        %dma_start3A_30 = tpu.memref_slice %arg6[%mul3A_2, %dma_start3A_29] : memref<10008x64xf32, #tpu.memory_space<vmem_shared>> -> memref<624x64xf32, #tpu.memory_space<vmem_shared>>
        tpu.enqueue_dma source(%dma_start3A_30 : memref<624x64xf32, #tpu.memory_space<vmem_shared>>) target(%dma_start3A_28 : memref<624x64xf32, #tpu.memory_space<hbm>>) target_semaphore(%run_scoped3A : memref<!tpu.dma_semaphore, #tpu.memory_space<semaphore_mem>>)
        %dma_wait3A = arith.constant 0 : i32
        %dma_wait3A_31 = tpu.memref_slice %arg5[%arg0, %mul3A_2, %dma_wait3A] : memref<2x10000x64xf32, #tpu.memory_space<hbm>> -> memref<1x624x64xf32, #tpu.memory_space<hbm>>
        %dma_wait3A_32 = tpu.memref_squeeze %dma_wait3A_31 : memref<1x624x64xf32, #tpu.memory_space<hbm>> -> memref<624x64xf32, #tpu.memory_space<hbm>>
        %dma_wait3A_33 = arith.constant 0 : i32
        %dma_wait3A_34 = tpu.memref_slice %arg6[%mul3A_2, %dma_wait3A_33] : memref<10008x64xf32, #tpu.memory_space<vmem_shared>> -> memref<624x64xf32, #tpu.memory_space<vmem_shared>>
        tpu.wait_dma2 semaphore(%run_scoped3A : memref<!tpu.dma_semaphore, #tpu.memory_space<semaphore_mem>>) src(%dma_wait3A_34 : memref<624x64xf32, #tpu.memory_space<vmem_shared>>) dst(%dma_wait3A_32 : memref<624x64xf32, #tpu.memory_space<hbm>>)
        tpu.yield
      }) : () -> ()
    } else {
    }
    %eq3A_22 = arith.constant 15 : i32
    %eq3A_23 = arith.cmpi eq, %arg1, %eq3A_22 : i32
    %convert_element_type3A_24 = arith.extui %eq3A_23 : i1 to i32
    %cond3A_25 = arith.constant 0 : i32
    %cond3A_26 = arith.cmpi ne, %convert_element_type3A_24, %cond3A_25 : i32
    scf.if %cond3A_26 {
      "tpu.region"() ({
        %run_scoped3A = tpu.sem_alloc : memref<!tpu.dma_semaphore, #tpu.memory_space<semaphore_mem>>
        %dma_start3A = arith.constant 9360 : i32
        %dma_start3A_27 = arith.constant 0 : i32
        %dma_start3A_28 = tpu.memref_slice %arg5[%arg0, %dma_start3A, %dma_start3A_27] : memref<2x10000x64xf32, #tpu.memory_space<hbm>> -> memref<1x640x64xf32, #tpu.memory_space<hbm>>
        %dma_start3A_29 = tpu.memref_squeeze %dma_start3A_28 : memref<1x640x64xf32, #tpu.memory_space<hbm>> -> memref<640x64xf32, #tpu.memory_space<hbm>>
        %dma_start3A_30 = arith.constant 9360 : i32
        %dma_start3A_31 = arith.constant 0 : i32
        %dma_start3A_32 = tpu.memref_slice %arg6[%dma_start3A_30, %dma_start3A_31] : memref<10008x64xf32, #tpu.memory_space<vmem_shared>> -> memref<640x64xf32, #tpu.memory_space<vmem_shared>>
        tpu.enqueue_dma source(%dma_start3A_32 : memref<640x64xf32, #tpu.memory_space<vmem_shared>>) target(%dma_start3A_29 : memref<640x64xf32, #tpu.memory_space<hbm>>) target_semaphore(%run_scoped3A : memref<!tpu.dma_semaphore, #tpu.memory_space<semaphore_mem>>)
        %dma_wait3A = arith.constant 9360 : i32
        %dma_wait3A_33 = arith.constant 0 : i32
        %dma_wait3A_34 = tpu.memref_slice %arg5[%arg0, %dma_wait3A, %dma_wait3A_33] : memref<2x10000x64xf32, #tpu.memory_space<hbm>> -> memref<1x640x64xf32, #tpu.memory_space<hbm>>
        %dma_wait3A_35 = tpu.memref_squeeze %dma_wait3A_34 : memref<1x640x64xf32, #tpu.memory_space<hbm>> -> memref<640x64xf32, #tpu.memory_space<hbm>>
        %dma_wait3A_36 = arith.constant 9360 : i32
        %dma_wait3A_37 = arith.constant 0 : i32
        %dma_wait3A_38 = tpu.memref_slice %arg6[%dma_wait3A_36, %dma_wait3A_37] : memref<10008x64xf32, #tpu.memory_space<vmem_shared>> -> memref<640x64xf32, #tpu.memory_space<vmem_shared>>
        tpu.wait_dma2 semaphore(%run_scoped3A : memref<!tpu.dma_semaphore, #tpu.memory_space<semaphore_mem>>) src(%dma_wait3A_38 : memref<640x64xf32, #tpu.memory_space<vmem_shared>>) dst(%dma_wait3A_35 : memref<640x64xf32, #tpu.memory_space<hbm>>)
        tpu.yield
      }) : () -> ()
    } else {
    }
    return
  }
}

#map = affine_map<(d0, d1) -> (0, 0)>
#map1 = affine_map<(d0, d1) -> (0)>
#map2 = affine_map<(d0, d1) -> (0, 0, 0)>
module attributes {stable_mosaic.version = 14 : i64} {
  func.func @scatter_add(%arg0: i32, %arg1: i32, %arg2: memref<10000x64xf32, #tpu.memory_space<hbm>>, %arg3: memref<327680xi32, #tpu.memory_space<hbm>>, %arg4: memref<327680xi32, #tpu.memory_space<hbm>>, %arg5: memref<2x10000x64xf32, #tpu.memory_space<hbm>>, %arg6: memref<10008x64xf32, #tpu.memory_space<vmem_shared>>, %arg7: memref<512xi32, #tpu.memory_space<vmem>>, %arg8: memref<512xi32, #tpu.memory_space<vmem>>, %arg9: memref<512x64xf32, #tpu.memory_space<vmem>>, %arg10: memref<!tpu.dma_semaphore, #tpu.memory_space<semaphore_mem>>) attributes {dimension_semantics = [#tpu.dimension_semantics<core_parallel>, #tpu.dimension_semantics<subcore_parallel>], iteration_bounds = array<i64: 2, 16>, scalar_prefetch = 0 : i64, scratch_operands = 5 : i64, tpu.core_type = #tpu.core_type<sc_vector_subcore>, window_params = [{transform_indices = #map}, {transform_indices = #map1}, {transform_indices = #map1}, {transform_indices = #map2}]} {
    %mul3A = arith.constant 16 : i32
    %mul3A_0 = arith.muli %arg0, %mul3A : i32
    %add3A = arith.addi %mul3A_0, %arg1 : i32
    %mul3A_1 = arith.constant 624 : i32
    %mul3A_2 = arith.muli %arg1, %mul3A_1 : i32
    %lt3A = arith.constant 15 : i32
    %lt3A_3 = arith.cmpi slt, %arg1, %lt3A : i32
    %convert_element_type3A = arith.extui %lt3A_3 : i1 to i32
    %cond3A = arith.constant 0 : i32
    %cond3A_4 = arith.cmpi ne, %convert_element_type3A, %cond3A : i32
    scf.if %cond3A_4 {
      "tpu.region"() ({
        %run_scoped3A = tpu.sem_alloc : memref<!tpu.dma_semaphore, #tpu.memory_space<semaphore_mem>>
        %dma_start3A = arith.constant 0 : i32
        %dma_start3A_27 = tpu.memref_slice %arg6[%mul3A_2, %dma_start3A] : memref<10008x64xf32, #tpu.memory_space<vmem_shared>> -> memref<624x64xf32, #tpu.memory_space<vmem_shared>>
        %dma_start3A_28 = arith.constant 0 : i32
        %dma_start3A_29 = tpu.memref_slice %arg2[%mul3A_2, %dma_start3A_28] : memref<10000x64xf32, #tpu.memory_space<hbm>> -> memref<624x64xf32, #tpu.memory_space<hbm>>
        tpu.enqueue_dma source(%dma_start3A_29 : memref<624x64xf32, #tpu.memory_space<hbm>>) target(%dma_start3A_27 : memref<624x64xf32, #tpu.memory_space<vmem_shared>>) target_semaphore(%run_scoped3A : memref<!tpu.dma_semaphore, #tpu.memory_space<semaphore_mem>>)
        %dma_wait3A = arith.constant 0 : i32
        %dma_wait3A_30 = tpu.memref_slice %arg6[%mul3A_2, %dma_wait3A] : memref<10008x64xf32, #tpu.memory_space<vmem_shared>> -> memref<624x64xf32, #tpu.memory_space<vmem_shared>>
        %dma_wait3A_31 = arith.constant 0 : i32
        %dma_wait3A_32 = tpu.memref_slice %arg2[%mul3A_2, %dma_wait3A_31] : memref<10000x64xf32, #tpu.memory_space<hbm>> -> memref<624x64xf32, #tpu.memory_space<hbm>>
        tpu.wait_dma2 semaphore(%run_scoped3A : memref<!tpu.dma_semaphore, #tpu.memory_space<semaphore_mem>>) src(%dma_wait3A_32 : memref<624x64xf32, #tpu.memory_space<hbm>>) dst(%dma_wait3A_30 : memref<624x64xf32, #tpu.memory_space<vmem_shared>>)
        tpu.yield
      }) : () -> ()
    } else {
    }
    %eq3A = arith.constant 15 : i32
    %eq3A_5 = arith.cmpi eq, %arg1, %eq3A : i32
    %convert_element_type3A_6 = arith.extui %eq3A_5 : i1 to i32
    %cond3A_7 = arith.constant 0 : i32
    %cond3A_8 = arith.cmpi ne, %convert_element_type3A_6, %cond3A_7 : i32
    scf.if %cond3A_8 {
      "tpu.region"() ({
        %run_scoped3A = tpu.sem_alloc : memref<!tpu.dma_semaphore, #tpu.memory_space<semaphore_mem>>
        %dma_start3A = arith.constant 9360 : i32
        %dma_start3A_27 = arith.constant 0 : i32
        %dma_start3A_28 = tpu.memref_slice %arg6[%dma_start3A, %dma_start3A_27] : memref<10008x64xf32, #tpu.memory_space<vmem_shared>> -> memref<640x64xf32, #tpu.memory_space<vmem_shared>>
        %dma_start3A_29 = arith.constant 9360 : i32
        %dma_start3A_30 = arith.constant 0 : i32
        %dma_start3A_31 = tpu.memref_slice %arg2[%dma_start3A_29, %dma_start3A_30] : memref<10000x64xf32, #tpu.memory_space<hbm>> -> memref<640x64xf32, #tpu.memory_space<hbm>>
        tpu.enqueue_dma source(%dma_start3A_31 : memref<640x64xf32, #tpu.memory_space<hbm>>) target(%dma_start3A_28 : memref<640x64xf32, #tpu.memory_space<vmem_shared>>) target_semaphore(%run_scoped3A : memref<!tpu.dma_semaphore, #tpu.memory_space<semaphore_mem>>)
        %dma_wait3A = arith.constant 9360 : i32
        %dma_wait3A_32 = arith.constant 0 : i32
        %dma_wait3A_33 = tpu.memref_slice %arg6[%dma_wait3A, %dma_wait3A_32] : memref<10008x64xf32, #tpu.memory_space<vmem_shared>> -> memref<640x64xf32, #tpu.memory_space<vmem_shared>>
        %dma_wait3A_34 = arith.constant 9360 : i32
        %dma_wait3A_35 = arith.constant 0 : i32
        %dma_wait3A_36 = tpu.memref_slice %arg2[%dma_wait3A_34, %dma_wait3A_35] : memref<10000x64xf32, #tpu.memory_space<hbm>> -> memref<640x64xf32, #tpu.memory_space<hbm>>
        tpu.wait_dma2 semaphore(%run_scoped3A : memref<!tpu.dma_semaphore, #tpu.memory_space<semaphore_mem>>) src(%dma_wait3A_36 : memref<640x64xf32, #tpu.memory_space<hbm>>) dst(%dma_wait3A_33 : memref<640x64xf32, #tpu.memory_space<vmem_shared>>)
        tpu.yield
      }) : () -> ()
    } else {
    }
    %barrier3A = arith.constant 0 : index
    tpu.barrier barrier_id(%barrier3A)
    %mul3A_9 = arith.constant 10240 : i32
    %mul3A_10 = arith.muli %add3A, %mul3A_9 : i32
    %scan3A = arith.constant 0 : i32
    %scan3A_11 = arith.constant 0 : i32
    %scan3A_12 = arith.constant 20 : i32
    %scan3A_13 = arith.addi %scan3A_11, %scan3A_12 : i32
    %scan3A_14 = arith.constant 1 : i32
    scf.for %scan3A_27 = %scan3A_11 to %scan3A_13 step %scan3A_14  : i32 {
      %mul3A_28 = arith.constant 512 : i32
      %mul3A_29 = arith.muli %scan3A_27, %mul3A_28 : i32
      %add3A_30 = arith.addi %mul3A_10, %mul3A_29 : i32
      "tpu.region"() ({
        %run_scoped3A = tpu.sem_alloc : memref<!tpu.dma_semaphore, #tpu.memory_space<semaphore_mem>>
        %dma_start3A_35 = tpu.memref_slice %arg3[%add3A_30] : memref<327680xi32, #tpu.memory_space<hbm>> -> memref<512xi32, #tpu.memory_space<hbm>>
        %dma_start3A_36 = tpu.memref_slice %arg3[%add3A_30] : memref<327680xi32, #tpu.memory_space<hbm>> -> memref<512xi32, #tpu.memory_space<hbm>>
        tpu.enqueue_dma source(%dma_start3A_36 : memref<512xi32, #tpu.memory_space<hbm>>) target(%arg7 : memref<512xi32, #tpu.memory_space<vmem>>) target_semaphore(%run_scoped3A : memref<!tpu.dma_semaphore, #tpu.memory_space<semaphore_mem>>)
        %dma_wait3A_37 = tpu.memref_slice %arg3[%add3A_30] : memref<327680xi32, #tpu.memory_space<hbm>> -> memref<512xi32, #tpu.memory_space<hbm>>
        %dma_wait3A_38 = tpu.memref_slice %arg3[%add3A_30] : memref<327680xi32, #tpu.memory_space<hbm>> -> memref<512xi32, #tpu.memory_space<hbm>>
        tpu.wait_dma2 semaphore(%run_scoped3A : memref<!tpu.dma_semaphore, #tpu.memory_space<semaphore_mem>>) src(%dma_wait3A_38 : memref<512xi32, #tpu.memory_space<hbm>>) dst(%arg7 : memref<512xi32, #tpu.memory_space<vmem>>)
        tpu.yield
      }) : () -> ()
      "tpu.region"() ({
        %run_scoped3A = tpu.sem_alloc : memref<!tpu.dma_semaphore, #tpu.memory_space<semaphore_mem>>
        %dma_start3A_35 = tpu.memref_slice %arg4[%add3A_30] : memref<327680xi32, #tpu.memory_space<hbm>> -> memref<512xi32, #tpu.memory_space<hbm>>
        %dma_start3A_36 = tpu.memref_slice %arg4[%add3A_30] : memref<327680xi32, #tpu.memory_space<hbm>> -> memref<512xi32, #tpu.memory_space<hbm>>
        tpu.enqueue_dma source(%dma_start3A_36 : memref<512xi32, #tpu.memory_space<hbm>>) target(%arg8 : memref<512xi32, #tpu.memory_space<vmem>>) target_semaphore(%run_scoped3A : memref<!tpu.dma_semaphore, #tpu.memory_space<semaphore_mem>>)
        %dma_wait3A_37 = tpu.memref_slice %arg4[%add3A_30] : memref<327680xi32, #tpu.memory_space<hbm>> -> memref<512xi32, #tpu.memory_space<hbm>>
        %dma_wait3A_38 = tpu.memref_slice %arg4[%add3A_30] : memref<327680xi32, #tpu.memory_space<hbm>> -> memref<512xi32, #tpu.memory_space<hbm>>
        tpu.wait_dma2 semaphore(%run_scoped3A : memref<!tpu.dma_semaphore, #tpu.memory_space<semaphore_mem>>) src(%dma_wait3A_38 : memref<512xi32, #tpu.memory_space<hbm>>) dst(%arg8 : memref<512xi32, #tpu.memory_space<vmem>>)
        tpu.yield
      }) : () -> ()
      %dma_start3A = arith.constant 0 : i32
      %dma_start3A_31 = arith.constant 0 : i32
      %dma_start3A_32 = tpu.memref_slice %arg2[%dma_start3A, %dma_start3A_31] : memref<10000x64xf32, #tpu.memory_space<hbm>> -> memref<10000x64xf32, #tpu.memory_space<hbm>>
      tpu.enqueue_indirect_dma source(%dma_start3A_32 : memref<10000x64xf32, #tpu.memory_space<hbm>>) target(%arg9 : memref<512x64xf32, #tpu.memory_space<vmem>>) offsets(%arg7 : memref<512xi32, #tpu.memory_space<vmem>>) semaphore(%arg10 : memref<!tpu.dma_semaphore, #tpu.memory_space<semaphore_mem>>)
      %dma_wait3A = arith.constant 0 : i32
      %dma_wait3A_33 = arith.constant 0 : i32
      %dma_wait3A_34 = tpu.memref_slice %arg2[%dma_wait3A, %dma_wait3A_33] : memref<10000x64xf32, #tpu.memory_space<hbm>> -> memref<10000x64xf32, #tpu.memory_space<hbm>>
      tpu.wait_indirect_dma semaphore(%arg10 : memref<!tpu.dma_semaphore, #tpu.memory_space<semaphore_mem>>) src(%dma_wait3A_34 : memref<10000x64xf32, #tpu.memory_space<hbm>>) dst(%arg9 : memref<512x64xf32, #tpu.memory_space<vmem>>)
      "tpu.region"() ({
        %run_scoped3A = tpu.sem_alloc : memref<!tpu.dma_semaphore, #tpu.memory_space<semaphore_mem>>
        %dma_start3A_35 = arith.constant 0 : i32
        %dma_start3A_36 = arith.constant 0 : i32
        %dma_start3A_37 = tpu.memref_slice %arg6[%dma_start3A_35, %dma_start3A_36] : memref<10008x64xf32, #tpu.memory_space<vmem_shared>> -> memref<10008x64xf32, #tpu.memory_space<vmem_shared>>
        tpu.enqueue_indirect_dma source(%arg9 : memref<512x64xf32, #tpu.memory_space<vmem>>) target(%dma_start3A_37 : memref<10008x64xf32, #tpu.memory_space<vmem_shared>>) offsets(%arg8 : memref<512xi32, #tpu.memory_space<vmem>>) semaphore(%run_scoped3A : memref<!tpu.dma_semaphore, #tpu.memory_space<semaphore_mem>>) {add = true}
        %dma_wait3A_38 = arith.constant 0 : i32
        %dma_wait3A_39 = arith.constant 0 : i32
        %dma_wait3A_40 = tpu.memref_slice %arg6[%dma_wait3A_38, %dma_wait3A_39] : memref<10008x64xf32, #tpu.memory_space<vmem_shared>> -> memref<10008x64xf32, #tpu.memory_space<vmem_shared>>
        tpu.wait_indirect_dma semaphore(%run_scoped3A : memref<!tpu.dma_semaphore, #tpu.memory_space<semaphore_mem>>) src(%arg9 : memref<512x64xf32, #tpu.memory_space<vmem>>) dst(%dma_wait3A_40 : memref<10008x64xf32, #tpu.memory_space<vmem_shared>>)
        tpu.yield
      }) : () -> ()
    }
    %scan3A_15 = arith.constant 20 : i32
    %barrier3A_16 = arith.constant 0 : index
    tpu.barrier barrier_id(%barrier3A_16)
    %lt3A_17 = arith.constant 15 : i32
    %lt3A_18 = arith.cmpi slt, %arg1, %lt3A_17 : i32
    %convert_element_type3A_19 = arith.extui %lt3A_18 : i1 to i32
    %cond3A_20 = arith.constant 0 : i32
    %cond3A_21 = arith.cmpi ne, %convert_element_type3A_19, %cond3A_20 : i32
    scf.if %cond3A_21 {
      "tpu.region"() ({
        %run_scoped3A = tpu.sem_alloc : memref<!tpu.dma_semaphore, #tpu.memory_space<semaphore_mem>>
        %dma_start3A = arith.constant 0 : i32
        %dma_start3A_27 = tpu.memref_slice %arg5[%arg0, %mul3A_2, %dma_start3A] : memref<2x10000x64xf32, #tpu.memory_space<hbm>> -> memref<1x624x64xf32, #tpu.memory_space<hbm>>
        %dma_start3A_28 = tpu.memref_squeeze %dma_start3A_27 : memref<1x624x64xf32, #tpu.memory_space<hbm>> -> memref<624x64xf32, #tpu.memory_space<hbm>>
        %dma_start3A_29 = arith.constant 0 : i32
        %dma_start3A_30 = tpu.memref_slice %arg6[%mul3A_2, %dma_start3A_29] : memref<10008x64xf32, #tpu.memory_space<vmem_shared>> -> memref<624x64xf32, #tpu.memory_space<vmem_shared>>
        tpu.enqueue_dma source(%dma_start3A_30 : memref<624x64xf32, #tpu.memory_space<vmem_shared>>) target(%dma_start3A_28 : memref<624x64xf32, #tpu.memory_space<hbm>>) target_semaphore(%run_scoped3A : memref<!tpu.dma_semaphore, #tpu.memory_space<semaphore_mem>>)
        %dma_wait3A = arith.constant 0 : i32
        %dma_wait3A_31 = tpu.memref_slice %arg5[%arg0, %mul3A_2, %dma_wait3A] : memref<2x10000x64xf32, #tpu.memory_space<hbm>> -> memref<1x624x64xf32, #tpu.memory_space<hbm>>
        %dma_wait3A_32 = tpu.memref_squeeze %dma_wait3A_31 : memref<1x624x64xf32, #tpu.memory_space<hbm>> -> memref<624x64xf32, #tpu.memory_space<hbm>>
        %dma_wait3A_33 = arith.constant 0 : i32
        %dma_wait3A_34 = tpu.memref_slice %arg6[%mul3A_2, %dma_wait3A_33] : memref<10008x64xf32, #tpu.memory_space<vmem_shared>> -> memref<624x64xf32, #tpu.memory_space<vmem_shared>>
        tpu.wait_dma2 semaphore(%run_scoped3A : memref<!tpu.dma_semaphore, #tpu.memory_space<semaphore_mem>>) src(%dma_wait3A_34 : memref<624x64xf32, #tpu.memory_space<vmem_shared>>) dst(%dma_wait3A_32 : memref<624x64xf32, #tpu.memory_space<hbm>>)
        tpu.yield
      }) : () -> ()
    } else {
    }
    %eq3A_22 = arith.constant 15 : i32
    %eq3A_23 = arith.cmpi eq, %arg1, %eq3A_22 : i32
    %convert_element_type3A_24 = arith.extui %eq3A_23 : i1 to i32
    %cond3A_25 = arith.constant 0 : i32
    %cond3A_26 = arith.cmpi ne, %convert_element_type3A_24, %cond3A_25 : i32
    scf.if %cond3A_26 {
      "tpu.region"() ({
        %run_scoped3A = tpu.sem_alloc : memref<!tpu.dma_semaphore, #tpu.memory_space<semaphore_mem>>
        %dma_start3A = arith.constant 9360 : i32
        %dma_start3A_27 = arith.constant 0 : i32
        %dma_start3A_28 = tpu.memref_slice %arg5[%arg0, %dma_start3A, %dma_start3A_27] : memref<2x10000x64xf32, #tpu.memory_space<hbm>> -> memref<1x640x64xf32, #tpu.memory_space<hbm>>
        %dma_start3A_29 = tpu.memref_squeeze %dma_start3A_28 : memref<1x640x64xf32, #tpu.memory_space<hbm>> -> memref<640x64xf32, #tpu.memory_space<hbm>>
        %dma_start3A_30 = arith.constant 9360 : i32
        %dma_start3A_31 = arith.constant 0 : i32
        %dma_start3A_32 = tpu.memref_slice %arg6[%dma_start3A_30, %dma_start3A_31] : memref<10008x64xf32, #tpu.memory_space<vmem_shared>> -> memref<640x64xf32, #tpu.memory_space<vmem_shared>>
        tpu.enqueue_dma source(%dma_start3A_32 : memref<640x64xf32, #tpu.memory_space<vmem_shared>>) target(%dma_start3A_29 : memref<640x64xf32, #tpu.memory_space<hbm>>) target_semaphore(%run_scoped3A : memref<!tpu.dma_semaphore, #tpu.memory_space<semaphore_mem>>)
        %dma_wait3A = arith.constant 9360 : i32
        %dma_wait3A_33 = arith.constant 0 : i32
        %dma_wait3A_34 = tpu.memref_slice %arg5[%arg0, %dma_wait3A, %dma_wait3A_33] : memref<2x10000x64xf32, #tpu.memory_space<hbm>> -> memref<1x640x64xf32, #tpu.memory_space<hbm>>
        %dma_wait3A_35 = tpu.memref_squeeze %dma_wait3A_34 : memref<1x640x64xf32, #tpu.memory_space<hbm>> -> memref<640x64xf32, #tpu.memory_space<hbm>>
        %dma_wait3A_36 = arith.constant 9360 : i32
        %dma_wait3A_37 = arith.constant 0 : i32
        %dma_wait3A_38 = tpu.memref_slice %arg6[%dma_wait3A_36, %dma_wait3A_37] : memref<10008x64xf32, #tpu.memory_space<vmem_shared>> -> memref<640x64xf32, #tpu.memory_space<vmem_shared>>
        tpu.wait_dma2 semaphore(%run_scoped3A : memref<!tpu.dma_semaphore, #tpu.memory_space<semaphore_mem>>) src(%dma_wait3A_38 : memref<640x64xf32, #tpu.memory_space<vmem_shared>>) dst(%dma_wait3A_35 : memref<640x64xf32, #tpu.memory_space<hbm>>)
        tpu.yield
      }) : () -> ()
    } else {
    }
    return
  }
}

#map = affine_map<(d0, d1) -> (0, 0)>
#map1 = affine_map<(d0, d1) -> (0)>
#map2 = affine_map<(d0, d1) -> (0, 0, 0)>
module attributes {stable_mosaic.version = 14 : i64} {
  func.func @scatter_add(%arg0: i32, %arg1: i32, %arg2: memref<10000x64xf32, #tpu.memory_space<hbm>>, %arg3: memref<327680xi32, #tpu.memory_space<hbm>>, %arg4: memref<327680xi32, #tpu.memory_space<hbm>>, %arg5: memref<2x10000x64xf32, #tpu.memory_space<hbm>>, %arg6: memref<10008x64xf32, #tpu.memory_space<vmem_shared>>, %arg7: memref<512xi32, #tpu.memory_space<vmem>>, %arg8: memref<512xi32, #tpu.memory_space<vmem>>, %arg9: memref<512x64xf32, #tpu.memory_space<vmem>>, %arg10: memref<!tpu.dma_semaphore, #tpu.memory_space<semaphore_mem>>) attributes {dimension_semantics = [#tpu.dimension_semantics<core_parallel>, #tpu.dimension_semantics<subcore_parallel>], iteration_bounds = array<i64: 2, 16>, scalar_prefetch = 0 : i64, scratch_operands = 5 : i64, tpu.core_type = #tpu.core_type<sc_vector_subcore>, window_params = [{transform_indices = #map}, {transform_indices = #map1}, {transform_indices = #map1}, {transform_indices = #map2}]} {
    %mul3A = arith.constant 16 : i32
    %mul3A_0 = arith.muli %arg0, %mul3A : i32
    %add3A = arith.addi %mul3A_0, %arg1 : i32
    %mul3A_1 = arith.constant 624 : i32
    %mul3A_2 = arith.muli %arg1, %mul3A_1 : i32
    %lt3A = arith.constant 15 : i32
    %lt3A_3 = arith.cmpi slt, %arg1, %lt3A : i32
    %convert_element_type3A = arith.extui %lt3A_3 : i1 to i32
    %cond3A = arith.constant 0 : i32
    %cond3A_4 = arith.cmpi ne, %convert_element_type3A, %cond3A : i32
    scf.if %cond3A_4 {
      "tpu.region"() ({
        %run_scoped3A = tpu.sem_alloc : memref<!tpu.dma_semaphore, #tpu.memory_space<semaphore_mem>>
        %dma_start3A = arith.constant 0 : i32
        %dma_start3A_27 = tpu.memref_slice %arg6[%mul3A_2, %dma_start3A] : memref<10008x64xf32, #tpu.memory_space<vmem_shared>> -> memref<624x64xf32, #tpu.memory_space<vmem_shared>>
        %dma_start3A_28 = arith.constant 0 : i32
        %dma_start3A_29 = tpu.memref_slice %arg2[%mul3A_2, %dma_start3A_28] : memref<10000x64xf32, #tpu.memory_space<hbm>> -> memref<624x64xf32, #tpu.memory_space<hbm>>
        tpu.enqueue_dma source(%dma_start3A_29 : memref<624x64xf32, #tpu.memory_space<hbm>>) target(%dma_start3A_27 : memref<624x64xf32, #tpu.memory_space<vmem_shared>>) target_semaphore(%run_scoped3A : memref<!tpu.dma_semaphore, #tpu.memory_space<semaphore_mem>>)
        %dma_wait3A = arith.constant 0 : i32
        %dma_wait3A_30 = tpu.memref_slice %arg6[%mul3A_2, %dma_wait3A] : memref<10008x64xf32, #tpu.memory_space<vmem_shared>> -> memref<624x64xf32, #tpu.memory_space<vmem_shared>>
        %dma_wait3A_31 = arith.constant 0 : i32
        %dma_wait3A_32 = tpu.memref_slice %arg2[%mul3A_2, %dma_wait3A_31] : memref<10000x64xf32, #tpu.memory_space<hbm>> -> memref<624x64xf32, #tpu.memory_space<hbm>>
        tpu.wait_dma2 semaphore(%run_scoped3A : memref<!tpu.dma_semaphore, #tpu.memory_space<semaphore_mem>>) src(%dma_wait3A_32 : memref<624x64xf32, #tpu.memory_space<hbm>>) dst(%dma_wait3A_30 : memref<624x64xf32, #tpu.memory_space<vmem_shared>>)
        tpu.yield
      }) : () -> ()
    } else {
    }
    %eq3A = arith.constant 15 : i32
    %eq3A_5 = arith.cmpi eq, %arg1, %eq3A : i32
    %convert_element_type3A_6 = arith.extui %eq3A_5 : i1 to i32
    %cond3A_7 = arith.constant 0 : i32
    %cond3A_8 = arith.cmpi ne, %convert_element_type3A_6, %cond3A_7 : i32
    scf.if %cond3A_8 {
      "tpu.region"() ({
        %run_scoped3A = tpu.sem_alloc : memref<!tpu.dma_semaphore, #tpu.memory_space<semaphore_mem>>
        %dma_start3A = arith.constant 9360 : i32
        %dma_start3A_27 = arith.constant 0 : i32
        %dma_start3A_28 = tpu.memref_slice %arg6[%dma_start3A, %dma_start3A_27] : memref<10008x64xf32, #tpu.memory_space<vmem_shared>> -> memref<640x64xf32, #tpu.memory_space<vmem_shared>>
        %dma_start3A_29 = arith.constant 9360 : i32
        %dma_start3A_30 = arith.constant 0 : i32
        %dma_start3A_31 = tpu.memref_slice %arg2[%dma_start3A_29, %dma_start3A_30] : memref<10000x64xf32, #tpu.memory_space<hbm>> -> memref<640x64xf32, #tpu.memory_space<hbm>>
        tpu.enqueue_dma source(%dma_start3A_31 : memref<640x64xf32, #tpu.memory_space<hbm>>) target(%dma_start3A_28 : memref<640x64xf32, #tpu.memory_space<vmem_shared>>) target_semaphore(%run_scoped3A : memref<!tpu.dma_semaphore, #tpu.memory_space<semaphore_mem>>)
        %dma_wait3A = arith.constant 9360 : i32
        %dma_wait3A_32 = arith.constant 0 : i32
        %dma_wait3A_33 = tpu.memref_slice %arg6[%dma_wait3A, %dma_wait3A_32] : memref<10008x64xf32, #tpu.memory_space<vmem_shared>> -> memref<640x64xf32, #tpu.memory_space<vmem_shared>>
        %dma_wait3A_34 = arith.constant 9360 : i32
        %dma_wait3A_35 = arith.constant 0 : i32
        %dma_wait3A_36 = tpu.memref_slice %arg2[%dma_wait3A_34, %dma_wait3A_35] : memref<10000x64xf32, #tpu.memory_space<hbm>> -> memref<640x64xf32, #tpu.memory_space<hbm>>
        tpu.wait_dma2 semaphore(%run_scoped3A : memref<!tpu.dma_semaphore, #tpu.memory_space<semaphore_mem>>) src(%dma_wait3A_36 : memref<640x64xf32, #tpu.memory_space<hbm>>) dst(%dma_wait3A_33 : memref<640x64xf32, #tpu.memory_space<vmem_shared>>)
        tpu.yield
      }) : () -> ()
    } else {
    }
    %barrier3A = arith.constant 0 : index
    tpu.barrier barrier_id(%barrier3A)
    %mul3A_9 = arith.constant 10240 : i32
    %mul3A_10 = arith.muli %add3A, %mul3A_9 : i32
    %scan3A = arith.constant 0 : i32
    %scan3A_11 = arith.constant 0 : i32
    %scan3A_12 = arith.constant 20 : i32
    %scan3A_13 = arith.addi %scan3A_11, %scan3A_12 : i32
    %scan3A_14 = arith.constant 1 : i32
    scf.for %scan3A_27 = %scan3A_11 to %scan3A_13 step %scan3A_14  : i32 {
      %mul3A_28 = arith.constant 512 : i32
      %mul3A_29 = arith.muli %scan3A_27, %mul3A_28 : i32
      %add3A_30 = arith.addi %mul3A_10, %mul3A_29 : i32
      "tpu.region"() ({
        %run_scoped3A = tpu.sem_alloc : memref<!tpu.dma_semaphore, #tpu.memory_space<semaphore_mem>>
        %dma_start3A_35 = tpu.memref_slice %arg3[%add3A_30] : memref<327680xi32, #tpu.memory_space<hbm>> -> memref<512xi32, #tpu.memory_space<hbm>>
        %dma_start3A_36 = tpu.memref_slice %arg3[%add3A_30] : memref<327680xi32, #tpu.memory_space<hbm>> -> memref<512xi32, #tpu.memory_space<hbm>>
        tpu.enqueue_dma source(%dma_start3A_36 : memref<512xi32, #tpu.memory_space<hbm>>) target(%arg7 : memref<512xi32, #tpu.memory_space<vmem>>) target_semaphore(%run_scoped3A : memref<!tpu.dma_semaphore, #tpu.memory_space<semaphore_mem>>)
        %dma_wait3A_37 = tpu.memref_slice %arg3[%add3A_30] : memref<327680xi32, #tpu.memory_space<hbm>> -> memref<512xi32, #tpu.memory_space<hbm>>
        %dma_wait3A_38 = tpu.memref_slice %arg3[%add3A_30] : memref<327680xi32, #tpu.memory_space<hbm>> -> memref<512xi32, #tpu.memory_space<hbm>>
        tpu.wait_dma2 semaphore(%run_scoped3A : memref<!tpu.dma_semaphore, #tpu.memory_space<semaphore_mem>>) src(%dma_wait3A_38 : memref<512xi32, #tpu.memory_space<hbm>>) dst(%arg7 : memref<512xi32, #tpu.memory_space<vmem>>)
        tpu.yield
      }) : () -> ()
      "tpu.region"() ({
        %run_scoped3A = tpu.sem_alloc : memref<!tpu.dma_semaphore, #tpu.memory_space<semaphore_mem>>
        %dma_start3A_35 = tpu.memref_slice %arg4[%add3A_30] : memref<327680xi32, #tpu.memory_space<hbm>> -> memref<512xi32, #tpu.memory_space<hbm>>
        %dma_start3A_36 = tpu.memref_slice %arg4[%add3A_30] : memref<327680xi32, #tpu.memory_space<hbm>> -> memref<512xi32, #tpu.memory_space<hbm>>
        tpu.enqueue_dma source(%dma_start3A_36 : memref<512xi32, #tpu.memory_space<hbm>>) target(%arg8 : memref<512xi32, #tpu.memory_space<vmem>>) target_semaphore(%run_scoped3A : memref<!tpu.dma_semaphore, #tpu.memory_space<semaphore_mem>>)
        %dma_wait3A_37 = tpu.memref_slice %arg4[%add3A_30] : memref<327680xi32, #tpu.memory_space<hbm>> -> memref<512xi32, #tpu.memory_space<hbm>>
        %dma_wait3A_38 = tpu.memref_slice %arg4[%add3A_30] : memref<327680xi32, #tpu.memory_space<hbm>> -> memref<512xi32, #tpu.memory_space<hbm>>
        tpu.wait_dma2 semaphore(%run_scoped3A : memref<!tpu.dma_semaphore, #tpu.memory_space<semaphore_mem>>) src(%dma_wait3A_38 : memref<512xi32, #tpu.memory_space<hbm>>) dst(%arg8 : memref<512xi32, #tpu.memory_space<vmem>>)
        tpu.yield
      }) : () -> ()
      %dma_start3A = arith.constant 0 : i32
      %dma_start3A_31 = arith.constant 0 : i32
      %dma_start3A_32 = tpu.memref_slice %arg2[%dma_start3A, %dma_start3A_31] : memref<10000x64xf32, #tpu.memory_space<hbm>> -> memref<10000x64xf32, #tpu.memory_space<hbm>>
      tpu.enqueue_indirect_dma source(%dma_start3A_32 : memref<10000x64xf32, #tpu.memory_space<hbm>>) target(%arg9 : memref<512x64xf32, #tpu.memory_space<vmem>>) offsets(%arg7 : memref<512xi32, #tpu.memory_space<vmem>>) semaphore(%arg10 : memref<!tpu.dma_semaphore, #tpu.memory_space<semaphore_mem>>)
      %dma_wait3A = arith.constant 0 : i32
      %dma_wait3A_33 = arith.constant 0 : i32
      %dma_wait3A_34 = tpu.memref_slice %arg2[%dma_wait3A, %dma_wait3A_33] : memref<10000x64xf32, #tpu.memory_space<hbm>> -> memref<10000x64xf32, #tpu.memory_space<hbm>>
      tpu.wait_indirect_dma semaphore(%arg10 : memref<!tpu.dma_semaphore, #tpu.memory_space<semaphore_mem>>) src(%dma_wait3A_34 : memref<10000x64xf32, #tpu.memory_space<hbm>>) dst(%arg9 : memref<512x64xf32, #tpu.memory_space<vmem>>)
      "tpu.region"() ({
        %run_scoped3A = tpu.sem_alloc : memref<!tpu.dma_semaphore, #tpu.memory_space<semaphore_mem>>
        %dma_start3A_35 = arith.constant 0 : i32
        %dma_start3A_36 = arith.constant 0 : i32
        %dma_start3A_37 = tpu.memref_slice %arg6[%dma_start3A_35, %dma_start3A_36] : memref<10008x64xf32, #tpu.memory_space<vmem_shared>> -> memref<10008x64xf32, #tpu.memory_space<vmem_shared>>
        tpu.enqueue_indirect_dma source(%arg9 : memref<512x64xf32, #tpu.memory_space<vmem>>) target(%dma_start3A_37 : memref<10008x64xf32, #tpu.memory_space<vmem_shared>>) offsets(%arg8 : memref<512xi32, #tpu.memory_space<vmem>>) semaphore(%run_scoped3A : memref<!tpu.dma_semaphore, #tpu.memory_space<semaphore_mem>>) {add = true}
        %dma_wait3A_38 = arith.constant 0 : i32
        %dma_wait3A_39 = arith.constant 0 : i32
        %dma_wait3A_40 = tpu.memref_slice %arg6[%dma_wait3A_38, %dma_wait3A_39] : memref<10008x64xf32, #tpu.memory_space<vmem_shared>> -> memref<10008x64xf32, #tpu.memory_space<vmem_shared>>
        tpu.wait_indirect_dma semaphore(%run_scoped3A : memref<!tpu.dma_semaphore, #tpu.memory_space<semaphore_mem>>) src(%arg9 : memref<512x64xf32, #tpu.memory_space<vmem>>) dst(%dma_wait3A_40 : memref<10008x64xf32, #tpu.memory_space<vmem_shared>>)
        tpu.yield
      }) : () -> ()
    }
    %scan3A_15 = arith.constant 20 : i32
    %barrier3A_16 = arith.constant 0 : index
    tpu.barrier barrier_id(%barrier3A_16)
    %lt3A_17 = arith.constant 15 : i32
    %lt3A_18 = arith.cmpi slt, %arg1, %lt3A_17 : i32
    %convert_element_type3A_19 = arith.extui %lt3A_18 : i1 to i32
    %cond3A_20 = arith.constant 0 : i32
    %cond3A_21 = arith.cmpi ne, %convert_element_type3A_19, %cond3A_20 : i32
    scf.if %cond3A_21 {
      "tpu.region"() ({
        %run_scoped3A = tpu.sem_alloc : memref<!tpu.dma_semaphore, #tpu.memory_space<semaphore_mem>>
        %dma_start3A = arith.constant 0 : i32
        %dma_start3A_27 = tpu.memref_slice %arg5[%arg0, %mul3A_2, %dma_start3A] : memref<2x10000x64xf32, #tpu.memory_space<hbm>> -> memref<1x624x64xf32, #tpu.memory_space<hbm>>
        %dma_start3A_28 = tpu.memref_squeeze %dma_start3A_27 : memref<1x624x64xf32, #tpu.memory_space<hbm>> -> memref<624x64xf32, #tpu.memory_space<hbm>>
        %dma_start3A_29 = arith.constant 0 : i32
        %dma_start3A_30 = tpu.memref_slice %arg6[%mul3A_2, %dma_start3A_29] : memref<10008x64xf32, #tpu.memory_space<vmem_shared>> -> memref<624x64xf32, #tpu.memory_space<vmem_shared>>
        tpu.enqueue_dma source(%dma_start3A_30 : memref<624x64xf32, #tpu.memory_space<vmem_shared>>) target(%dma_start3A_28 : memref<624x64xf32, #tpu.memory_space<hbm>>) target_semaphore(%run_scoped3A : memref<!tpu.dma_semaphore, #tpu.memory_space<semaphore_mem>>)
        %dma_wait3A = arith.constant 0 : i32
        %dma_wait3A_31 = tpu.memref_slice %arg5[%arg0, %mul3A_2, %dma_wait3A] : memref<2x10000x64xf32, #tpu.memory_space<hbm>> -> memref<1x624x64xf32, #tpu.memory_space<hbm>>
        %dma_wait3A_32 = tpu.memref_squeeze %dma_wait3A_31 : memref<1x624x64xf32, #tpu.memory_space<hbm>> -> memref<624x64xf32, #tpu.memory_space<hbm>>
        %dma_wait3A_33 = arith.constant 0 : i32
        %dma_wait3A_34 = tpu.memref_slice %arg6[%mul3A_2, %dma_wait3A_33] : memref<10008x64xf32, #tpu.memory_space<vmem_shared>> -> memref<624x64xf32, #tpu.memory_space<vmem_shared>>
        tpu.wait_dma2 semaphore(%run_scoped3A : memref<!tpu.dma_semaphore, #tpu.memory_space<semaphore_mem>>) src(%dma_wait3A_34 : memref<624x64xf32, #tpu.memory_space<vmem_shared>>) dst(%dma_wait3A_32 : memref<624x64xf32, #tpu.memory_space<hbm>>)
        tpu.yield
      }) : () -> ()
    } else {
    }
    %eq3A_22 = arith.constant 15 : i32
    %eq3A_23 = arith.cmpi eq, %arg1, %eq3A_22 : i32
    %convert_element_type3A_24 = arith.extui %eq3A_23 : i1 to i32
    %cond3A_25 = arith.constant 0 : i32
    %cond3A_26 = arith.cmpi ne, %convert_element_type3A_24, %cond3A_25 : i32
    scf.if %cond3A_26 {
      "tpu.region"() ({
        %run_scoped3A = tpu.sem_alloc : memref<!tpu.dma_semaphore, #tpu.memory_space<semaphore_mem>>
        %dma_start3A = arith.constant 9360 : i32
        %dma_start3A_27 = arith.constant 0 : i32
        %dma_start3A_28 = tpu.memref_slice %arg5[%arg0, %dma_start3A, %dma_start3A_27] : memref<2x10000x64xf32, #tpu.memory_space<hbm>> -> memref<1x640x64xf32, #tpu.memory_space<hbm>>
        %dma_start3A_29 = tpu.memref_squeeze %dma_start3A_28 : memref<1x640x64xf32, #tpu.memory_space<hbm>> -> memref<640x64xf32, #tpu.memory_space<hbm>>
        %dma_start3A_30 = arith.constant 9360 : i32
        %dma_start3A_31 = arith.constant 0 : i32
        %dma_start3A_32 = tpu.memref_slice %arg6[%dma_start3A_30, %dma_start3A_31] : memref<10008x64xf32, #tpu.memory_space<vmem_shared>> -> memref<640x64xf32, #tpu.memory_space<vmem_shared>>
        tpu.enqueue_dma source(%dma_start3A_32 : memref<640x64xf32, #tpu.memory_space<vmem_shared>>) target(%dma_start3A_29 : memref<640x64xf32, #tpu.memory_space<hbm>>) target_semaphore(%run_scoped3A : memref<!tpu.dma_semaphore, #tpu.memory_space<semaphore_mem>>)
        %dma_wait3A = arith.constant 9360 : i32
        %dma_wait3A_33 = arith.constant 0 : i32
        %dma_wait3A_34 = tpu.memref_slice %arg5[%arg0, %dma_wait3A, %dma_wait3A_33] : memref<2x10000x64xf32, #tpu.memory_space<hbm>> -> memref<1x640x64xf32, #tpu.memory_space<hbm>>
        %dma_wait3A_35 = tpu.memref_squeeze %dma_wait3A_34 : memref<1x640x64xf32, #tpu.memory_space<hbm>> -> memref<640x64xf32, #tpu.memory_space<hbm>>
        %dma_wait3A_36 = arith.constant 9360 : i32
        %dma_wait3A_37 = arith.constant 0 : i32
        %dma_wait3A_38 = tpu.memref_slice %arg6[%dma_wait3A_36, %dma_wait3A_37] : memref<10008x64xf32, #tpu.memory_space<vmem_shared>> -> memref<640x64xf32, #tpu.memory_space<vmem_shared>>
        tpu.wait_dma2 semaphore(%run_scoped3A : memref<!tpu.dma_semaphore, #tpu.memory_space<semaphore_mem>>) src(%dma_wait3A_38 : memref<640x64xf32, #tpu.memory_space<vmem_shared>>) dst(%dma_wait3A_35 : memref<640x64xf32, #tpu.memory_space<hbm>>)
        tpu.yield
      }) : () -> ()
    } else {
    }
    return
  }
}

module attributes {stable_mosaic.version = 14 : i64} {
  func.func @_deg_body(%arg0: i32, %arg1: memref<1000x16xf32, #tpu.memory_space<vmem>>, %arg2: memref<1000x16xf32, #tpu.memory_space<vmem>>, %arg3: memref<1000x1xf32, #tpu.memory_space<vmem>>) attributes {dimension_semantics = [#tpu.dimension_semantics<arbitrary>], iteration_bounds = array<i64: 10>, scalar_prefetch = 0 : i64, scratch_operands = 0 : i64, tpu.core_type = #tpu.core_type<tc>, window_params = [{transform_indices = @transform_0, window_bounds = array<i64: 1000, 16>}, {transform_indices = @transform_1, window_bounds = array<i64: 1000, 16>}, {transform_indices = @transform_2, window_bounds = array<i64: 1000, 1>}]} {
    %get3A = arith.constant 0 : index
    %get3A_0 = arith.constant 0 : index
    %get3A_1 = vector.load %arg1[%get3A, %get3A_0] : memref<1000x16xf32, #tpu.memory_space<vmem>>, vector<1000x16xf32>
    %slice3A = vector.extract_strided_slice %get3A_1 {offsets = [0, 0], sizes = [1000, 1], strides = [1, 1]} : vector<1000x16xf32> to vector<1000x1xf32>
    %get3A_2 = arith.constant 0 : index
    %get3A_3 = arith.constant 0 : index
    %get3A_4 = vector.load %arg2[%get3A_2, %get3A_3] : memref<1000x16xf32, #tpu.memory_space<vmem>>, vector<1000x16xf32>
    %slice3A_5 = vector.extract_strided_slice %get3A_4 {offsets = [0, 0], sizes = [1000, 1], strides = [1, 1]} : vector<1000x16xf32> to vector<1000x1xf32>
    %add3A = arith.addf %slice3A, %slice3A_5 : vector<1000x1xf32>
    %sub3A = arith.constant 1.000000e+00 : f32
    %sub3A_6 = vector.broadcast %sub3A : f32 to vector<1000x1xf32>
    %sub3A_7 = arith.subf %add3A, %sub3A_6 : vector<1000x1xf32>
    %rsqrt3A = math.rsqrt %sub3A_7 : vector<1000x1xf32>
    %swap3A = arith.constant 0 : index
    %swap3A_8 = arith.constant 0 : index
    %swap3A_9 = vector.load %arg3[%swap3A, %swap3A_8] : memref<1000x1xf32, #tpu.memory_space<vmem>>, vector<1000x1xf32>
    tpu.vector_store %arg3[%swap3A, %swap3A_8], %rsqrt3A {strides = array<i32>} : memref<1000x1xf32, #tpu.memory_space<vmem>>, vector<1000x1xf32>,
    return
  }
  func.func @transform_0(%arg0: i32) -> (i32, i32) {
    %c0_i32 = arith.constant 0 : i32
    %c0_i32_0 = arith.constant 0 : i32
    return %arg0, %c0_i32 : i32, i32
  }
  func.func @transform_1(%arg0: i32) -> (i32, i32) {
    %c0_i32 = arith.constant 0 : i32
    %c0_i32_0 = arith.constant 0 : i32
    return %arg0, %c0_i32 : i32, i32
  }
  func.func @transform_2(%arg0: i32) -> (i32, i32) {
    %c0_i32 = arith.constant 0 : i32
    %c0_i32_0 = arith.constant 0 : i32
    return %arg0, %c0_i32 : i32, i32
  }
}

module attributes {stable_mosaic.version = 14 : i64} {
  func.func @_pre_body(%arg0: i32, %arg1: memref<1000x128xf32, #tpu.memory_space<vmem>>, %arg2: memref<128x64xf32, #tpu.memory_space<vmem>>, %arg3: memref<1000x1xf32, #tpu.memory_space<vmem>>, %arg4: memref<1000x64xf32, #tpu.memory_space<vmem>>) attributes {dimension_semantics = [#tpu.dimension_semantics<arbitrary>], iteration_bounds = array<i64: 10>, scalar_prefetch = 0 : i64, scratch_operands = 0 : i64, tpu.core_type = #tpu.core_type<tc>, window_params = [{transform_indices = @transform_0, window_bounds = array<i64: 1000, 128>}, {pipeline_mode = #tpu.pipeline_mode<synchronous>, transform_indices = @transform_1, window_bounds = array<i64: 128, 64>}, {transform_indices = @transform_2, window_bounds = array<i64: 1000, 1>}, {transform_indices = @transform_3, window_bounds = array<i64: 1000, 64>}]} {
    %get3A = arith.constant 0 : index
    %get3A_0 = arith.constant 0 : index
    %get3A_1 = vector.load %arg3[%get3A, %get3A_0] : memref<1000x1xf32, #tpu.memory_space<vmem>>, vector<1000x1xf32>
    %get3A_2 = arith.constant 0 : index
    %get3A_3 = arith.constant 0 : index
    %get3A_4 = vector.load %arg1[%get3A_2, %get3A_3] : memref<1000x128xf32, #tpu.memory_space<vmem>>, vector<1000x128xf32>
    %get3A_5 = arith.constant 0 : index
    %get3A_6 = arith.constant 0 : index
    %get3A_7 = vector.load %arg2[%get3A_5, %get3A_6] : memref<128x64xf32, #tpu.memory_space<vmem>>, vector<128x64xf32>
    %dot_general3A = arith.constant dense<0.000000e+00> : vector<1000x64xf32>
    %dot_general3A_8 = tpu.matmul %get3A_4, %get3A_7, %dot_general3A {dimension_numbers = #tpu.dot_dimension_numbers<[1], [0], [0], [1], [0, 0, 1, 1], [], []>, transpose_lhs_hint = false} : vector<1000x128xf32>, vector<128x64xf32>, vector<1000x64xf32> -> vector<1000x64xf32>
    %mul3A = vector.broadcast %get3A_1 : vector<1000x1xf32> to vector<1000x64xf32>
    %mul3A_9 = arith.mulf %mul3A, %dot_general3A_8 : vector<1000x64xf32>
    %swap3A = arith.constant 0 : index
    %swap3A_10 = arith.constant 0 : index
    %swap3A_11 = vector.load %arg4[%swap3A, %swap3A_10] : memref<1000x64xf32, #tpu.memory_space<vmem>>, vector<1000x64xf32>
    tpu.vector_store %arg4[%swap3A, %swap3A_10], %mul3A_9 {strides = array<i32>} : memref<1000x64xf32, #tpu.memory_space<vmem>>, vector<1000x64xf32>,
    return
  }
  func.func @transform_0(%arg0: i32) -> (i32, i32) {
    %c0_i32 = arith.constant 0 : i32
    %c0_i32_0 = arith.constant 0 : i32
    return %arg0, %c0_i32 : i32, i32
  }
  func.func @transform_1(%arg0: i32) -> (i32, i32) {
    %c0_i32 = arith.constant 0 : i32
    %c0_i32_0 = arith.constant 0 : i32
    %c0_i32_1 = arith.constant 0 : i32
    return %c0_i32, %c0_i32_0 : i32, i32
  }
  func.func @transform_2(%arg0: i32) -> (i32, i32) {
    %c0_i32 = arith.constant 0 : i32
    %c0_i32_0 = arith.constant 0 : i32
    return %arg0, %c0_i32 : i32, i32
  }
  func.func @transform_3(%arg0: i32) -> (i32, i32) {
    %c0_i32 = arith.constant 0 : i32
    %c0_i32_0 = arith.constant 0 : i32
    return %arg0, %c0_i32 : i32, i32
  }
}

module attributes {stable_mosaic.version = 14 : i64} {
  func.func @_mid_body(%arg0: i32, %arg1: memref<1000x64xf32, #tpu.memory_space<vmem>>, %arg2: memref<1000x64xf32, #tpu.memory_space<vmem>>, %arg3: memref<1000x64xf32, #tpu.memory_space<vmem>>, %arg4: memref<1x64xf32, #tpu.memory_space<vmem>>, %arg5: memref<64x64xf32, #tpu.memory_space<vmem>>, %arg6: memref<1000x1xf32, #tpu.memory_space<vmem>>, %arg7: memref<1000x64xf32, #tpu.memory_space<vmem>>) attributes {dimension_semantics = [#tpu.dimension_semantics<arbitrary>], iteration_bounds = array<i64: 10>, scalar_prefetch = 0 : i64, scratch_operands = 0 : i64, tpu.core_type = #tpu.core_type<tc>, window_params = [{transform_indices = @transform_0, window_bounds = array<i64: 1000, 64>}, {transform_indices = @transform_1, window_bounds = array<i64: 1000, 64>}, {transform_indices = @transform_2, window_bounds = array<i64: 1000, 64>}, {pipeline_mode = #tpu.pipeline_mode<synchronous>, transform_indices = @transform_3, window_bounds = array<i64: 1, 64>}, {pipeline_mode = #tpu.pipeline_mode<synchronous>, transform_indices = @transform_4, window_bounds = array<i64: 64, 64>}, {transform_indices = @transform_5, window_bounds = array<i64: 1000, 1>}, {transform_indices = @transform_6, window_bounds = array<i64: 1000, 64>}]} {
    %get3A = arith.constant 0 : index
    %get3A_0 = arith.constant 0 : index
    %get3A_1 = vector.load %arg6[%get3A, %get3A_0] : memref<1000x1xf32, #tpu.memory_space<vmem>>, vector<1000x1xf32>
    %get3A_2 = arith.constant 0 : index
    %get3A_3 = arith.constant 0 : index
    %get3A_4 = vector.load %arg1[%get3A_2, %get3A_3] : memref<1000x64xf32, #tpu.memory_space<vmem>>, vector<1000x64xf32>
    %get3A_5 = arith.constant 0 : index
    %get3A_6 = arith.constant 0 : index
    %get3A_7 = vector.load %arg2[%get3A_5, %get3A_6] : memref<1000x64xf32, #tpu.memory_space<vmem>>, vector<1000x64xf32>
    %add3A = arith.addf %get3A_4, %get3A_7 : vector<1000x64xf32>
    %get3A_8 = arith.constant 0 : index
    %get3A_9 = arith.constant 0 : index
    %get3A_10 = vector.load %arg3[%get3A_8, %get3A_9] : memref<1000x64xf32, #tpu.memory_space<vmem>>, vector<1000x64xf32>
    %sub3A = arith.subf %add3A, %get3A_10 : vector<1000x64xf32>
    %mul3A = vector.broadcast %get3A_1 : vector<1000x1xf32> to vector<1000x64xf32>
    %mul3A_11 = arith.mulf %mul3A, %sub3A : vector<1000x64xf32>
    %get3A_12 = arith.constant 0 : index
    %get3A_13 = arith.constant 0 : index
    %get3A_14 = vector.load %arg4[%get3A_12, %get3A_13] : memref<1x64xf32, #tpu.memory_space<vmem>>, vector<1x64xf32>
    %add3A_15 = vector.broadcast %get3A_14 : vector<1x64xf32> to vector<1000x64xf32>
    %add3A_16 = arith.addf %mul3A_11, %add3A_15 : vector<1000x64xf32>
    %max3A = arith.constant 0.000000e+00 : f32
    %max3A_17 = vector.broadcast %max3A : f32 to vector<1000x64xf32>
    %max3A_18 = arith.maximumf %add3A_16, %max3A_17 : vector<1000x64xf32>
    %get3A_19 = arith.constant 0 : index
    %get3A_20 = arith.constant 0 : index
    %get3A_21 = vector.load %arg6[%get3A_19, %get3A_20] : memref<1000x1xf32, #tpu.memory_space<vmem>>, vector<1000x1xf32>
    %get3A_22 = arith.constant 0 : index
    %get3A_23 = arith.constant 0 : index
    %get3A_24 = vector.load %arg5[%get3A_22, %get3A_23] : memref<64x64xf32, #tpu.memory_space<vmem>>, vector<64x64xf32>
    %dot_general3A = arith.constant dense<0.000000e+00> : vector<1000x64xf32>
    %dot_general3A_25 = tpu.matmul %max3A_18, %get3A_24, %dot_general3A {dimension_numbers = #tpu.dot_dimension_numbers<[1], [0], [0], [1], [0, 0, 1, 1], [], []>, transpose_lhs_hint = false} : vector<1000x64xf32>, vector<64x64xf32>, vector<1000x64xf32> -> vector<1000x64xf32>
    %mul3A_26 = vector.broadcast %get3A_21 : vector<1000x1xf32> to vector<1000x64xf32>
    %mul3A_27 = arith.mulf %mul3A_26, %dot_general3A_25 : vector<1000x64xf32>
    %swap3A = arith.constant 0 : index
    %swap3A_28 = arith.constant 0 : index
    %swap3A_29 = vector.load %arg7[%swap3A, %swap3A_28] : memref<1000x64xf32, #tpu.memory_space<vmem>>, vector<1000x64xf32>
    tpu.vector_store %arg7[%swap3A, %swap3A_28], %mul3A_27 {strides = array<i32>} : memref<1000x64xf32, #tpu.memory_space<vmem>>, vector<1000x64xf32>,
    return
  }
  func.func @transform_0(%arg0: i32) -> (i32, i32) {
    %c0_i32 = arith.constant 0 : i32
    %c0_i32_0 = arith.constant 0 : i32
    return %arg0, %c0_i32 : i32, i32
  }
  func.func @transform_1(%arg0: i32) -> (i32, i32) {
    %c0_i32 = arith.constant 0 : i32
    %c0_i32_0 = arith.constant 0 : i32
    return %arg0, %c0_i32 : i32, i32
  }
  func.func @transform_2(%arg0: i32) -> (i32, i32) {
    %c0_i32 = arith.constant 0 : i32
    %c0_i32_0 = arith.constant 0 : i32
    return %arg0, %c0_i32 : i32, i32
  }
  func.func @transform_3(%arg0: i32) -> (i32, i32) {
    %c0_i32 = arith.constant 0 : i32
    %c0_i32_0 = arith.constant 0 : i32
    %c0_i32_1 = arith.constant 0 : i32
    return %c0_i32, %c0_i32_0 : i32, i32
  }
  func.func @transform_4(%arg0: i32) -> (i32, i32) {
    %c0_i32 = arith.constant 0 : i32
    %c0_i32_0 = arith.constant 0 : i32
    %c0_i32_1 = arith.constant 0 : i32
    return %c0_i32, %c0_i32_0 : i32, i32
  }
  func.func @transform_5(%arg0: i32) -> (i32, i32) {
    %c0_i32 = arith.constant 0 : i32
    %c0_i32_0 = arith.constant 0 : i32
    return %arg0, %c0_i32 : i32, i32
  }
  func.func @transform_6(%arg0: i32) -> (i32, i32) {
    %c0_i32 = arith.constant 0 : i32
    %c0_i32_0 = arith.constant 0 : i32
    return %arg0, %c0_i32 : i32, i32
  }
}

module attributes {stable_mosaic.version = 14 : i64} {
  func.func @_two_body(%arg0: i32, %arg1: memref<1000x64xf32, #tpu.memory_space<vmem>>, %arg2: memref<1000x64xf32, #tpu.memory_space<vmem>>, %arg3: memref<1000x64xf32, #tpu.memory_space<vmem>>, %arg4: memref<1x64xf32, #tpu.memory_space<vmem>>, %arg5: memref<64x64xf32, #tpu.memory_space<vmem>>, %arg6: memref<64x64xf32, #tpu.memory_space<vmem>>, %arg7: memref<1000x1xf32, #tpu.memory_space<vmem>>, %arg8: memref<1000x64xf32, #tpu.memory_space<vmem>>, %arg9: memref<1000x64xf32, #tpu.memory_space<vmem>>) attributes {dimension_semantics = [#tpu.dimension_semantics<arbitrary>], iteration_bounds = array<i64: 10>, scalar_prefetch = 0 : i64, scratch_operands = 0 : i64, tpu.core_type = #tpu.core_type<tc>, window_params = [{transform_indices = @transform_0, window_bounds = array<i64: 1000, 64>}, {transform_indices = @transform_1, window_bounds = array<i64: 1000, 64>}, {transform_indices = @transform_2, window_bounds = array<i64: 1000, 64>}, {pipeline_mode = #tpu.pipeline_mode<synchronous>, transform_indices = @transform_3, window_bounds = array<i64: 1, 64>}, {pipeline_mode = #tpu.pipeline_mode<synchronous>, transform_indices = @transform_4, window_bounds = array<i64: 64, 64>}, {pipeline_mode = #tpu.pipeline_mode<synchronous>, transform_indices = @transform_5, window_bounds = array<i64: 64, 64>}, {transform_indices = @transform_6, window_bounds = array<i64: 1000, 1>}, {transform_indices = @transform_7, window_bounds = array<i64: 1000, 64>}, {transform_indices = @transform_8, window_bounds = array<i64: 1000, 64>}]} {
    %get3A = arith.constant 0 : index
    %get3A_0 = arith.constant 0 : index
    %get3A_1 = vector.load %arg7[%get3A, %get3A_0] : memref<1000x1xf32, #tpu.memory_space<vmem>>, vector<1000x1xf32>
    %get3A_2 = arith.constant 0 : index
    %get3A_3 = arith.constant 0 : index
    %get3A_4 = vector.load %arg1[%get3A_2, %get3A_3] : memref<1000x64xf32, #tpu.memory_space<vmem>>, vector<1000x64xf32>
    %get3A_5 = arith.constant 0 : index
    %get3A_6 = arith.constant 0 : index
    %get3A_7 = vector.load %arg2[%get3A_5, %get3A_6] : memref<1000x64xf32, #tpu.memory_space<vmem>>, vector<1000x64xf32>
    %add3A = arith.addf %get3A_4, %get3A_7 : vector<1000x64xf32>
    %get3A_8 = arith.constant 0 : index
    %get3A_9 = arith.constant 0 : index
    %get3A_10 = vector.load %arg3[%get3A_8, %get3A_9] : memref<1000x64xf32, #tpu.memory_space<vmem>>, vector<1000x64xf32>
    %sub3A = arith.subf %add3A, %get3A_10 : vector<1000x64xf32>
    %mul3A = vector.broadcast %get3A_1 : vector<1000x1xf32> to vector<1000x64xf32>
    %mul3A_11 = arith.mulf %mul3A, %sub3A : vector<1000x64xf32>
    %get3A_12 = arith.constant 0 : index
    %get3A_13 = arith.constant 0 : index
    %get3A_14 = vector.load %arg4[%get3A_12, %get3A_13] : memref<1x64xf32, #tpu.memory_space<vmem>>, vector<1x64xf32>
    %add3A_15 = vector.broadcast %get3A_14 : vector<1x64xf32> to vector<1000x64xf32>
    %add3A_16 = arith.addf %mul3A_11, %add3A_15 : vector<1000x64xf32>
    %max3A = arith.constant 0.000000e+00 : f32
    %max3A_17 = vector.broadcast %max3A : f32 to vector<1000x64xf32>
    %max3A_18 = arith.maximumf %add3A_16, %max3A_17 : vector<1000x64xf32>
    %get3A_19 = arith.constant 0 : index
    %get3A_20 = arith.constant 0 : index
    %get3A_21 = vector.load %arg7[%get3A_19, %get3A_20] : memref<1000x1xf32, #tpu.memory_space<vmem>>, vector<1000x1xf32>
    %get3A_22 = arith.constant 0 : index
    %get3A_23 = arith.constant 0 : index
    %get3A_24 = vector.load %arg5[%get3A_22, %get3A_23] : memref<64x64xf32, #tpu.memory_space<vmem>>, vector<64x64xf32>
    %dot_general3A = arith.constant dense<0.000000e+00> : vector<1000x64xf32>
    %dot_general3A_25 = tpu.matmul %max3A_18, %get3A_24, %dot_general3A {dimension_numbers = #tpu.dot_dimension_numbers<[1], [0], [0], [1], [0, 0, 1, 1], [], []>, transpose_lhs_hint = false} : vector<1000x64xf32>, vector<64x64xf32>, vector<1000x64xf32> -> vector<1000x64xf32>
    %mul3A_26 = vector.broadcast %get3A_21 : vector<1000x1xf32> to vector<1000x64xf32>
    %mul3A_27 = arith.mulf %mul3A_26, %dot_general3A_25 : vector<1000x64xf32>
    %swap3A = arith.constant 0 : index
    %swap3A_28 = arith.constant 0 : index
    %swap3A_29 = vector.load %arg8[%swap3A, %swap3A_28] : memref<1000x64xf32, #tpu.memory_space<vmem>>, vector<1000x64xf32>
    tpu.vector_store %arg8[%swap3A, %swap3A_28], %mul3A_27 {strides = array<i32>} : memref<1000x64xf32, #tpu.memory_space<vmem>>, vector<1000x64xf32>,
    %get3A_30 = arith.constant 0 : index
    %get3A_31 = arith.constant 0 : index
    %get3A_32 = vector.load %arg7[%get3A_30, %get3A_31] : memref<1000x1xf32, #tpu.memory_space<vmem>>, vector<1000x1xf32>
    %get3A_33 = arith.constant 0 : index
    %get3A_34 = arith.constant 0 : index
    %get3A_35 = vector.load %arg6[%get3A_33, %get3A_34] : memref<64x64xf32, #tpu.memory_space<vmem>>, vector<64x64xf32>
    %dot_general3A_36 = arith.constant dense<0.000000e+00> : vector<1000x64xf32>
    %dot_general3A_37 = tpu.matmul %max3A_18, %get3A_35, %dot_general3A_36 {dimension_numbers = #tpu.dot_dimension_numbers<[1], [0], [0], [1], [0, 0, 1, 1], [], []>, transpose_lhs_hint = false} : vector<1000x64xf32>, vector<64x64xf32>, vector<1000x64xf32> -> vector<1000x64xf32>
    %mul3A_38 = vector.broadcast %get3A_32 : vector<1000x1xf32> to vector<1000x64xf32>
    %mul3A_39 = arith.mulf %mul3A_38, %dot_general3A_37 : vector<1000x64xf32>
    %swap3A_40 = arith.constant 0 : index
    %swap3A_41 = arith.constant 0 : index
    %swap3A_42 = vector.load %arg9[%swap3A_40, %swap3A_41] : memref<1000x64xf32, #tpu.memory_space<vmem>>, vector<1000x64xf32>
    tpu.vector_store %arg9[%swap3A_40, %swap3A_41], %mul3A_39 {strides = array<i32>} : memref<1000x64xf32, #tpu.memory_space<vmem>>, vector<1000x64xf32>,
    return
  }
  func.func @transform_0(%arg0: i32) -> (i32, i32) {
    %c0_i32 = arith.constant 0 : i32
    %c0_i32_0 = arith.constant 0 : i32
    return %arg0, %c0_i32 : i32, i32
  }
  func.func @transform_1(%arg0: i32) -> (i32, i32) {
    %c0_i32 = arith.constant 0 : i32
    %c0_i32_0 = arith.constant 0 : i32
    return %arg0, %c0_i32 : i32, i32
  }
  func.func @transform_2(%arg0: i32) -> (i32, i32) {
    %c0_i32 = arith.constant 0 : i32
    %c0_i32_0 = arith.constant 0 : i32
    return %arg0, %c0_i32 : i32, i32
  }
  func.func @transform_3(%arg0: i32) -> (i32, i32) {
    %c0_i32 = arith.constant 0 : i32
    %c0_i32_0 = arith.constant 0 : i32
    %c0_i32_1 = arith.constant 0 : i32
    return %c0_i32, %c0_i32_0 : i32, i32
  }
  func.func @transform_4(%arg0: i32) -> (i32, i32) {
    %c0_i32 = arith.constant 0 : i32
    %c0_i32_0 = arith.constant 0 : i32
    %c0_i32_1 = arith.constant 0 : i32
    return %c0_i32, %c0_i32_0 : i32, i32
  }
  func.func @transform_5(%arg0: i32) -> (i32, i32) {
    %c0_i32 = arith.constant 0 : i32
    %c0_i32_0 = arith.constant 0 : i32
    %c0_i32_1 = arith.constant 0 : i32
    return %c0_i32, %c0_i32_0 : i32, i32
  }
  func.func @transform_6(%arg0: i32) -> (i32, i32) {
    %c0_i32 = arith.constant 0 : i32
    %c0_i32_0 = arith.constant 0 : i32
    return %arg0, %c0_i32 : i32, i32
  }
  func.func @transform_7(%arg0: i32) -> (i32, i32) {
    %c0_i32 = arith.constant 0 : i32
    %c0_i32_0 = arith.constant 0 : i32
    return %arg0, %c0_i32 : i32, i32
  }
  func.func @transform_8(%arg0: i32) -> (i32, i32) {
    %c0_i32 = arith.constant 0 : i32
    %c0_i32_0 = arith.constant 0 : i32
    return %arg0, %c0_i32 : i32, i32
  }
}

module attributes {stable_mosaic.version = 14 : i64} {
  func.func @_nw_body(%arg0: i32, %arg1: memref<1000x64xf32, #tpu.memory_space<vmem>>, %arg2: memref<1000x64xf32, #tpu.memory_space<vmem>>, %arg3: memref<1000x64xf32, #tpu.memory_space<vmem>>, %arg4: memref<1x64xf32, #tpu.memory_space<vmem>>, %arg5: memref<1000x1xf32, #tpu.memory_space<vmem>>, %arg6: memref<1000x64xf32, #tpu.memory_space<vmem>>) attributes {dimension_semantics = [#tpu.dimension_semantics<arbitrary>], iteration_bounds = array<i64: 10>, scalar_prefetch = 0 : i64, scratch_operands = 0 : i64, tpu.core_type = #tpu.core_type<tc>, window_params = [{transform_indices = @transform_0, window_bounds = array<i64: 1000, 64>}, {transform_indices = @transform_1, window_bounds = array<i64: 1000, 64>}, {transform_indices = @transform_2, window_bounds = array<i64: 1000, 64>}, {pipeline_mode = #tpu.pipeline_mode<synchronous>, transform_indices = @transform_3, window_bounds = array<i64: 1, 64>}, {transform_indices = @transform_4, window_bounds = array<i64: 1000, 1>}, {transform_indices = @transform_5, window_bounds = array<i64: 1000, 64>}]} {
    %get3A = arith.constant 0 : index
    %get3A_0 = arith.constant 0 : index
    %get3A_1 = vector.load %arg5[%get3A, %get3A_0] : memref<1000x1xf32, #tpu.memory_space<vmem>>, vector<1000x1xf32>
    %get3A_2 = arith.constant 0 : index
    %get3A_3 = arith.constant 0 : index
    %get3A_4 = vector.load %arg5[%get3A_2, %get3A_3] : memref<1000x1xf32, #tpu.memory_space<vmem>>, vector<1000x1xf32>
    %get3A_5 = arith.constant 0 : index
    %get3A_6 = arith.constant 0 : index
    %get3A_7 = vector.load %arg1[%get3A_5, %get3A_6] : memref<1000x64xf32, #tpu.memory_space<vmem>>, vector<1000x64xf32>
    %get3A_8 = arith.constant 0 : index
    %get3A_9 = arith.constant 0 : index
    %get3A_10 = vector.load %arg2[%get3A_8, %get3A_9] : memref<1000x64xf32, #tpu.memory_space<vmem>>, vector<1000x64xf32>
    %add3A = arith.addf %get3A_7, %get3A_10 : vector<1000x64xf32>
    %get3A_11 = arith.constant 0 : index
    %get3A_12 = arith.constant 0 : index
    %get3A_13 = vector.load %arg3[%get3A_11, %get3A_12] : memref<1000x64xf32, #tpu.memory_space<vmem>>, vector<1000x64xf32>
    %sub3A = arith.subf %add3A, %get3A_13 : vector<1000x64xf32>
    %mul3A = vector.broadcast %get3A_4 : vector<1000x1xf32> to vector<1000x64xf32>
    %mul3A_14 = arith.mulf %mul3A, %sub3A : vector<1000x64xf32>
    %get3A_15 = arith.constant 0 : index
    %get3A_16 = arith.constant 0 : index
    %get3A_17 = vector.load %arg4[%get3A_15, %get3A_16] : memref<1x64xf32, #tpu.memory_space<vmem>>, vector<1x64xf32>
    %add3A_18 = vector.broadcast %get3A_17 : vector<1x64xf32> to vector<1000x64xf32>
    %add3A_19 = arith.addf %mul3A_14, %add3A_18 : vector<1000x64xf32>
    %max3A = arith.constant 0.000000e+00 : f32
    %max3A_20 = vector.broadcast %max3A : f32 to vector<1000x64xf32>
    %max3A_21 = arith.maximumf %add3A_19, %max3A_20 : vector<1000x64xf32>
    %mul3A_22 = vector.broadcast %get3A_1 : vector<1000x1xf32> to vector<1000x64xf32>
    %mul3A_23 = arith.mulf %mul3A_22, %max3A_21 : vector<1000x64xf32>
    %swap3A = arith.constant 0 : index
    %swap3A_24 = arith.constant 0 : index
    %swap3A_25 = vector.load %arg6[%swap3A, %swap3A_24] : memref<1000x64xf32, #tpu.memory_space<vmem>>, vector<1000x64xf32>
    tpu.vector_store %arg6[%swap3A, %swap3A_24], %mul3A_23 {strides = array<i32>} : memref<1000x64xf32, #tpu.memory_space<vmem>>, vector<1000x64xf32>,
    return
  }
  func.func @transform_0(%arg0: i32) -> (i32, i32) {
    %c0_i32 = arith.constant 0 : i32
    %c0_i32_0 = arith.constant 0 : i32
    return %arg0, %c0_i32 : i32, i32
  }
  func.func @transform_1(%arg0: i32) -> (i32, i32) {
    %c0_i32 = arith.constant 0 : i32
    %c0_i32_0 = arith.constant 0 : i32
    return %arg0, %c0_i32 : i32, i32
  }
  func.func @transform_2(%arg0: i32) -> (i32, i32) {
    %c0_i32 = arith.constant 0 : i32
    %c0_i32_0 = arith.constant 0 : i32
    return %arg0, %c0_i32 : i32, i32
  }
  func.func @transform_3(%arg0: i32) -> (i32, i32) {
    %c0_i32 = arith.constant 0 : i32
    %c0_i32_0 = arith.constant 0 : i32
    %c0_i32_1 = arith.constant 0 : i32
    return %c0_i32, %c0_i32_0 : i32, i32
  }
  func.func @transform_4(%arg0: i32) -> (i32, i32) {
    %c0_i32 = arith.constant 0 : i32
    %c0_i32_0 = arith.constant 0 : i32
    return %arg0, %c0_i32 : i32, i32
  }
  func.func @transform_5(%arg0: i32) -> (i32, i32) {
    %c0_i32 = arith.constant 0 : i32
    %c0_i32_0 = arith.constant 0 : i32
    return %arg0, %c0_i32 : i32, i32
  }
}

module attributes {stable_mosaic.version = 14 : i64} {
  func.func @_fin_body(%arg0: i32, %arg1: memref<1000x64xf32, #tpu.memory_space<vmem>>, %arg2: memref<1000x64xf32, #tpu.memory_space<vmem>>, %arg3: memref<1000x64xf32, #tpu.memory_space<vmem>>, %arg4: memref<1x64xf32, #tpu.memory_space<vmem>>, %arg5: memref<1000x1xf32, #tpu.memory_space<vmem>>, %arg6: memref<1000x64xf32, #tpu.memory_space<vmem>>) attributes {dimension_semantics = [#tpu.dimension_semantics<arbitrary>], iteration_bounds = array<i64: 10>, scalar_prefetch = 0 : i64, scratch_operands = 0 : i64, tpu.core_type = #tpu.core_type<tc>, window_params = [{transform_indices = @transform_0, window_bounds = array<i64: 1000, 64>}, {transform_indices = @transform_1, window_bounds = array<i64: 1000, 64>}, {transform_indices = @transform_2, window_bounds = array<i64: 1000, 64>}, {pipeline_mode = #tpu.pipeline_mode<synchronous>, transform_indices = @transform_3, window_bounds = array<i64: 1, 64>}, {transform_indices = @transform_4, window_bounds = array<i64: 1000, 1>}, {transform_indices = @transform_5, window_bounds = array<i64: 1000, 64>}]} {
    %get3A = arith.constant 0 : index
    %get3A_0 = arith.constant 0 : index
    %get3A_1 = vector.load %arg5[%get3A, %get3A_0] : memref<1000x1xf32, #tpu.memory_space<vmem>>, vector<1000x1xf32>
    %get3A_2 = arith.constant 0 : index
    %get3A_3 = arith.constant 0 : index
    %get3A_4 = vector.load %arg1[%get3A_2, %get3A_3] : memref<1000x64xf32, #tpu.memory_space<vmem>>, vector<1000x64xf32>
    %get3A_5 = arith.constant 0 : index
    %get3A_6 = arith.constant 0 : index
    %get3A_7 = vector.load %arg2[%get3A_5, %get3A_6] : memref<1000x64xf32, #tpu.memory_space<vmem>>, vector<1000x64xf32>
    %add3A = arith.addf %get3A_4, %get3A_7 : vector<1000x64xf32>
    %get3A_8 = arith.constant 0 : index
    %get3A_9 = arith.constant 0 : index
    %get3A_10 = vector.load %arg3[%get3A_8, %get3A_9] : memref<1000x64xf32, #tpu.memory_space<vmem>>, vector<1000x64xf32>
    %sub3A = arith.subf %add3A, %get3A_10 : vector<1000x64xf32>
    %mul3A = vector.broadcast %get3A_1 : vector<1000x1xf32> to vector<1000x64xf32>
    %mul3A_11 = arith.mulf %mul3A, %sub3A : vector<1000x64xf32>
    %get3A_12 = arith.constant 0 : index
    %get3A_13 = arith.constant 0 : index
    %get3A_14 = vector.load %arg4[%get3A_12, %get3A_13] : memref<1x64xf32, #tpu.memory_space<vmem>>, vector<1x64xf32>
    %add3A_15 = vector.broadcast %get3A_14 : vector<1x64xf32> to vector<1000x64xf32>
    %add3A_16 = arith.addf %mul3A_11, %add3A_15 : vector<1000x64xf32>
    %max3A = arith.constant 0.000000e+00 : f32
    %max3A_17 = vector.broadcast %max3A : f32 to vector<1000x64xf32>
    %max3A_18 = arith.maximumf %add3A_16, %max3A_17 : vector<1000x64xf32>
    %swap3A = arith.constant 0 : index
    %swap3A_19 = arith.constant 0 : index
    %swap3A_20 = vector.load %arg6[%swap3A, %swap3A_19] : memref<1000x64xf32, #tpu.memory_space<vmem>>, vector<1000x64xf32>
    tpu.vector_store %arg6[%swap3A, %swap3A_19], %max3A_18 {strides = array<i32>} : memref<1000x64xf32, #tpu.memory_space<vmem>>, vector<1000x64xf32>,
    return
  }
  func.func @transform_0(%arg0: i32) -> (i32, i32) {
    %c0_i32 = arith.constant 0 : i32
    %c0_i32_0 = arith.constant 0 : i32
    return %arg0, %c0_i32 : i32, i32
  }
  func.func @transform_1(%arg0: i32) -> (i32, i32) {
    %c0_i32 = arith.constant 0 : i32
    %c0_i32_0 = arith.constant 0 : i32
    return %arg0, %c0_i32 : i32, i32
  }
  func.func @transform_2(%arg0: i32) -> (i32, i32) {
    %c0_i32 = arith.constant 0 : i32
    %c0_i32_0 = arith.constant 0 : i32
    return %arg0, %c0_i32 : i32, i32
  }
  func.func @transform_3(%arg0: i32) -> (i32, i32) {
    %c0_i32 = arith.constant 0 : i32
    %c0_i32_0 = arith.constant 0 : i32
    %c0_i32_1 = arith.constant 0 : i32
    return %c0_i32, %c0_i32_0 : i32, i32
  }
  func.func @transform_4(%arg0: i32) -> (i32, i32) {
    %c0_i32 = arith.constant 0 : i32
    %c0_i32_0 = arith.constant 0 : i32
    return %arg0, %c0_i32 : i32, i32
  }
  func.func @transform_5(%arg0: i32) -> (i32, i32) {
    %c0_i32 = arith.constant 0 : i32
    %c0_i32_0 = arith.constant 0 : i32
    return %arg0, %c0_i32 : i32, i32
  }
}

module attributes {stable_mosaic.version = 14 : i64} {
  func.func @_sst_body(%arg0: i32, %arg1: i32, %arg2: memref<1000x64xf32, #tpu.memory_space<vmem>>, %arg3: memref<1024x64xf32, #tpu.memory_space<vmem>>, %arg4: memref<1000x1024xf32, #tpu.memory_space<vmem>>) attributes {dimension_semantics = [#tpu.dimension_semantics<arbitrary>, #tpu.dimension_semantics<arbitrary>], iteration_bounds = array<i64: 10, 10>, scalar_prefetch = 0 : i64, scratch_operands = 0 : i64, tpu.core_type = #tpu.core_type<tc>, window_params = [{transform_indices = @transform_0, window_bounds = array<i64: 1000, 64>}, {transform_indices = @transform_1, window_bounds = array<i64: 1024, 64>}, {transform_indices = @transform_2, window_bounds = array<i64: 1000, 1024>}]} {
    %get3A = arith.constant 0 : index
    %get3A_0 = arith.constant 0 : index
    %get3A_1 = vector.load %arg2[%get3A, %get3A_0] : memref<1000x64xf32, #tpu.memory_space<vmem>>, vector<1000x64xf32>
    %get3A_2 = arith.constant 0 : index
    %get3A_3 = arith.constant 0 : index
    %get3A_4 = vector.load %arg3[%get3A_2, %get3A_3] : memref<1024x64xf32, #tpu.memory_space<vmem>>, vector<1024x64xf32>
    %dot_general3A = arith.constant dense<0.000000e+00> : vector<1000x1024xf32>
    %dot_general3A_5 = tpu.matmul %get3A_1, %get3A_4, %dot_general3A {dimension_numbers = #tpu.dot_dimension_numbers<[1], [1], [0], [0], [0, 0, 1, 0], [], []>, transpose_lhs_hint = false} : vector<1000x64xf32>, vector<1024x64xf32>, vector<1000x1024xf32> -> vector<1000x1024xf32>
    %swap3A = arith.constant 0 : index
    %swap3A_6 = arith.constant 0 : index
    %swap3A_7 = vector.load %arg4[%swap3A, %swap3A_6] : memref<1000x1024xf32, #tpu.memory_space<vmem>>, vector<1000x1024xf32>
    tpu.vector_store %arg4[%swap3A, %swap3A_6], %dot_general3A_5 {strides = array<i32>} : memref<1000x1024xf32, #tpu.memory_space<vmem>>, vector<1000x1024xf32>,
    return
  }
  func.func @transform_0(%arg0: i32, %arg1: i32) -> (i32, i32) {
    %c0_i32 = arith.constant 0 : i32
    %c0_i32_0 = arith.constant 0 : i32
    return %arg0, %c0_i32 : i32, i32
  }
  func.func @transform_1(%arg0: i32, %arg1: i32) -> (i32, i32) {
    %c0_i32 = arith.constant 0 : i32
    %c0_i32_0 = arith.constant 0 : i32
    return %arg1, %c0_i32 : i32, i32
  }
  func.func @transform_2(%arg0: i32, %arg1: i32) -> (i32, i32) {
    %c0_i32 = arith.constant 0 : i32
    return %arg0, %arg1 : i32, i32
  }
}

module attributes {stable_mosaic.version = 14 : i64} {
  func.func @_att_body(%arg0: i32, %arg1: memref<1000x64xf32, #tpu.memory_space<vmem>>, %arg2: memref<1000x64xf32, #tpu.memory_space<vmem>>, %arg3: memref<1000x64xf32, #tpu.memory_space<vmem>>, %arg4: memref<1x128xf32, #tpu.memory_space<vmem>>, %arg5: memref<64x128xf32, #tpu.memory_space<vmem>>, %arg6: memref<1000x1xf32, #tpu.memory_space<vmem>>, %arg7: memref<1000x128xf32, #tpu.memory_space<vmem>>) attributes {dimension_semantics = [#tpu.dimension_semantics<arbitrary>], iteration_bounds = array<i64: 10>, scalar_prefetch = 0 : i64, scratch_operands = 0 : i64, tpu.core_type = #tpu.core_type<tc>, window_params = [{transform_indices = @transform_0, window_bounds = array<i64: 1000, 64>}, {transform_indices = @transform_1, window_bounds = array<i64: 1000, 64>}, {transform_indices = @transform_2, window_bounds = array<i64: 1000, 64>}, {pipeline_mode = #tpu.pipeline_mode<synchronous>, transform_indices = @transform_3, window_bounds = array<i64: 1, 128>}, {pipeline_mode = #tpu.pipeline_mode<synchronous>, transform_indices = @transform_4, window_bounds = array<i64: 64, 128>}, {transform_indices = @transform_5, window_bounds = array<i64: 1000, 1>}, {transform_indices = @transform_6, window_bounds = array<i64: 1000, 128>}]} {
    %get3A = arith.constant 0 : index
    %get3A_0 = arith.constant 0 : index
    %get3A_1 = vector.load %arg6[%get3A, %get3A_0] : memref<1000x1xf32, #tpu.memory_space<vmem>>, vector<1000x1xf32>
    %get3A_2 = arith.constant 0 : index
    %get3A_3 = arith.constant 0 : index
    %get3A_4 = vector.load %arg1[%get3A_2, %get3A_3] : memref<1000x64xf32, #tpu.memory_space<vmem>>, vector<1000x64xf32>
    %get3A_5 = arith.constant 0 : index
    %get3A_6 = arith.constant 0 : index
    %get3A_7 = vector.load %arg2[%get3A_5, %get3A_6] : memref<1000x64xf32, #tpu.memory_space<vmem>>, vector<1000x64xf32>
    %add3A = arith.addf %get3A_4, %get3A_7 : vector<1000x64xf32>
    %get3A_8 = arith.constant 0 : index
    %get3A_9 = arith.constant 0 : index
    %get3A_10 = vector.load %arg3[%get3A_8, %get3A_9] : memref<1000x64xf32, #tpu.memory_space<vmem>>, vector<1000x64xf32>
    %sub3A = arith.subf %add3A, %get3A_10 : vector<1000x64xf32>
    %mul3A = vector.broadcast %get3A_1 : vector<1000x1xf32> to vector<1000x64xf32>
    %mul3A_11 = arith.mulf %mul3A, %sub3A : vector<1000x64xf32>
    %get3A_12 = arith.constant 0 : index
    %get3A_13 = arith.constant 0 : index
    %get3A_14 = vector.load %arg5[%get3A_12, %get3A_13] : memref<64x128xf32, #tpu.memory_space<vmem>>, vector<64x128xf32>
    %dot_general3A = arith.constant dense<0.000000e+00> : vector<1000x128xf32>
    %dot_general3A_15 = tpu.matmul %mul3A_11, %get3A_14, %dot_general3A {dimension_numbers = #tpu.dot_dimension_numbers<[1], [0], [0], [1], [0, 0, 1, 1], [], []>, transpose_lhs_hint = false} : vector<1000x64xf32>, vector<64x128xf32>, vector<1000x128xf32> -> vector<1000x128xf32>
    %get3A_16 = arith.constant 0 : index
    %get3A_17 = arith.constant 0 : index
    %get3A_18 = vector.load %arg4[%get3A_16, %get3A_17] : memref<1x128xf32, #tpu.memory_space<vmem>>, vector<1x128xf32>
    %add3A_19 = vector.broadcast %get3A_18 : vector<1x128xf32> to vector<1000x128xf32>
    %add3A_20 = arith.addf %dot_general3A_15, %add3A_19 : vector<1000x128xf32>
    %max3A = arith.constant 0.000000e+00 : f32
    %max3A_21 = vector.broadcast %max3A : f32 to vector<1000x128xf32>
    %max3A_22 = arith.maximumf %add3A_20, %max3A_21 : vector<1000x128xf32>
    %swap3A = arith.constant 0 : index
    %swap3A_23 = arith.constant 0 : index
    %swap3A_24 = vector.load %arg7[%swap3A, %swap3A_23] : memref<1000x128xf32, #tpu.memory_space<vmem>>, vector<1000x128xf32>
    tpu.vector_store %arg7[%swap3A, %swap3A_23], %max3A_22 {strides = array<i32>} : memref<1000x128xf32, #tpu.memory_space<vmem>>, vector<1000x128xf32>,
    return
  }
  func.func @transform_0(%arg0: i32) -> (i32, i32) {
    %c0_i32 = arith.constant 0 : i32
    %c0_i32_0 = arith.constant 0 : i32
    return %arg0, %c0_i32 : i32, i32
  }
  func.func @transform_1(%arg0: i32) -> (i32, i32) {
    %c0_i32 = arith.constant 0 : i32
    %c0_i32_0 = arith.constant 0 : i32
    return %arg0, %c0_i32 : i32, i32
  }
  func.func @transform_2(%arg0: i32) -> (i32, i32) {
    %c0_i32 = arith.constant 0 : i32
    %c0_i32_0 = arith.constant 0 : i32
    return %arg0, %c0_i32 : i32, i32
  }
  func.func @transform_3(%arg0: i32) -> (i32, i32) {
    %c0_i32 = arith.constant 0 : i32
    %c0_i32_0 = arith.constant 0 : i32
    %c0_i32_1 = arith.constant 0 : i32
    return %c0_i32, %c0_i32_0 : i32, i32
  }
  func.func @transform_4(%arg0: i32) -> (i32, i32) {
    %c0_i32 = arith.constant 0 : i32
    %c0_i32_0 = arith.constant 0 : i32
    %c0_i32_1 = arith.constant 0 : i32
    return %c0_i32, %c0_i32_0 : i32, i32
  }
  func.func @transform_5(%arg0: i32) -> (i32, i32) {
    %c0_i32 = arith.constant 0 : i32
    %c0_i32_0 = arith.constant 0 : i32
    return %arg0, %c0_i32 : i32, i32
  }
  func.func @transform_6(%arg0: i32) -> (i32, i32) {
    %c0_i32 = arith.constant 0 : i32
    %c0_i32_0 = arith.constant 0 : i32
    return %arg0, %c0_i32 : i32, i32
  }
}

</mosaic_0001>

<sc_bundles>
// kernel: kernel.18.cloned.1.call-start
scs
__scs_entry_jumppad:
0x0: {  	(pc) =	sbr.rel $0x88, $3  }
0x1: {  	(tag) =	ssettag $0x0;
	lr =	simm.s32 $0x1  }
0x2: {  	[smem:$0x3F93] =	sst lr;
	_ =	strace $0xD0000000  }
0x3: {  	_ = 	snop  }
0x4: {  	_ = 	snop  }
0x5: {  	_ = 	snop  }
0x6: {  	_ = 	snop  }
0x7: {  	_ = 	snop  }
__scs_overlays_trampoline_lowered:
0x8: {  	[smem:$0x3FA2] =	sst s0  }
0x9: {  	[smem:$0x3FA3] =	sst s1  }
0xa: {  	[smem:$0x3FA4] =	sst s2  }
0xb: {  	[smem:$0x3FA5] =	sst s3  }
0xc: {  	[smem:$0x3FA6] =	sst s4  }
0xd: {  	[smem:$0x3FA7] =	sst s5  }
0xe: {  	[smem:$0x3FA8] =	sst s6  }
0xf: {  	[smem:$0x3FA9] =	sst s7  }
0x10: {  	[smem:$0x3FAA] =	sst s8  }
0x11: {  	[smem:$0x3FAB] =	sst s9;
	s0 =	simm.s32 @!p0 $0x0  }
0x12: {  	s1 =	sld [smem:$0x3F91];
	s0 =	simm.s32 @p0 $0x1  }
0x13: {  	[smem:$0x3FAC] =	sst s0;
	s0 =	simm.s32 @!p1 $0x0  }
0x14: {  	s2 =	sld [smem:$0x3F90];
	s0 =	simm.s32 @p1 $0x1  }
0x15: {  	[smem:$0x3FAD] =	sst s0;
	s0 =	simm.s32 @!p2 $0x0  }
0x16: {  	s3 =	sld [smem:$0x3FDB];
	s0 =	simm.s32 @p2 $0x1  }
0x17: {  	s4 =	simm.s32 $0x1BF5;
	[smem:$0x3FAF] =	sst s0  }
0x18: {  	s0 =	sld [smem:$0x3F92];
	_ =	swait.ge [sflag:s4], $0x0  }
0x19: {  	s7 =	sld [smem:$0x3F93]  }
0x1a: {  	s8 =	sadd.s32 $0xFFFFE003, lr  }
0x1b: {  	s9 =	sadd.s32 $0xFFFFFEF7, lr;
	s5 =	simm.s32 $0xFFFFFFFF;
	p2 =	slt.u32 s8, $0xFFFFF086  }
0x1c: {  	p1 =	slt.u32 s9, $0xF7A;
	s5 =	simm.s32 @!p2 $0x0  }
0x1d: {  	s5 =	simm.s32 @p1 $0x1;
	p0 =	seq.s32 s7, s2  }
0x1e: {  	s7 =	smul.u32 @!p0 $0xF7A, s2;
	p2 =	seq.s32 @!p0 s5, $0x0  }
0x1f: {  	s9 =	smul.u32 $0xF7A, s1;
	s8 =	simm.s32 @!p0 $0x1BF5;
	p2 =	por !p2, p0  }
0x20: {  	[sflag:s8] =	ssyncset.s32 @!p0 $0xFFFFF086;
	s6 =	sadd.s32 @!p0 s3, s7;
	s7 =	simm.s32 @!p0 $0x108  }
0x21: {  	s3 =	sadd.s32 s3, s9;
	s6 =	sadd.s32 @!p0 $0x88, s6;
	s7 =	simm.s32 @p2 $0x1082  }
0x22: {  	[simem:s7], [sflag:s8] =	dma.local @!p0 [hbm:s6], $0xF7A  }
0x23: {  	s9 =	sor.u32 $0xD0000000, s2;
	s6 =	simm.s32 $0x108;
	_ =	swait.ge @!p0 [sflag:s8], $0x0  }
0x24: {  	s3 =	sadd.s32 $0x88, s3;
	s6 =	simm.s32 @!p1 $0x1082;
	[sflag:s4] =	ssyncset.s32 $0xFFFFF086  }
0x25: {  	[simem:s6], [sflag:s4] =	dma.local [hbm:s3], $0xF7A  }
0x26: {  	[smem:$0x3F93] =	sst s1;
	(tag) =	ssettag s2;
	_ =	strace s9  }
0x27: {  	s1 =	sld [smem:$0x3FA3]  }
0x28: {  	s2 =	sld [smem:$0x3FA4]  }
0x29: {  	s4 =	sld [smem:$0x3FA6]  }
0x2a: {  	p0 =	seq.s32 s5, $0x0;
	s5 =	sld [smem:$0x3FA7]  }
0x2b: {  	s6 =	sld [smem:$0x3FA8]  }
0x2c: {  	s7 =	sld [smem:$0x3FA9]  }
0x2d: {  	s3 =	simm.s32 $0x108;
	s8 =	sld [smem:$0x3FAA]  }
0x2e: {  	s3 =	simm.s32 @!p0 $0x1082;
	s9 =	sld [smem:$0x3FAB]  }
0x2f: {  	lr =	sadd.s32 s0, s3;
	s0 =	sld [smem:$0x3FA2]  }
0x30: {  	s3 =	sld [smem:$0x3FA5]  }
0x31: {  	[smem:$0x3FAE] =	sst s10  }
0x32: {  	s10 =	sld [smem:$0x3FAC];
	_ =	sdelay $0x3  }
0x33: {  	p0 =	seq.s32 s10, $0x1;
	s10 =	sld [smem:$0x3FAE];
	_ =	sdelay $0x3  }
0x34: {  	[smem:$0x3FAE] =	sst s10  }
0x35: {  	s10 =	sld [smem:$0x3FAD];
	_ =	sdelay $0x3  }
0x36: {  	p1 =	seq.s32 s10, $0x1;
	s10 =	sld [smem:$0x3FAE];
	_ =	sdelay $0x3  }
0x37: {  	[smem:$0x3FAE] =	sst s10  }
0x38: {  	s10 =	sld [smem:$0x3FAF]  }
0x39: {  	_ = 	snop;
	(pc) =	sbr.ind lr, $3  }
0x3a: {  	_ = 	snop  }
0x3b: {  	_ = 	snop  }
0x3c: {  	p2 =	seq.s32 s10, $0x1;
	s10 =	sld [smem:$0x3FAE]  }
0x3d: {  	_ =	shalt  }
0x3e: {  	_ =	shalt  }
0x3f: {  	_ =	shalt  }
0x40: {  	_ =	shalt  }
0x41: {  	_ =	shalt  }
0x42: {  	_ =	shalt  }
0x43: {  	_ =	shalt  }
0x44: {  	_ =	shalt  }
0x45: {  	_ =	shalt  }
0x46: {  	_ =	shalt  }
0x47: {  	_ =	shalt  }
0x48: {  	_ =	shalt  }
0x49: {  	_ =	shalt  }
0x4a: {  	_ =	shalt  }
0x4b: {  	_ =	shalt  }
0x4c: {  	_ =	shalt  }
0x4d: {  	_ =	shalt  }
0x4e: {  	_ =	shalt  }
0x4f: {  	_ =	shalt  }
0x50: {  	_ =	shalt  }
0x51: {  	_ =	shalt  }
0x52: {  	_ =	shalt  }
0x53: {  	_ =	shalt  }
0x54: {  	_ =	shalt  }
0x55: {  	_ =	shalt  }
0x56: {  	_ =	shalt  }
0x57: {  	_ =	shalt  }
0x58: {  	_ =	shalt  }
0x59: {  	_ =	shalt  }
0x5a: {  	_ =	shalt  }
0x5b: {  	_ =	shalt  }
0x5c: {  	_ =	shalt  }
0x5d: {  	_ =	shalt  }
0x5e: {  	_ =	shalt  }
0x5f: {  	_ =	shalt  }
0x60: {  	_ =	shalt  }
0x61: {  	_ =	shalt  }
0x62: {  	_ =	shalt  }
0x63: {  	_ =	shalt  }
0x64: {  	_ =	shalt  }
0x65: {  	_ =	shalt  }
0x66: {  	_ =	shalt  }
0x67: {  	_ =	shalt  }
0x68: {  	_ =	shalt  }
0x69: {  	_ =	shalt  }
0x6a: {  	_ =	shalt  }
0x6b: {  	_ =	shalt  }
0x6c: {  	_ =	shalt  }
0x6d: {  	_ =	shalt  }
0x6e: {  	_ =	shalt  }
0x6f: {  	_ =	shalt  }
0x70: {  	_ =	shalt  }
0x71: {  	_ =	shalt  }
0x72: {  	_ =	shalt  }
0x73: {  	_ =	shalt  }
0x74: {  	_ =	shalt  }
0x75: {  	_ =	shalt  }
0x76: {  	_ =	shalt  }
0x77: {  	_ =	shalt  }
0x78: {  	_ =	shalt  }
0x79: {  	_ =	shalt  }
0x7a: {  	_ =	shalt  }
0x7b: {  	_ =	shalt  }
0x7c: {  	_ =	shalt  }
0x7d: {  	_ =	shalt  }
0x7e: {  	_ =	shalt  }
0x7f: {  	_ =	shalt  }
0x80: {  	_ =	shalt  }
0x81: {  	_ =	shalt  }
0x82: {  	_ =	shalt  }
0x83: {  	_ =	shalt  }
0x84: {  	_ =	shalt  }
0x85: {  	_ =	shalt  }
0x86: {  	_ =	shalt  }
0x87: {  	_ =	shalt  }
.Lfunc_end0:
.L_simem_size_0:
called_computation_lowered:
.L_overlay_start_0:
0x88: {  	s2 =	sld [smem:$0x3FD9]  }
0x89: {  	s3 =	sld [smem:$0x3FFE];
	_ =	sdelay $0x1  }
0x8a: {  	s1 =	srdreg.scid  }
0x8b: {  	s0 =	sand.u32 $0x1, s1  }
0x8c: {  	s14 =	sshll.u32 s0, $0xA;
	s2 =	sadd.s32 s3, s2  }
0x8d: {  	s2 =	sadd.s32 s2, s14  }
0x8e: {  	[smem:$0x3FBA] =	sst s2  }
0x8f: {  	_ = 	snop  }
0x90: {  	s2 =	sld [smem:$0x3FD0];
	_ =	sdelay $0x2  }
0x91: {  	s15 =	simm.s32 $0xB;
	s4 =	simm.s32 $0x10  }
0x92: {  	[smem:s4], [sflag:s15] =	dma.local [hbm:s2], $0x1  }
0x93: {  	_ =	swait.eq [sflag:s15], $0x1  }
0x94: {  	[sflag:s15] =	ssyncset.done $0x0  }
0x95: {  	s16 =	sld [smem:$0x10];
	[sflag:s15] =	ssyncadd.s32 $0xFFFFFFFF  }
0x96: {  	s17 =	sld [smem:$0x11];
	(tm) =	ssettm $0x1  }
0x97: {  	s18 =	sld [smem:$0x3FFB];
	_ =	sdelay $0x3  }
0x98: {  	_ =	strace s18  }
0x99: {  	s4 =	sld [smem:$0x3FFC];
	_ =	sdelay $0x3  }
0x9a: {  	_ =	strace s4  }
0x9b: {  	s4 =	sld [smem:$0x3FFD];
	_ =	sdelay $0x3  }
0x9c: {  	_ =	strace s4  }
0x9d: {  	_ =	strace $0x8FFFFFFF  }
0x9e: {  	s19 =	sld [smem:$0x3FDB];
	_ =	sdelay $0x1  }
0x9f: {  	s5 =	simm.s32 $_scs_section_size  }
0xa0: {  	s6 =	simm.s32 $_size__tile_overlayer_lowered;
	s7 =	simm.s32 $_tile_overlayer_lowered  }
0xa1: {  	s22 =	simm.s32 $0x1BFF;
	s21 =	sshll.u32 s7, $0x1;
	s4 =	sadd.s32 s5, s19  }
0xa2: {  	s8 =	simm.s32 $0x0;
	s20 =	sshll.u32 s6, $0x1;
	s6 =	sadd.s32 s21, s4  }
0xa3: {  	[timem:s8], [sflag:s22] =	dma.local [hbm:s6], s20  }
0xa4: {  	_ =	swait.ge [sflag:s22], s20  }
0xa5: {  	s5 =	ssub.s32 $0x0, s20;
	[sflag:s22] =	ssyncset.done $0x0  }
0xa6: {  	[sflag:s22] =	ssyncadd.s32 s5;
	_ =	sdelay $0x1  }
0xa7: {  	s23 =	simm.s32 $0x1B8B  }
0xa8: {  	_ =	swait.ge [sflag:s23], $0x1  }
0xa9: {  	[sflag:s23] =	ssyncset.done $0x0  }
0xaa: {  	s25 =	simm.s32 $0x1B8E;
	s24 =	sld [smem:$0x3FFE];
	[sflag:s23] =	ssyncadd.s32 $0xFFFFFFFF  }
0xab: {  	s26 =	simm.s32 $execute0_lowered;
	[smem:$0x3FD2] =	sst s25  }
0xac: {  	s6 =	sshll.u32 s26, $0x1;
	_ =	strace $0x80000046;
	[dreg:$0x1] =	wrdreg $0xFFFFFFFF  }
0xad: {  	s28 =	simm.s32 $_size_execute0_lowered;
	s4 =	sadd.s32 s4, s6;
	[dreg:$0x0] =	wrdreg $0x0  }
0xae: {  	s6 =	sshll.u32 s28, $0x1;
	[dreg:$0x2] =	wrdreg s4  }
0xaf: {  	[dreg:$0x3] =	wrdreg s6  }
0xb0: {  	[dreg:$0x4] =	wrdreg $0xC0  }
0xb1: {  	_ =	task [dreg:s8], $0x5FFFF  }
0xb2: {  	[dreg:$0x1] =	wrdreg $0xFFFFFFFF  }
0xb3: {  	[dreg:$0x0] =	wrdreg $0x60  }
0xb4: {  	[dreg:$0x2] =	wrdreg s16  }
0xb5: {  	[dreg:$0x3] =	wrdreg s24  }
0xb6: {  	[dreg:$0x4] =	wrdreg s17  }
0xb7: {  	[dreg:$0x5] =	wrdreg $0x0  }
0xb8: {  	[dreg:$0x6] =	wrdreg $0x9  }
0xb9: {  	_ =	task.clear_ibuf [dreg:s8], $0x7FFFF;
	_ =	strace $0x90000046  }
0xba: {  	s29 =	simm.s32 $0x9;
	_ =	strace $0x80000048  }
0xbb: {  	_ =	swait.ge [sflag:s29], $0x1  }
0xbc: {  	[sflag:s29] =	ssyncadd.s32 $0xFFFFFFFF  }
0xbd: {  	_ =	strace $0x90000048  }
0xbe: {  	_ =	sfence  }
0xbf: {  	s30 =	sld [smem:$0x0];
	_ =	sdelay $0x2  }
0xc0: {  	s31 =	sshll.u32 s1, $0xD;
	s1 =	sshrl.u32 s1, $0x2  }
0xc1: {  	s3 =	sand.u32 $0x4000, s31;
	s1 =	sadd.s32 s1, s30  }
0xc2: {  	s0 =	sor.u32 s3, s0;
	s1 =	sshll.u32 s1, $0x11  }
0xc3: {  	s0 =	sor.u32 s1, s0  }
0xc4: {  	s0 =	sadd.s32 $0x8F2B, s0  }
0xc5: {  	[sflag:s0] =	ssyncadd.remote.s32 $0x1  }
0xc6: {  	_ =	sfence.sel $0xFFFF  }
0xc7: {  	[dreg:$0x0] =	wrdreg $0xFFFFFFFF;
	(pc) =	sbr.abs _section_cstart, $3  }
0xc8: {  	[dreg:$0x1] =	wrdreg $0xFFFFFFFF  }
0xc9: {  	_ =	task.clear_ibuf [dreg:s8], $0x2FFFF;
	_ =	strace $0x9FFFFFFF  }
0xca: {  	(tm) =	ssettm $0x7FFFFFFF  }
0xcb: {  	_ =	shalt  }
tec
execute0_lowered:
.L_overlay_start_1:
0x0: {  	(tag) =	ssettag $0x1  }
0x1: {  	s0 =	rddreg [dreg:$0x0]  }
0x2: {  	s5 =	rddreg [dreg:$0x1]  }
0x3: {  	s7 =	rddreg [dreg:$0x2]  }
0x4: {  	s1 =	srdreg.scid;
	s3 =	rddreg [dreg:$0x3]  }
0x5: {  	s2 =	stileid.u32;
	s4 =	simm.s32 $0x0;
	s15 =	simm.s32 $0x2718  }
0x6: {  	s16 =	simm.s32 $0x2;
	s17 =	simm.s32 $0x2918;
	s18 =	simm.s32 $0x200  }
0x7: {  	s19 =	simm.s32 $0x2B18;
	s20 =	simm.s32 $0x1;
	s21 =	simm.s32 $0x0  }
0x8: {  	s6 =	sand.u32 $0x1, s1;
	s1 =	rddreg [dreg:$0x4];
	s9 =	smul.u32 $0x2800, s2  }
0x9: {  	[smem:$0x7FF] =	sst s4;
	s10 =	smul.u32 $0x2700, s2;
	s12 =	sadd.s32 $0x24900, s3  }
0xa: {  	p0 =	seq.s32 s2, $0xF;
	s8 =	smul.u32 $0x28000, s6;
	_ =	strace $0x80000047  }
0xb: {  	s26 =	ssub.s32 $0x2, s6;
	s6 =	smul.u32 $0x27100, s6;
	s12 =	sshrl.u32 @p0 s12, $0x3  }
0xc: {  	s13 =	sshll.u32 @!p0 s2, $0x6;
	s28 =	sshrl.u32 s26, $0x1;
	s14 =	sadd.s32 s10, s3  }
0xd: {  	s29 =	sshrl.u32 s10, $0x3;
	s13 =	sor.u32 @!p0 $0x1C02, s13;
	s8 =	sadd.s32 s9, s8  }
0xe: {  	s9 =	ssub.s32 s26, s28;
	s30 =	sadd.s32 s10, s6;
	s6 =	sshrl.u32 s6, $0x3  }
0xf: {  	s14 =	sshrl.u32 @!p0 s14, $0x3;
	s8 =	sshrl.u32 s8, $0x3;
	s31 =	sadd.s32 s7, s6  }
0x10: {  	s6 =	sadd.s32 $0x4920, s0;
	s11 =	sadd.s32 s8, s5;
	s8 =	sshrl.u32 s30, $0x3  }
0x11: {  	s9 =	smax.u32 s9, $0x1;
	s5 =	sadd.s32 s0, s29;
	s7 =	sadd.s32 s7, s8  }
0x12: {  	s8 =	sadd.s32 $0x4920, s31;
	s10 =	sadd.s32 $0x6800, s11;
	s11 =	sadd.s32 $0x10800, s11  }
.LBB2_1:
0x13: {  	s22 =	simm.s32 @p0 $0x1FC2  }
0x14: {  	[spmem:s12], [sflag:s22] =	dma.local @p0 [hbm:s6], $0x500  }
0x15: {  	s22 =	simm.s32 @p0 $0x2  }
0x16: {  	_ =	swait.ge @p0 [sflag:s22], $0x500  }
0x17: {  	[sflag:s22] =	ssyncset.done @p0 $0x0  }
0x18: {  	[sflag:s22] =	ssyncadd.s32 @p0 $0xFFFFFB00;
	s22 =	simm.s32 @!p0 $0x2  }
0x19: {  	[spmem:s14], [sflag:s13] =	dma.local @!p0 [hbm:s5], $0x4E0  }
0x1a: {  	_ =	swait.ge @!p0 [sflag:s22], $0x4E0  }
0x1b: {  	[sflag:s22] =	ssyncset.done @!p0 $0x0  }
0x1c: {  	[sflag:s22] =	ssyncadd.s32 @!p0 $0xFFFFFB20  }
0x1d: {  	s30 =	sadd.s32 $0x0, s11;
	[bflag:$0x0] =	sbarrier.arrive $0xFFFF  }
0x1e: {  	[tilespmem:s15], [sflag:$0x2] =	stream.linear.gather [hbm4b:s30+s4], $0x200, $0x38;
	[tilespmem:$0x4B18] =	vst v63  }
0x1f: {  	_ =	swait.ge [sflag:s16], $0x200  }
0x20: {  	[sflag:s16] =	ssyncset.done $0x0  }
0x21: {  	s31 =	sadd.s32 $0x0, s10;
	[sflag:s16] =	ssyncadd.s32 $0xFFFFFE00  }
0x22: {  	[tilespmem:s17], [sflag:$0x2] =	stream.linear.gather [hbm4b:s31+s4], $0x200, $0x38;
	[tilespmem:$0x4B18] =	vst v63  }
0x23: {  	_ =	swait.ge [sflag:s16], $0x200  }
0x24: {  	[sflag:s16] =	ssyncset.done $0x0  }
0x25: {  	[sflag:s16] =	ssyncadd.s32 $0xFFFFFE00  }
0x26: {  	[tilespmem:s19], [sflag:$0x1] =	stream.indirect.gather [hbm4b:s0+s18], $0x10, s15, s18, $0xb8;
	[tilespmem:$0x4B18] =	vst v63  }
0x27: {  	_ =	swait.ge [sflag:s20], $0x2000  }
0x28: {  	[sflag:s20] =	ssyncset.done $0x0  }
0x29: {  	[sflag:s20] =	ssyncadd.s32 $0xFFFFE000  }
0x2a: {  	[spmem:s3] =	stream.indirect.scatter.add.f32 [tilespmem:s19], [sflag:$0x2], $0x10, s17, s18, $0xb8;
	[tilespmem:$0x4B18] =	vst v63  }
0x2b: {  	_ =	swait.ge [sflag:s16], $0x2000  }
0x2c: {  	s23 =	simm.s32 $0x80;
	s22 =	simm.s32 $0x40;
	[sflag:s16] =	ssyncset.done $0x0  }
.LBB2_2:
0x2d: {  	s24 =	sadd.s32 s22, s11  }
0x2e: {  	[sflag:s16] =	ssyncadd.s32 $0xFFFFE000;
	s25 =	smov.u32 s23;
	s26 =	sadd.s32 $0x40, s23  }
0x2f: {  	[tilespmem:s15], [sflag:$0x2] =	stream.linear.gather [hbm4b:s24+s4], $0x200, $0x38;
	[tilespmem:$0x4B18] =	vst v63  }
0x30: {  	p1 =	sne.s32 s23, $0x4C0;
	_ =	swait.ge [sflag:s16], $0x200  }
0x31: {  	[sflag:s16] =	ssyncset.done $0x0  }
0x32: {  	s23 =	sadd.s32 s22, s10;
	s22 =	smov.u32 s25;
	[sflag:s16] =	ssyncadd.s32 $0xFFFFFE00  }
0x33: {  	[tilespmem:s17], [sflag:$0x2] =	stream.linear.gather [hbm4b:s23+s4], $0x200, $0x38;
	[tilespmem:$0x4B18] =	vst v63  }
0x34: {  	_ =	swait.ge [sflag:s16], $0x200  }
0x35: {  	[sflag:s16] =	ssyncset.done $0x0  }
0x36: {  	[sflag:s16] =	ssyncadd.s32 $0xFFFFFE00  }
0x37: {  	[tilespmem:s19], [sflag:$0x1] =	stream.indirect.gather [hbm4b:s0+s18], $0x10, s15, s18, $0xb8;
	[tilespmem:$0x4B18] =	vst v63  }
0x38: {  	_ =	swait.ge [sflag:s20], $0x2000  }
.Ltmp0:
0x39: {  	[sflag:s20] =	ssyncset.done $0x0;
	(pc) =	sbr.rel @p1 .LBB2_2-.Ltmp0, $4  }
0x3a: {  	[sflag:s20] =	ssyncadd.s32 $0xFFFFE000  }
0x3b: {  	[spmem:s3] =	stream.indirect.scatter.add.f32 [tilespmem:s19], [sflag:$0x2], $0x10, s17, s18, $0xb8;
	[tilespmem:$0x4B18] =	vst v63  }
0x3c: {  	_ =	swait.ge [sflag:s16], $0x2000  }
0x3d: {  	s23 =	smov.u32 s26;
	[sflag:s16] =	ssyncset.done $0x0  }
0x3e: {  	s23 =	sadd.s32 s22, s11;
	[sflag:s16] =	ssyncadd.s32 $0xFFFFE000  }
0x3f: {  	[tilespmem:s15], [sflag:$0x2] =	stream.linear.gather [hbm4b:s23+s4], $0x200, $0x38;
	[tilespmem:$0x4B18] =	vst v63  }
0x40: {  	_ =	swait.ge [sflag:s16], $0x200  }
0x41: {  	[sflag:s16] =	ssyncset.done $0x0  }
0x42: {  	s31 =	sadd.s32 s22, s10;
	[sflag:s16] =	ssyncadd.s32 $0xFFFFFE00  }
0x43: {  	[tilespmem:s17], [sflag:$0x2] =	stream.linear.gather [hbm4b:s31+s4], $0x200, $0x38;
	[tilespmem:$0x4B18] =	vst v63  }
0x44: {  	_ =	swait.ge [sflag:s16], $0x200  }
0x45: {  	[sflag:s16] =	ssyncset.done $0x0  }
0x46: {  	[sflag:s16] =	ssyncadd.s32 $0xFFFFFE00  }
0x47: {  	[tilespmem:s19], [sflag:$0x1] =	stream.indirect.gather [hbm4b:s0+s18], $0x10, s15, s18, $0xb8;
	[tilespmem:$0x4B18] =	vst v63  }
0x48: {  	_ =	swait.ge [sflag:s20], $0x2000  }
0x49: {  	[sflag:s20] =	ssyncset.done $0x0  }
0x4a: {  	[sflag:s20] =	ssyncadd.s32 $0xFFFFE000  }
0x4b: {  	[spmem:s3] =	stream.indirect.scatter.add.f32 [tilespmem:s19], [sflag:$0x2], $0x10, s17, s18, $0xb8;
	[tilespmem:$0x4B18] =	vst v63  }
0x4c: {  	_ =	swait.ge [sflag:s16], $0x2000  }
0x4d: {  	[sflag:s16] =	ssyncset.done $0x0  }
0x4e: {  	[sflag:s16] =	ssyncadd.s32 $0xFFFFE000  }
0x4f: {  	s22 =	simm.s32 @p0 $0x1FC2;
	[bflag:$0x0] =	sbarrier.arrive $0xFFFF  }
0x50: {  	[hbm:s8], [sflag:s22] =	dma.local @p0 [spmem:s12], $0x500  }
0x51: {  	s22 =	simm.s32 @p0 $0x2  }
0x52: {  	s21 =	sadd.s32 $0x1, s21;
	_ =	swait.ge @p0 [sflag:s22], $0x500  }
0x53: {  	p1 =	sne.s32 s21, s9;
	[sflag:s22] =	ssyncset.done @p0 $0x0  }
.Ltmp1:
0x54: {  	[sflag:s22] =	ssyncadd.s32 @p0 $0xFFFFFB00;
	s22 =	simm.s32 @!p0 $0x2;
	(pc) =	sbr.rel @p1 .LBB2_1-.Ltmp1, $4  }
0x55: {  	[hbm:s7], [sflag:s13] =	dma.local @!p0 [spmem:s14], $0x4E0  }
0x56: {  	_ =	swait.ge @!p0 [sflag:s22], $0x4E0  }
0x57: {  	[sflag:s22] =	ssyncset.done @!p0 $0x0  }
0x58: {  	[sflag:s22] =	ssyncadd.s32 @!p0 $0xFFFFFB20  }
0x59: {  	_ =	sfence.sel $0x180000  }
0x5a: {  	[bflag:$0x0] =	sbarrier.arrive $0xFFFF  }
0x5b: {  	p0 =	sne.s32 s2, $0x0;
	_ =	strace $0x90000047  }
0x5c: {  	s0 =	sadd.s32 @!p0 $0x100000, s1;
	[bflag:$0x2] =	sbarrier.arrive $0xFFFF  }
0x5d: {  	[sflag:s0] =	ssyncadd.tile.s32 @!p0 $0x1;
	_ =	shalt  }
.Lfunc_end2:
_tile_overlayer_lowered:
.L_overlay_start_2:
0x5e: {  	(tag) =	ssettag $0x2  }
0x5f: {  	s0 =	rddreg [dreg:$0x0];
	s2 =	stileid.u32  }
0x60: {  	s1 =	rddreg [dreg:$0x1];
	p0 =	sne.s32 s2, $0x0  }
0x61: {  	s3 =	rddreg [dreg:$0x2];
	[bflag:$0x3] =	sbarrier.arrive $0xFFFF;
	s2 =	simm.s32 @!p0 $0x1C02  }
0x62: {  	[timem:s3], [sflag:s2] =	dma.local @!p0 [hbm:s0], s1  }
0x63: {  	s0 =	simm.s32 @!p0 $0x2  }
0x64: {  	_ =	swait.ge @!p0 [sflag:s0], s1  }
0x65: {  	s1 =	ssub.s32 @!p0 $0x0, s1;
	[sflag:s0] =	ssyncset.done @!p0 $0x0  }
0x66: {  	[sflag:s0] =	ssyncadd.s32 @!p0 s1  }
0x67: {  	[bflag:$0x3] =	sbarrier.arrive $0xFFFF  }
0x68: {  	_ =	shalt  }

// kernel: kernel.21.cloned.1.call-start
scs
__scs_entry_jumppad:
0x0: {  	(pc) =	sbr.rel $0x88, $3  }
0x1: {  	(tag) =	ssettag $0x0;
	lr =	simm.s32 $0x1  }
0x2: {  	[smem:$0x3F93] =	sst lr;
	_ =	strace $0xD0000000  }
0x3: {  	_ = 	snop  }
0x4: {  	_ = 	snop  }
0x5: {  	_ = 	snop  }
0x6: {  	_ = 	snop  }
0x7: {  	_ = 	snop  }
__scs_overlays_trampoline_lowered:
0x8: {  	[smem:$0x3FA2] =	sst s0  }
0x9: {  	[smem:$0x3FA3] =	sst s1  }
0xa: {  	[smem:$0x3FA4] =	sst s2  }
0xb: {  	[smem:$0x3FA5] =	sst s3  }
0xc: {  	[smem:$0x3FA6] =	sst s4  }
0xd: {  	[smem:$0x3FA7] =	sst s5  }
0xe: {  	[smem:$0x3FA8] =	sst s6  }
0xf: {  	[smem:$0x3FA9] =	sst s7  }
0x10: {  	[smem:$0x3FAA] =	sst s8  }
0x11: {  	[smem:$0x3FAB] =	sst s9;
	s0 =	simm.s32 @!p0 $0x0  }
0x12: {  	s1 =	sld [smem:$0x3F91];
	s0 =	simm.s32 @p0 $0x1  }
0x13: {  	[smem:$0x3FAC] =	sst s0;
	s0 =	simm.s32 @!p1 $0x0  }
0x14: {  	s2 =	sld [smem:$0x3F90];
	s0 =	simm.s32 @p1 $0x1  }
0x15: {  	[smem:$0x3FAD] =	sst s0;
	s0 =	simm.s32 @!p2 $0x0  }
0x16: {  	s3 =	sld [smem:$0x3FDB];
	s0 =	simm.s32 @p2 $0x1  }
0x17: {  	s4 =	simm.s32 $0x1BF5;
	[smem:$0x3FAF] =	sst s0  }
0x18: {  	s0 =	sld [smem:$0x3F92];
	_ =	swait.ge [sflag:s4], $0x0  }
0x19: {  	s7 =	sld [smem:$0x3F93]  }
0x1a: {  	s8 =	sadd.s32 $0xFFFFE003, lr  }
0x1b: {  	s9 =	sadd.s32 $0xFFFFFEF7, lr;
	s5 =	simm.s32 $0xFFFFFFFF;
	p2 =	slt.u32 s8, $0xFFFFF086  }
0x1c: {  	p1 =	slt.u32 s9, $0xF7A;
	s5 =	simm.s32 @!p2 $0x0  }
0x1d: {  	s5 =	simm.s32 @p1 $0x1;
	p0 =	seq.s32 s7, s2  }
0x1e: {  	s7 =	smul.u32 @!p0 $0xF7A, s2;
	p2 =	seq.s32 @!p0 s5, $0x0  }
0x1f: {  	s9 =	smul.u32 $0xF7A, s1;
	s8 =	simm.s32 @!p0 $0x1BF5;
	p2 =	por !p2, p0  }
0x20: {  	[sflag:s8] =	ssyncset.s32 @!p0 $0xFFFFF086;
	s6 =	sadd.s32 @!p0 s3, s7;
	s7 =	simm.s32 @!p0 $0x108  }
0x21: {  	s3 =	sadd.s32 s3, s9;
	s6 =	sadd.s32 @!p0 $0x88, s6;
	s7 =	simm.s32 @p2 $0x1082  }
0x22: {  	[simem:s7], [sflag:s8] =	dma.local @!p0 [hbm:s6], $0xF7A  }
0x23: {  	s9 =	sor.u32 $0xD0000000, s2;
	s6 =	simm.s32 $0x108;
	_ =	swait.ge @!p0 [sflag:s8], $0x0  }
0x24: {  	s3 =	sadd.s32 $0x88, s3;
	s6 =	simm.s32 @!p1 $0x1082;
	[sflag:s4] =	ssyncset.s32 $0xFFFFF086  }
0x25: {  	[simem:s6], [sflag:s4] =	dma.local [hbm:s3], $0xF7A  }
0x26: {  	[smem:$0x3F93] =	sst s1;
	(tag) =	ssettag s2;
	_ =	strace s9  }
0x27: {  	s1 =	sld [smem:$0x3FA3]  }
0x28: {  	s2 =	sld [smem:$0x3FA4]  }
0x29: {  	s4 =	sld [smem:$0x3FA6]  }
0x2a: {  	p0 =	seq.s32 s5, $0x0;
	s5 =	sld [smem:$0x3FA7]  }
0x2b: {  	s6 =	sld [smem:$0x3FA8]  }
0x2c: {  	s7 =	sld [smem:$0x3FA9]  }
0x2d: {  	s3 =	simm.s32 $0x108;
	s8 =	sld [smem:$0x3FAA]  }
0x2e: {  	s3 =	simm.s32 @!p0 $0x1082;
	s9 =	sld [smem:$0x3FAB]  }
0x2f: {  	lr =	sadd.s32 s0, s3;
	s0 =	sld [smem:$0x3FA2]  }
0x30: {  	s3 =	sld [smem:$0x3FA5]  }
0x31: {  	[smem:$0x3FAE] =	sst s10  }
0x32: {  	s10 =	sld [smem:$0x3FAC];
	_ =	sdelay $0x3  }
0x33: {  	p0 =	seq.s32 s10, $0x1;
	s10 =	sld [smem:$0x3FAE];
	_ =	sdelay $0x3  }
0x34: {  	[smem:$0x3FAE] =	sst s10  }
0x35: {  	s10 =	sld [smem:$0x3FAD];
	_ =	sdelay $0x3  }
0x36: {  	p1 =	seq.s32 s10, $0x1;
	s10 =	sld [smem:$0x3FAE];
	_ =	sdelay $0x3  }
0x37: {  	[smem:$0x3FAE] =	sst s10  }
0x38: {  	s10 =	sld [smem:$0x3FAF]  }
0x39: {  	_ = 	snop;
	(pc) =	sbr.ind lr, $3  }
0x3a: {  	_ = 	snop  }
0x3b: {  	_ = 	snop  }
0x3c: {  	p2 =	seq.s32 s10, $0x1;
	s10 =	sld [smem:$0x3FAE]  }
0x3d: {  	_ =	shalt  }
0x3e: {  	_ =	shalt  }
0x3f: {  	_ =	shalt  }
0x40: {  	_ =	shalt  }
0x41: {  	_ =	shalt  }
0x42: {  	_ =	shalt  }
0x43: {  	_ =	shalt  }
0x44: {  	_ =	shalt  }
0x45: {  	_ =	shalt  }
0x46: {  	_ =	shalt  }
0x47: {  	_ =	shalt  }
0x48: {  	_ =	shalt  }
0x49: {  	_ =	shalt  }
0x4a: {  	_ =	shalt  }
0x4b: {  	_ =	shalt  }
0x4c: {  	_ =	shalt  }
0x4d: {  	_ =	shalt  }
0x4e: {  	_ =	shalt  }
0x4f: {  	_ =	shalt  }
0x50: {  	_ =	shalt  }
0x51: {  	_ =	shalt  }
0x52: {  	_ =	shalt  }
0x53: {  	_ =	shalt  }
0x54: {  	_ =	shalt  }
0x55: {  	_ =	shalt  }
0x56: {  	_ =	shalt  }
0x57: {  	_ =	shalt  }
0x58: {  	_ =	shalt  }
0x59: {  	_ =	shalt  }
0x5a: {  	_ =	shalt  }
0x5b: {  	_ =	shalt  }
0x5c: {  	_ =	shalt  }
0x5d: {  	_ =	shalt  }
0x5e: {  	_ =	shalt  }
0x5f: {  	_ =	shalt  }
0x60: {  	_ =	shalt  }
0x61: {  	_ =	shalt  }
0x62: {  	_ =	shalt  }
0x63: {  	_ =	shalt  }
0x64: {  	_ =	shalt  }
0x65: {  	_ =	shalt  }
0x66: {  	_ =	shalt  }
0x67: {  	_ =	shalt  }
0x68: {  	_ =	shalt  }
0x69: {  	_ =	shalt  }
0x6a: {  	_ =	shalt  }
0x6b: {  	_ =	shalt  }
0x6c: {  	_ =	shalt  }
0x6d: {  	_ =	shalt  }
0x6e: {  	_ =	shalt  }
0x6f: {  	_ =	shalt  }
0x70: {  	_ =	shalt  }
0x71: {  	_ =	shalt  }
0x72: {  	_ =	shalt  }
0x73: {  	_ =	shalt  }
0x74: {  	_ =	shalt  }
0x75: {  	_ =	shalt  }
0x76: {  	_ =	shalt  }
0x77: {  	_ =	shalt  }
0x78: {  	_ =	shalt  }
0x79: {  	_ =	shalt  }
0x7a: {  	_ =	shalt  }
0x7b: {  	_ =	shalt  }
0x7c: {  	_ =	shalt  }
0x7d: {  	_ =	shalt  }
0x7e: {  	_ =	shalt  }
0x7f: {  	_ =	shalt  }
0x80: {  	_ =	shalt  }
0x81: {  	_ =	shalt  }
0x82: {  	_ =	shalt  }
0x83: {  	_ =	shalt  }
0x84: {  	_ =	shalt  }
0x85: {  	_ =	shalt  }
0x86: {  	_ =	shalt  }
0x87: {  	_ =	shalt  }
.Lfunc_end0:
.L_simem_size_0:
called_computation.1_lowered:
.L_overlay_start_0:
0x88: {  	s2 =	sld [smem:$0x3FD9]  }
0x89: {  	s3 =	sld [smem:$0x3FFE];
	_ =	sdelay $0x1  }
0x8a: {  	s1 =	srdreg.scid  }
0x8b: {  	s0 =	sand.u32 $0x1, s1  }
0x8c: {  	s14 =	sshll.u32 s0, $0xA;
	s2 =	sadd.s32 s3, s2  }
0x8d: {  	s2 =	sadd.s32 s2, s14  }
0x8e: {  	[smem:$0x3FBA] =	sst s2  }
0x8f: {  	_ = 	snop  }
0x90: {  	s2 =	sld [smem:$0x3FD0];
	_ =	sdelay $0x2  }
0x91: {  	s15 =	simm.s32 $0xB;
	s4 =	simm.s32 $0x10  }
0x92: {  	[smem:s4], [sflag:s15] =	dma.local [hbm:s2], $0x1  }
0x93: {  	_ =	swait.eq [sflag:s15], $0x1  }
0x94: {  	[sflag:s15] =	ssyncset.done $0x0  }
0x95: {  	[sflag:s15] =	ssyncadd.s32 $0xFFFFFFFF  }
0x96: {  	s16 =	sld [smem:$0x10];
	(tm) =	ssettm $0x1  }
0x97: {  	s17 =	sld [smem:$0x3FFB];
	_ =	sdelay $0x3  }
0x98: {  	_ =	strace s17  }
0x99: {  	s3 =	sld [smem:$0x3FFC];
	_ =	sdelay $0x3  }
0x9a: {  	_ =	strace s3  }
0x9b: {  	s3 =	sld [smem:$0x3FFD];
	_ =	sdelay $0x3  }
0x9c: {  	_ =	strace s3  }
0x9d: {  	_ =	strace $0x8FFFFFFF  }
0x9e: {  	s18 =	sld [smem:$0x3FDB];
	_ =	sdelay $0x1  }
0x9f: {  	s19 =	simm.s32 $_scs_section_size  }
0xa0: {  	s5 =	simm.s32 $_size__tile_overlayer_lowered;
	s6 =	simm.s32 $_tile_overlayer_lowered  }
0xa1: {  	s22 =	simm.s32 $0x1BFF;
	s21 =	sshll.u32 s6, $0x1;
	s3 =	sadd.s32 s19, s18  }
0xa2: {  	s7 =	simm.s32 $0x0;
	s20 =	sshll.u32 s5, $0x1;
	s5 =	sadd.s32 s21, s3  }
0xa3: {  	[timem:s7], [sflag:s22] =	dma.local [hbm:s5], s20  }
0xa4: {  	_ =	swait.ge [sflag:s22], s20  }
0xa5: {  	s4 =	ssub.s32 $0x0, s20;
	[sflag:s22] =	ssyncset.done $0x0  }
0xa6: {  	[sflag:s22] =	ssyncadd.s32 s4;
	_ =	sdelay $0x1  }
0xa7: {  	s23 =	simm.s32 $0x1B8B  }
0xa8: {  	_ =	swait.ge [sflag:s23], $0x1  }
0xa9: {  	[sflag:s23] =	ssyncset.done $0x0  }
0xaa: {  	s25 =	simm.s32 $0x1B8E;
	s24 =	sld [smem:$0x3FFE];
	[sflag:s23] =	ssyncadd.s32 $0xFFFFFFFF  }
0xab: {  	s26 =	simm.s32 $execute0_lowered;
	[smem:$0x3FD2] =	sst s25  }
0xac: {  	s5 =	sshll.u32 s26, $0x1;
	_ =	strace $0x80000049;
	[dreg:$0x1] =	wrdreg $0xFFFFFFFF  }
0xad: {  	s28 =	simm.s32 $_size_execute0_lowered;
	s3 =	sadd.s32 s3, s5;
	[dreg:$0x0] =	wrdreg $0x0  }
0xae: {  	s5 =	sshll.u32 s28, $0x1;
	[dreg:$0x2] =	wrdreg s3  }
0xaf: {  	[dreg:$0x3] =	wrdreg s5  }
0xb0: {  	[dreg:$0x4] =	wrdreg $0xC0  }
0xb1: {  	_ =	task [dreg:s7], $0x5FFFF  }
0xb2: {  	[dreg:$0x1] =	wrdreg $0xFFFFFFFF  }
0xb3: {  	[dreg:$0x0] =	wrdreg $0x60  }
0xb4: {  	[dreg:$0x2] =	wrdreg s24  }
0xb5: {  	[dreg:$0x3] =	wrdreg s16  }
0xb6: {  	[dreg:$0x4] =	wrdreg $0x0  }
0xb7: {  	[dreg:$0x5] =	wrdreg $0x9  }
0xb8: {  	_ =	task.clear_ibuf [dreg:s7], $0x6FFFF;
	_ =	strace $0x90000049  }
0xb9: {  	s29 =	simm.s32 $0x9;
	_ =	strace $0x8000004B  }
0xba: {  	_ =	swait.ge [sflag:s29], $0x1  }
0xbb: {  	[sflag:s29] =	ssyncadd.s32 $0xFFFFFFFF  }
0xbc: {  	_ =	strace $0x9000004B  }
0xbd: {  	_ =	sfence  }
0xbe: {  	s30 =	sld [smem:$0x0];
	_ =	sdelay $0x2  }
0xbf: {  	s31 =	sshll.u32 s1, $0xD;
	s1 =	sshrl.u32 s1, $0x2  }
0xc0: {  	s3 =	sand.u32 $0x4000, s31;
	s1 =	sadd.s32 s1, s30  }
0xc1: {  	s0 =	sor.u32 s3, s0;
	s1 =	sshll.u32 s1, $0x11  }
0xc2: {  	s0 =	sor.u32 s1, s0  }
0xc3: {  	s0 =	sadd.s32 $0x8F2B, s0  }
0xc4: {  	[sflag:s0] =	ssyncadd.remote.s32 $0x1  }
0xc5: {  	_ =	sfence.sel $0xFFFF  }
0xc6: {  	[dreg:$0x0] =	wrdreg $0xFFFFFFFF;
	(pc) =	sbr.abs _section_cstart, $3  }
0xc7: {  	[dreg:$0x1] =	wrdreg $0xFFFFFFFF  }
0xc8: {  	_ =	task.clear_ibuf [dreg:s7], $0x2FFFF;
	_ =	strace $0x9FFFFFFF  }
0xc9: {  	(tm) =	ssettm $0x7FFFFFFF  }
tec
execute0_lowered:
.L_overlay_start_1:
0x0: {  	(tag) =	ssettag $0x1  }
0x1: {  	s6 =	rddreg [dreg:$0x0]  }
0x2: {  	s7 =	rddreg [dreg:$0x1];
	s0 =	srdreg.scid  }
0x3: {  	s2 =	rddreg [dreg:$0x2];
	s1 =	stileid.u32  }
0x4: {  	s3 =	simm.s32 $0x0;
	s15 =	simm.s32 $0x9C60;
	s16 =	simm.s32 $0x2  }
0x5: {  	s17 =	simm.s32 $0x9E60;
	s18 =	simm.s32 $0x200;
	s19 =	simm.s32 $0xA060  }
0x6: {  	s20 =	simm.s32 $0x1;
	s5 =	sand.u32 $0x1, s0;
	s0 =	rddreg [dreg:$0x3]  }
0x7: {  	s21 =	simm.s32 $0x0;
	s9 =	smul.u32 $0x2800, s1;
	[smem:$0x7FF] =	sst s3  }
0x8: {  	s4 =	sadd.s32 $0x1A800, s6;
	s10 =	smul.u32 $0x9C00, s1;
	p0 =	seq.s32 s1, $0xF  }
0x9: {  	s8 =	smul.u32 $0x28000, s5;
	_ =	strace $0x8000004A;
	s26 =	ssub.s32 $0x2, s5  }
0xa: {  	s12 =	smul.u32 $0x9C400, s5;
	s13 =	sshll.u32 @!p0 s1, $0x6;
	s28 =	sshrl.u32 s26, $0x1  }
0xb: {  	s14 =	sadd.s32 s10, s2;
	s29 =	sshrl.u32 s10, $0x3;
	s13 =	sor.u32 @!p0 $0x1C02, s13  }
0xc: {  	s8 =	sadd.s32 s9, s8;
	s9 =	ssub.s32 s26, s28;
	s5 =	sadd.s32 s4, s29  }
0xd: {  	s30 =	sadd.s32 s10, s12;
	s31 =	sshrl.u32 s12, $0x3;
	s12 =	sadd.s32 $0x92400, s2  }
0xe: {  	s14 =	sshrl.u32 @!p0 s14, $0x3;
	s8 =	sshrl.u32 s8, $0x3;
	s10 =	sadd.s32 s7, s31  }
0xf: {  	s9 =	smax.u32 s9, $0x1;
	s11 =	sadd.s32 s8, s6;
	s8 =	sshrl.u32 s30, $0x3  }
0x10: {  	s12 =	sshrl.u32 @p0 s12, $0x3;
	s6 =	sadd.s32 $0x2CC80, s6;
	s7 =	sadd.s32 s7, s8  }
0x11: {  	s8 =	sadd.s32 $0x12480, s10;
	s10 =	sadd.s32 $0x6800, s11;
	s11 =	sadd.s32 $0x10800, s11  }
.LBB2_1:
0x12: {  	s22 =	simm.s32 @p0 $0x1FC2  }
0x13: {  	[spmem:s12], [sflag:s22] =	dma.local @p0 [hbm:s6], $0x1400  }
0x14: {  	s22 =	simm.s32 @p0 $0x2  }
0x15: {  	_ =	swait.ge @p0 [sflag:s22], $0x1400  }
0x16: {  	[sflag:s22] =	ssyncset.done @p0 $0x0  }
0x17: {  	[sflag:s22] =	ssyncadd.s32 @p0 $0xFFFFEC00;
	s22 =	simm.s32 @!p0 $0x2  }
0x18: {  	[spmem:s14], [sflag:s13] =	dma.local @!p0 [hbm:s5], $0x1380  }
0x19: {  	_ =	swait.ge @!p0 [sflag:s22], $0x1380  }
0x1a: {  	[sflag:s22] =	ssyncset.done @!p0 $0x0  }
0x1b: {  	[sflag:s22] =	ssyncadd.s32 @!p0 $0xFFFFEC80  }
0x1c: {  	s30 =	sadd.s32 $0x0, s11;
	[bflag:$0x0] =	sbarrier.arrive $0xFFFF  }
0x1d: {  	[tilespmem:s15], [sflag:$0x2] =	stream.linear.gather [hbm4b:s30+s3], $0x200, $0x38;
	[tilespmem:$0x12060] =	vst v63  }
0x1e: {  	_ =	swait.ge [sflag:s16], $0x200  }
0x1f: {  	[sflag:s16] =	ssyncset.done $0x0  }
0x20: {  	s31 =	sadd.s32 $0x0, s10;
	[sflag:s16] =	ssyncadd.s32 $0xFFFFFE00  }
0x21: {  	[tilespmem:s17], [sflag:$0x2] =	stream.linear.gather [hbm4b:s31+s3], $0x200, $0x38;
	[tilespmem:$0x12060] =	vst v63  }
0x22: {  	_ =	swait.ge [sflag:s16], $0x200  }
0x23: {  	[sflag:s16] =	ssyncset.done $0x0  }
0x24: {  	[sflag:s16] =	ssyncadd.s32 $0xFFFFFE00  }
0x25: {  	[tilespmem:s19], [sflag:$0x1] =	stream.indirect.gather [hbm4b:s4+s18], $0x40, s15, s18, $0xb8;
	[tilespmem:$0x12060] =	vst v63  }
0x26: {  	_ =	swait.ge [sflag:s20], $0x8000  }
0x27: {  	[sflag:s20] =	ssyncset.done $0x0  }
0x28: {  	[sflag:s20] =	ssyncadd.s32 $0xFFFF8000  }
0x29: {  	[spmem:s2] =	stream.indirect.scatter.add.f32 [tilespmem:s19], [sflag:$0x2], $0x40, s17, s18, $0xb8;
	[tilespmem:$0x12060] =	vst v63  }
0x2a: {  	_ =	swait.ge [sflag:s16], $0x8000  }
0x2b: {  	s23 =	simm.s32 $0x80;
	s22 =	simm.s32 $0x40;
	[sflag:s16] =	ssyncset.done $0x0  }
.LBB2_2:
0x2c: {  	s24 =	sadd.s32 s22, s11  }
0x2d: {  	[sflag:s16] =	ssyncadd.s32 $0xFFFF8000;
	s25 =	smov.u32 s23;
	s26 =	sadd.s32 $0x40, s23  }
0x2e: {  	[tilespmem:s15], [sflag:$0x2] =	stream.linear.gather [hbm4b:s24+s3], $0x200, $0x38;
	[tilespmem:$0x12060] =	vst v63  }
0x2f: {  	p1 =	sne.s32 s23, $0x4C0;
	_ =	swait.ge [sflag:s16], $0x200  }
0x30: {  	[sflag:s16] =	ssyncset.done $0x0  }
0x31: {  	s23 =	sadd.s32 s22, s10;
	s22 =	smov.u32 s25;
	[sflag:s16] =	ssyncadd.s32 $0xFFFFFE00  }
0x32: {  	[tilespmem:s17], [sflag:$0x2] =	stream.linear.gather [hbm4b:s23+s3], $0x200, $0x38;
	[tilespmem:$0x12060] =	vst v63  }
0x33: {  	_ =	swait.ge [sflag:s16], $0x200  }
0x34: {  	[sflag:s16] =	ssyncset.done $0x0  }
0x35: {  	[sflag:s16] =	ssyncadd.s32 $0xFFFFFE00  }
0x36: {  	[tilespmem:s19], [sflag:$0x1] =	stream.indirect.gather [hbm4b:s4+s18], $0x40, s15, s18, $0xb8;
	[tilespmem:$0x12060] =	vst v63  }
0x37: {  	_ =	swait.ge [sflag:s20], $0x8000  }
.Ltmp0:
0x38: {  	[sflag:s20] =	ssyncset.done $0x0;
	(pc) =	sbr.rel @p1 .LBB2_2-.Ltmp0, $4  }
0x39: {  	[sflag:s20] =	ssyncadd.s32 $0xFFFF8000  }
0x3a: {  	[spmem:s2] =	stream.indirect.scatter.add.f32 [tilespmem:s19], [sflag:$0x2], $0x40, s17, s18, $0xb8;
	[tilespmem:$0x12060] =	vst v63  }
0x3b: {  	_ =	swait.ge [sflag:s16], $0x8000  }
0x3c: {  	s23 =	smov.u32 s26;
	[sflag:s16] =	ssyncset.done $0x0  }
0x3d: {  	s23 =	sadd.s32 s22, s11;
	[sflag:s16] =	ssyncadd.s32 $0xFFFF8000  }
0x3e: {  	[tilespmem:s15], [sflag:$0x2] =	stream.linear.gather [hbm4b:s23+s3], $0x200, $0x38;
	[tilespmem:$0x12060] =	vst v63  }
0x3f: {  	_ =	swait.ge [sflag:s16], $0x200  }
0x40: {  	[sflag:s16] =	ssyncset.done $0x0  }
0x41: {  	s31 =	sadd.s32 s22, s10;
	[sflag:s16] =	ssyncadd.s32 $0xFFFFFE00  }
0x42: {  	[tilespmem:s17], [sflag:$0x2] =	stream.linear.gather [hbm4b:s31+s3], $0x200, $0x38;
	[tilespmem:$0x12060] =	vst v63  }
0x43: {  	_ =	swait.ge [sflag:s16], $0x200  }
0x44: {  	[sflag:s16] =	ssyncset.done $0x0  }
0x45: {  	[sflag:s16] =	ssyncadd.s32 $0xFFFFFE00  }
0x46: {  	[tilespmem:s19], [sflag:$0x1] =	stream.indirect.gather [hbm4b:s4+s18], $0x40, s15, s18, $0xb8;
	[tilespmem:$0x12060] =	vst v63  }
0x47: {  	_ =	swait.ge [sflag:s20], $0x8000  }
0x48: {  	[sflag:s20] =	ssyncset.done $0x0  }
0x49: {  	[sflag:s20] =	ssyncadd.s32 $0xFFFF8000  }
0x4a: {  	[spmem:s2] =	stream.indirect.scatter.add.f32 [tilespmem:s19], [sflag:$0x2], $0x40, s17, s18, $0xb8;
	[tilespmem:$0x12060] =	vst v63  }
0x4b: {  	_ =	swait.ge [sflag:s16], $0x8000  }
0x4c: {  	[sflag:s16] =	ssyncset.done $0x0  }
0x4d: {  	[sflag:s16] =	ssyncadd.s32 $0xFFFF8000  }
0x4e: {  	s22 =	simm.s32 @p0 $0x1FC2;
	[bflag:$0x0] =	sbarrier.arrive $0xFFFF  }
0x4f: {  	[hbm:s8], [sflag:s22] =	dma.local @p0 [spmem:s12], $0x1400  }
0x50: {  	s22 =	simm.s32 @p0 $0x2  }
0x51: {  	s21 =	sadd.s32 $0x1, s21;
	_ =	swait.ge @p0 [sflag:s22], $0x1400  }
0x52: {  	p1 =	sne.s32 s21, s9;
	[sflag:s22] =	ssyncset.done @p0 $0x0  }
.Ltmp1:
0x53: {  	[sflag:s22] =	ssyncadd.s32 @p0 $0xFFFFEC00;
	s22 =	simm.s32 @!p0 $0x2;
	(pc) =	sbr.rel @p1 .LBB2_1-.Ltmp1, $4  }
0x54: {  	[hbm:s7], [sflag:s13] =	dma.local @!p0 [spmem:s14], $0x1380  }
0x55: {  	_ =	swait.ge @!p0 [sflag:s22], $0x1380  }
0x56: {  	[sflag:s22] =	ssyncset.done @!p0 $0x0  }
0x57: {  	[sflag:s22] =	ssyncadd.s32 @!p0 $0xFFFFEC80  }
0x58: {  	_ =	sfence.sel $0x180000  }
0x59: {  	[bflag:$0x0] =	sbarrier.arrive $0xFFFF  }
0x5a: {  	p0 =	sne.s32 s1, $0x0;
	_ =	strace $0x9000004A  }
0x5b: {  	s0 =	sadd.s32 @!p0 $0x100000, s0;
	[bflag:$0x2] =	sbarrier.arrive $0xFFFF  }
0x5c: {  	[sflag:s0] =	ssyncadd.tile.s32 @!p0 $0x1;
	_ =	shalt  }
.Lfunc_end2:
_tile_overlayer_lowered:
.L_overlay_start_2:
0x5d: {  	(tag) =	ssettag $0x2  }
0x5e: {  	s0 =	rddreg [dreg:$0x0];
	s2 =	stileid.u32  }
0x5f: {  	s1 =	rddreg [dreg:$0x1];
	p0 =	sne.s32 s2, $0x0  }
0x60: {  	s3 =	rddreg [dreg:$0x2];
	[bflag:$0x3] =	sbarrier.arrive $0xFFFF;
	s2 =	simm.s32 @!p0 $0x1C02  }
0x61: {  	[timem:s3], [sflag:s2] =	dma.local @!p0 [hbm:s0], s1  }
0x62: {  	s0 =	simm.s32 @!p0 $0x2  }
0x63: {  	_ =	swait.ge @!p0 [sflag:s0], s1  }
0x64: {  	s1 =	ssub.s32 @!p0 $0x0, s1;
	[sflag:s0] =	ssyncset.done @!p0 $0x0  }
0x65: {  	[sflag:s0] =	ssyncadd.s32 @!p0 s1  }
0x66: {  	[bflag:$0x3] =	sbarrier.arrive $0xFFFF  }
0x67: {  	_ =	shalt  }

// kernel: kernel.24.cloned.1.call-start
scs
__scs_entry_jumppad:
0x0: {  	(pc) =	sbr.rel $0x88, $3  }
0x1: {  	(tag) =	ssettag $0x0;
	lr =	simm.s32 $0x1  }
0x2: {  	[smem:$0x3F93] =	sst lr;
	_ =	strace $0xD0000000  }
0x3: {  	_ = 	snop  }
0x4: {  	_ = 	snop  }
0x5: {  	_ = 	snop  }
0x6: {  	_ = 	snop  }
0x7: {  	_ = 	snop  }
__scs_overlays_trampoline_lowered:
0x8: {  	[smem:$0x3FA2] =	sst s0  }
0x9: {  	[smem:$0x3FA3] =	sst s1  }
0xa: {  	[smem:$0x3FA4] =	sst s2  }
0xb: {  	[smem:$0x3FA5] =	sst s3  }
0xc: {  	[smem:$0x3FA6] =	sst s4  }
0xd: {  	[smem:$0x3FA7] =	sst s5  }
0xe: {  	[smem:$0x3FA8] =	sst s6  }
0xf: {  	[smem:$0x3FA9] =	sst s7  }
0x10: {  	[smem:$0x3FAA] =	sst s8  }
0x11: {  	[smem:$0x3FAB] =	sst s9;
	s0 =	simm.s32 @!p0 $0x0  }
0x12: {  	s1 =	sld [smem:$0x3F91];
	s0 =	simm.s32 @p0 $0x1  }
0x13: {  	[smem:$0x3FAC] =	sst s0;
	s0 =	simm.s32 @!p1 $0x0  }
0x14: {  	s2 =	sld [smem:$0x3F90];
	s0 =	simm.s32 @p1 $0x1  }
0x15: {  	[smem:$0x3FAD] =	sst s0;
	s0 =	simm.s32 @!p2 $0x0  }
0x16: {  	s3 =	sld [smem:$0x3FDB];
	s0 =	simm.s32 @p2 $0x1  }
0x17: {  	s4 =	simm.s32 $0x1BF5;
	[smem:$0x3FAF] =	sst s0  }
0x18: {  	s0 =	sld [smem:$0x3F92];
	_ =	swait.ge [sflag:s4], $0x0  }
0x19: {  	s7 =	sld [smem:$0x3F93]  }
0x1a: {  	s8 =	sadd.s32 $0xFFFFE003, lr  }
0x1b: {  	s9 =	sadd.s32 $0xFFFFFEF7, lr;
	s5 =	simm.s32 $0xFFFFFFFF;
	p2 =	slt.u32 s8, $0xFFFFF086  }
0x1c: {  	p1 =	slt.u32 s9, $0xF7A;
	s5 =	simm.s32 @!p2 $0x0  }
0x1d: {  	s5 =	simm.s32 @p1 $0x1;
	p0 =	seq.s32 s7, s2  }
0x1e: {  	s7 =	smul.u32 @!p0 $0xF7A, s2;
	p2 =	seq.s32 @!p0 s5, $0x0  }
0x1f: {  	s9 =	smul.u32 $0xF7A, s1;
	s8 =	simm.s32 @!p0 $0x1BF5;
	p2 =	por !p2, p0  }
0x20: {  	[sflag:s8] =	ssyncset.s32 @!p0 $0xFFFFF086;
	s6 =	sadd.s32 @!p0 s3, s7;
	s7 =	simm.s32 @!p0 $0x108  }
0x21: {  	s3 =	sadd.s32 s3, s9;
	s6 =	sadd.s32 @!p0 $0x88, s6;
	s7 =	simm.s32 @p2 $0x1082  }
0x22: {  	[simem:s7], [sflag:s8] =	dma.local @!p0 [hbm:s6], $0xF7A  }
0x23: {  	s9 =	sor.u32 $0xD0000000, s2;
	s6 =	simm.s32 $0x108;
	_ =	swait.ge @!p0 [sflag:s8], $0x0  }
0x24: {  	s3 =	sadd.s32 $0x88, s3;
	s6 =	simm.s32 @!p1 $0x1082;
	[sflag:s4] =	ssyncset.s32 $0xFFFFF086  }
0x25: {  	[simem:s6], [sflag:s4] =	dma.local [hbm:s3], $0xF7A  }
0x26: {  	[smem:$0x3F93] =	sst s1;
	(tag) =	ssettag s2;
	_ =	strace s9  }
0x27: {  	s1 =	sld [smem:$0x3FA3]  }
0x28: {  	s2 =	sld [smem:$0x3FA4]  }
0x29: {  	s4 =	sld [smem:$0x3FA6]  }
0x2a: {  	p0 =	seq.s32 s5, $0x0;
	s5 =	sld [smem:$0x3FA7]  }
0x2b: {  	s6 =	sld [smem:$0x3FA8]  }
0x2c: {  	s7 =	sld [smem:$0x3FA9]  }
0x2d: {  	s3 =	simm.s32 $0x108;
	s8 =	sld [smem:$0x3FAA]  }
0x2e: {  	s3 =	simm.s32 @!p0 $0x1082;
	s9 =	sld [smem:$0x3FAB]  }
0x2f: {  	lr =	sadd.s32 s0, s3;
	s0 =	sld [smem:$0x3FA2]  }
0x30: {  	s3 =	sld [smem:$0x3FA5]  }
0x31: {  	[smem:$0x3FAE] =	sst s10  }
0x32: {  	s10 =	sld [smem:$0x3FAC];
	_ =	sdelay $0x3  }
0x33: {  	p0 =	seq.s32 s10, $0x1;
	s10 =	sld [smem:$0x3FAE];
	_ =	sdelay $0x3  }
0x34: {  	[smem:$0x3FAE] =	sst s10  }
0x35: {  	s10 =	sld [smem:$0x3FAD];
	_ =	sdelay $0x3  }
0x36: {  	p1 =	seq.s32 s10, $0x1;
	s10 =	sld [smem:$0x3FAE];
	_ =	sdelay $0x3  }
0x37: {  	[smem:$0x3FAE] =	sst s10  }
0x38: {  	s10 =	sld [smem:$0x3FAF]  }
0x39: {  	_ = 	snop;
	(pc) =	sbr.ind lr, $3  }
0x3a: {  	_ = 	snop  }
0x3b: {  	_ = 	snop  }
0x3c: {  	p2 =	seq.s32 s10, $0x1;
	s10 =	sld [smem:$0x3FAE]  }
0x3d: {  	_ =	shalt  }
0x3e: {  	_ =	shalt  }
0x3f: {  	_ =	shalt  }
0x40: {  	_ =	shalt  }
0x41: {  	_ =	shalt  }
0x42: {  	_ =	shalt  }
0x43: {  	_ =	shalt  }
0x44: {  	_ =	shalt  }
0x45: {  	_ =	shalt  }
0x46: {  	_ =	shalt  }
0x47: {  	_ =	shalt  }
0x48: {  	_ =	shalt  }
0x49: {  	_ =	shalt  }
0x4a: {  	_ =	shalt  }
0x4b: {  	_ =	shalt  }
0x4c: {  	_ =	shalt  }
0x4d: {  	_ =	shalt  }
0x4e: {  	_ =	shalt  }
0x4f: {  	_ =	shalt  }
0x50: {  	_ =	shalt  }
0x51: {  	_ =	shalt  }
0x52: {  	_ =	shalt  }
0x53: {  	_ =	shalt  }
0x54: {  	_ =	shalt  }
0x55: {  	_ =	shalt  }
0x56: {  	_ =	shalt  }
0x57: {  	_ =	shalt  }
0x58: {  	_ =	shalt  }
0x59: {  	_ =	shalt  }
0x5a: {  	_ =	shalt  }
0x5b: {  	_ =	shalt  }
0x5c: {  	_ =	shalt  }
0x5d: {  	_ =	shalt  }
0x5e: {  	_ =	shalt  }
0x5f: {  	_ =	shalt  }
0x60: {  	_ =	shalt  }
0x61: {  	_ =	shalt  }
0x62: {  	_ =	shalt  }
0x63: {  	_ =	shalt  }
0x64: {  	_ =	shalt  }
0x65: {  	_ =	shalt  }
0x66: {  	_ =	shalt  }
0x67: {  	_ =	shalt  }
0x68: {  	_ =	shalt  }
0x69: {  	_ =	shalt  }
0x6a: {  	_ =	shalt  }
0x6b: {  	_ =	shalt  }
0x6c: {  	_ =	shalt  }
0x6d: {  	_ =	shalt  }
0x6e: {  	_ =	shalt  }
0x6f: {  	_ =	shalt  }
0x70: {  	_ =	shalt  }
0x71: {  	_ =	shalt  }
0x72: {  	_ =	shalt  }
0x73: {  	_ =	shalt  }
0x74: {  	_ =	shalt  }
0x75: {  	_ =	shalt  }
0x76: {  	_ =	shalt  }
0x77: {  	_ =	shalt  }
0x78: {  	_ =	shalt  }
0x79: {  	_ =	shalt  }
0x7a: {  	_ =	shalt  }
0x7b: {  	_ =	shalt  }
0x7c: {  	_ =	shalt  }
0x7d: {  	_ =	shalt  }
0x7e: {  	_ =	shalt  }
0x7f: {  	_ =	shalt  }
0x80: {  	_ =	shalt  }
0x81: {  	_ =	shalt  }
0x82: {  	_ =	shalt  }
0x83: {  	_ =	shalt  }
0x84: {  	_ =	shalt  }
0x85: {  	_ =	shalt  }
0x86: {  	_ =	shalt  }
0x87: {  	_ =	shalt  }
.Lfunc_end0:
.L_simem_size_0:
called_computation.2_lowered:
.L_overlay_start_0:
0x88: {  	s2 =	sld [smem:$0x3FD9]  }
0x89: {  	s3 =	sld [smem:$0x3FFE];
	_ =	sdelay $0x1  }
0x8a: {  	s1 =	srdreg.scid  }
0x8b: {  	s0 =	sand.u32 $0x1, s1  }
0x8c: {  	s16 =	sshll.u32 s0, $0xA;
	s2 =	sadd.s32 s3, s2  }
0x8d: {  	s2 =	sadd.s32 s2, s16  }
0x8e: {  	[smem:$0x3FBA] =	sst s2  }
0x8f: {  	_ = 	snop  }
0x90: {  	(tm) =	ssettm $0x1  }
0x91: {  	s17 =	sld [smem:$0x3FFB];
	_ =	sdelay $0x3  }
0x92: {  	_ =	strace s17  }
0x93: {  	s2 =	sld [smem:$0x3FFC];
	_ =	sdelay $0x3  }
0x94: {  	_ =	strace s2  }
0x95: {  	s2 =	sld [smem:$0x3FFD];
	_ =	sdelay $0x3  }
0x96: {  	_ =	strace s2  }
0x97: {  	_ =	strace $0x8FFFFFFF  }
0x98: {  	s18 =	sld [smem:$0x3FDB];
	_ =	sdelay $0x1  }
0x99: {  	s19 =	simm.s32 $_scs_section_size  }
0x9a: {  	s4 =	simm.s32 $_size__tile_overlayer_lowered;
	s5 =	simm.s32 $_tile_overlayer_lowered  }
0x9b: {  	s22 =	simm.s32 $0x1BFF;
	s21 =	sshll.u32 s5, $0x1;
	s2 =	sadd.s32 s19, s18  }
0x9c: {  	s6 =	simm.s32 $0x0;
	s20 =	sshll.u32 s4, $0x1;
	s4 =	sadd.s32 s21, s2  }
0x9d: {  	[timem:s6], [sflag:s22] =	dma.local [hbm:s4], s20  }
0x9e: {  	_ =	swait.ge [sflag:s22], s20  }
0x9f: {  	s3 =	ssub.s32 $0x0, s20;
	[sflag:s22] =	ssyncset.done $0x0  }
0xa0: {  	[sflag:s22] =	ssyncadd.s32 s3;
	_ =	sdelay $0x1  }
0xa1: {  	s23 =	simm.s32 $0x1B8B  }
0xa2: {  	_ =	swait.ge [sflag:s23], $0x1  }
0xa3: {  	[sflag:s23] =	ssyncset.done $0x0  }
0xa4: {  	s25 =	simm.s32 $0x1B8E;
	s24 =	sld [smem:$0x3FFE];
	[sflag:s23] =	ssyncadd.s32 $0xFFFFFFFF  }
0xa5: {  	s26 =	simm.s32 $execute0_lowered;
	[smem:$0x3FD2] =	sst s25  }
0xa6: {  	s4 =	sshll.u32 s26, $0x1;
	_ =	strace $0x8000004C;
	[dreg:$0x1] =	wrdreg $0xFFFFFFFF  }
0xa7: {  	s28 =	simm.s32 $_size_execute0_lowered;
	s2 =	sadd.s32 s2, s4;
	[dreg:$0x0] =	wrdreg $0x0  }
0xa8: {  	s4 =	sshll.u32 s28, $0x1;
	[dreg:$0x2] =	wrdreg s2  }
0xa9: {  	[dreg:$0x3] =	wrdreg s4  }
0xaa: {  	[dreg:$0x4] =	wrdreg $0xC0  }
0xab: {  	_ =	task [dreg:s6], $0x5FFFF  }
0xac: {  	[dreg:$0x1] =	wrdreg $0xFFFFFFFF  }
0xad: {  	[dreg:$0x0] =	wrdreg $0x60  }
0xae: {  	[dreg:$0x2] =	wrdreg s24  }
0xaf: {  	[dreg:$0x3] =	wrdreg $0x0  }
0xb0: {  	[dreg:$0x4] =	wrdreg $0x9  }
0xb1: {  	_ =	task.clear_ibuf [dreg:s6], $0x5FFFF;
	_ =	strace $0x9000004C  }
0xb2: {  	s29 =	simm.s32 $0x9;
	_ =	strace $0x8000004E  }
0xb3: {  	_ =	swait.ge [sflag:s29], $0x1  }
0xb4: {  	[sflag:s29] =	ssyncadd.s32 $0xFFFFFFFF  }
0xb5: {  	_ =	strace $0x9000004E  }
0xb6: {  	_ =	sfence  }
0xb7: {  	s30 =	sld [smem:$0x0];
	_ =	sdelay $0x2  }
0xb8: {  	s31 =	sshll.u32 s1, $0xD;
	s1 =	sshrl.u32 s1, $0x2  }
0xb9: {  	s3 =	sand.u32 $0x4000, s31;
	s1 =	sadd.s32 s1, s30  }
0xba: {  	s0 =	sor.u32 s3, s0;
	s1 =	sshll.u32 s1, $0x11  }
0xbb: {  	s0 =	sor.u32 s1, s0  }
0xbc: {  	s0 =	sadd.s32 $0x8F2B, s0  }
0xbd: {  	[sflag:s0] =	ssyncadd.remote.s32 $0x1  }
0xbe: {  	_ =	sfence.sel $0xFFFF  }
0xbf: {  	[dreg:$0x0] =	wrdreg $0xFFFFFFFF;
	(pc) =	sbr.abs _section_cstart, $3  }
0xc0: {  	[dreg:$0x1] =	wrdreg $0xFFFFFFFF  }
0xc1: {  	_ =	task.clear_ibuf [dreg:s6], $0x2FFFF;
	_ =	strace $0x9FFFFFFF  }
0xc2: {  	(tm) =	ssettm $0x7FFFFFFF  }
0xc3: {  	_ =	shalt  }
tec
execute0_lowered:
.L_overlay_start_1:
0x0: {  	(tag) =	ssettag $0x1  }
0x1: {  	s6 =	rddreg [dreg:$0x0]  }
0x2: {  	s2 =	rddreg [dreg:$0x1]  }
0x3: {  	s0 =	srdreg.scid;
	s1 =	rddreg [dreg:$0x2];
	s3 =	simm.s32 $0x0  }
0x4: {  	s15 =	simm.s32 $0x9C60;
	s16 =	simm.s32 $0x2;
	s17 =	simm.s32 $0x9E60  }
0x5: {  	s18 =	simm.s32 $0x200;
	s19 =	simm.s32 $0xA060;
	s5 =	sand.u32 $0x1, s0  }
0x6: {  	s20 =	simm.s32 $0x1;
	s0 =	stileid.u32;
	s4 =	smul.u32 $0x28000, s5  }
0x7: {  	s21 =	simm.s32 $0x0;
	[smem:$0x7FF] =	sst s3;
	s7 =	smul.u32 $0x2800, s0  }
0x8: {  	s9 =	sadd.s32 $0x2E200, s6;
	_ =	strace $0x8000004D;
	s8 =	smul.u32 $0x9C00, s0  }
0x9: {  	s28 =	ssub.s32 $0x2, s5;
	s12 =	smul.u32 $0x9C400, s5;
	p0 =	seq.s32 s0, $0xF  }
0xa: {  	s10 =	sshrl.u32 s28, $0x1;
	s13 =	sshll.u32 @!p0 s0, $0x6;
	s7 =	sadd.s32 s7, s4  }
0xb: {  	s4 =	sadd.s32 $0x1A800, s6;
	s10 =	ssub.s32 s28, s10;
	s14 =	sadd.s32 s8, s2  }
0xc: {  	s29 =	sshrl.u32 s8, $0x3;
	s30 =	sadd.s32 s8, s12;
	s31 =	sshrl.u32 s12, $0x3  }
0xd: {  	s12 =	sadd.s32 $0x92400, s2;
	s13 =	sor.u32 @!p0 $0x1C02, s13;
	s7 =	sshrl.u32 s7, $0x3  }
0xe: {  	s5 =	sadd.s32 s4, s29;
	s8 =	sadd.s32 s9, s31;
	s12 =	sshrl.u32 @p0 s12, $0x3  }
0xf: {  	s14 =	sshrl.u32 @!p0 s14, $0x3;
	s11 =	sadd.s32 s7, s6;
	s7 =	sshrl.u32 s30, $0x3  }
0x10: {  	s6 =	sadd.s32 $0x2CC80, s6;
	s8 =	sadd.s32 $0x12480, s8;
	s7 =	sadd.s32 s9, s7  }
0x11: {  	s9 =	smax.u32 s10, $0x1;
	s10 =	sadd.s32 $0x6800, s11;
	s11 =	sadd.s32 $0x10800, s11  }
.LBB2_1:
0x12: {  	s22 =	simm.s32 @p0 $0x1FC2  }
0x13: {  	[spmem:s12], [sflag:s22] =	dma.local @p0 [hbm:s6], $0x1400  }
0x14: {  	s22 =	simm.s32 @p0 $0x2  }
0x15: {  	_ =	swait.ge @p0 [sflag:s22], $0x1400  }
0x16: {  	[sflag:s22] =	ssyncset.done @p0 $0x0  }
0x17: {  	[sflag:s22] =	ssyncadd.s32 @p0 $0xFFFFEC00;
	s22 =	simm.s32 @!p0 $0x2  }
0x18: {  	[spmem:s14], [sflag:s13] =	dma.local @!p0 [hbm:s5], $0x1380  }
0x19: {  	_ =	swait.ge @!p0 [sflag:s22], $0x1380  }
0x1a: {  	[sflag:s22] =	ssyncset.done @!p0 $0x0  }
0x1b: {  	[sflag:s22] =	ssyncadd.s32 @!p0 $0xFFFFEC80  }
0x1c: {  	s30 =	sadd.s32 $0x0, s11;
	[bflag:$0x0] =	sbarrier.arrive $0xFFFF  }
0x1d: {  	[tilespmem:s15], [sflag:$0x2] =	stream.linear.gather [hbm4b:s30+s3], $0x200, $0x38;
	[tilespmem:$0x12060] =	vst v63  }
0x1e: {  	_ =	swait.ge [sflag:s16], $0x200  }
0x1f: {  	[sflag:s16] =	ssyncset.done $0x0  }
0x20: {  	s31 =	sadd.s32 $0x0, s10;
	[sflag:s16] =	ssyncadd.s32 $0xFFFFFE00  }
0x21: {  	[tilespmem:s17], [sflag:$0x2] =	stream.linear.gather [hbm4b:s31+s3], $0x200, $0x38;
	[tilespmem:$0x12060] =	vst v63  }
0x22: {  	_ =	swait.ge [sflag:s16], $0x200  }
0x23: {  	[sflag:s16] =	ssyncset.done $0x0  }
0x24: {  	[sflag:s16] =	ssyncadd.s32 $0xFFFFFE00  }
0x25: {  	[tilespmem:s19], [sflag:$0x1] =	stream.indirect.gather [hbm4b:s4+s18], $0x40, s15, s18, $0xb8;
	[tilespmem:$0x12060] =	vst v63  }
0x26: {  	_ =	swait.ge [sflag:s20], $0x8000  }
0x27: {  	[sflag:s20] =	ssyncset.done $0x0  }
0x28: {  	[sflag:s20] =	ssyncadd.s32 $0xFFFF8000  }
0x29: {  	[spmem:s2] =	stream.indirect.scatter.add.f32 [tilespmem:s19], [sflag:$0x2], $0x40, s17, s18, $0xb8;
	[tilespmem:$0x12060] =	vst v63  }
0x2a: {  	_ =	swait.ge [sflag:s16], $0x8000  }
0x2b: {  	s23 =	simm.s32 $0x80;
	s22 =	simm.s32 $0x40;
	[sflag:s16] =	ssyncset.done $0x0  }
.LBB2_2:
0x2c: {  	s24 =	sadd.s32 s22, s11  }
0x2d: {  	[sflag:s16] =	ssyncadd.s32 $0xFFFF8000;
	s25 =	smov.u32 s23;
	s26 =	sadd.s32 $0x40, s23  }
0x2e: {  	[tilespmem:s15], [sflag:$0x2] =	stream.linear.gather [hbm4b:s24+s3], $0x200, $0x38;
	[tilespmem:$0x12060] =	vst v63  }
0x2f: {  	p1 =	sne.s32 s23, $0x4C0;
	_ =	swait.ge [sflag:s16], $0x200  }
0x30: {  	[sflag:s16] =	ssyncset.done $0x0  }
0x31: {  	s23 =	sadd.s32 s22, s10;
	s22 =	smov.u32 s25;
	[sflag:s16] =	ssyncadd.s32 $0xFFFFFE00  }
0x32: {  	[tilespmem:s17], [sflag:$0x2] =	stream.linear.gather [hbm4b:s23+s3], $0x200, $0x38;
	[tilespmem:$0x12060] =	vst v63  }
0x33: {  	_ =	swait.ge [sflag:s16], $0x200  }
0x34: {  	[sflag:s16] =	ssyncset.done $0x0  }
0x35: {  	[sflag:s16] =	ssyncadd.s32 $0xFFFFFE00  }
0x36: {  	[tilespmem:s19], [sflag:$0x1] =	stream.indirect.gather [hbm4b:s4+s18], $0x40, s15, s18, $0xb8;
	[tilespmem:$0x12060] =	vst v63  }
0x37: {  	_ =	swait.ge [sflag:s20], $0x8000  }
.Ltmp0:
0x38: {  	[sflag:s20] =	ssyncset.done $0x0;
	(pc) =	sbr.rel @p1 .LBB2_2-.Ltmp0, $4  }
0x39: {  	[sflag:s20] =	ssyncadd.s32 $0xFFFF8000  }
0x3a: {  	[spmem:s2] =	stream.indirect.scatter.add.f32 [tilespmem:s19], [sflag:$0x2], $0x40, s17, s18, $0xb8;
	[tilespmem:$0x12060] =	vst v63  }
0x3b: {  	_ =	swait.ge [sflag:s16], $0x8000  }
0x3c: {  	s23 =	smov.u32 s26;
	[sflag:s16] =	ssyncset.done $0x0  }
0x3d: {  	s23 =	sadd.s32 s22, s11;
	[sflag:s16] =	ssyncadd.s32 $0xFFFF8000  }
0x3e: {  	[tilespmem:s15], [sflag:$0x2] =	stream.linear.gather [hbm4b:s23+s3], $0x200, $0x38;
	[tilespmem:$0x12060] =	vst v63  }
0x3f: {  	_ =	swait.ge [sflag:s16], $0x200  }
0x40: {  	[sflag:s16] =	ssyncset.done $0x0  }
0x41: {  	s31 =	sadd.s32 s22, s10;
	[sflag:s16] =	ssyncadd.s32 $0xFFFFFE00  }
0x42: {  	[tilespmem:s17], [sflag:$0x2] =	stream.linear.gather [hbm4b:s31+s3], $0x200, $0x38;
	[tilespmem:$0x12060] =	vst v63  }
0x43: {  	_ =	swait.ge [sflag:s16], $0x200  }
0x44: {  	[sflag:s16] =	ssyncset.done $0x0  }
0x45: {  	[sflag:s16] =	ssyncadd.s32 $0xFFFFFE00  }
0x46: {  	[tilespmem:s19], [sflag:$0x1] =	stream.indirect.gather [hbm4b:s4+s18], $0x40, s15, s18, $0xb8;
	[tilespmem:$0x12060] =	vst v63  }
0x47: {  	_ =	swait.ge [sflag:s20], $0x8000  }
0x48: {  	[sflag:s20] =	ssyncset.done $0x0  }
0x49: {  	[sflag:s20] =	ssyncadd.s32 $0xFFFF8000  }
0x4a: {  	[spmem:s2] =	stream.indirect.scatter.add.f32 [tilespmem:s19], [sflag:$0x2], $0x40, s17, s18, $0xb8;
	[tilespmem:$0x12060] =	vst v63  }
0x4b: {  	_ =	swait.ge [sflag:s16], $0x8000  }
0x4c: {  	[sflag:s16] =	ssyncset.done $0x0  }
0x4d: {  	[sflag:s16] =	ssyncadd.s32 $0xFFFF8000  }
0x4e: {  	s22 =	simm.s32 @p0 $0x1FC2;
	[bflag:$0x0] =	sbarrier.arrive $0xFFFF  }
0x4f: {  	[hbm:s8], [sflag:s22] =	dma.local @p0 [spmem:s12], $0x1400  }
0x50: {  	s22 =	simm.s32 @p0 $0x2  }
0x51: {  	s21 =	sadd.s32 $0x1, s21;
	_ =	swait.ge @p0 [sflag:s22], $0x1400  }
0x52: {  	p1 =	sne.s32 s21, s9;
	[sflag:s22] =	ssyncset.done @p0 $0x0  }
.Ltmp1:
0x53: {  	[sflag:s22] =	ssyncadd.s32 @p0 $0xFFFFEC00;
	s22 =	simm.s32 @!p0 $0x2;
	(pc) =	sbr.rel @p1 .LBB2_1-.Ltmp1, $4  }
0x54: {  	[hbm:s7], [sflag:s13] =	dma.local @!p0 [spmem:s14], $0x1380  }
0x55: {  	_ =	swait.ge @!p0 [sflag:s22], $0x1380  }
0x56: {  	[sflag:s22] =	ssyncset.done @!p0 $0x0  }
0x57: {  	[sflag:s22] =	ssyncadd.s32 @!p0 $0xFFFFEC80  }
0x58: {  	_ =	sfence.sel $0x180000  }
0x59: {  	[bflag:$0x0] =	sbarrier.arrive $0xFFFF  }
0x5a: {  	p0 =	sne.s32 s0, $0x0;
	_ =	strace $0x9000004D  }
0x5b: {  	s0 =	sadd.s32 @!p0 $0x100000, s1;
	[bflag:$0x2] =	sbarrier.arrive $0xFFFF  }
0x5c: {  	[sflag:s0] =	ssyncadd.tile.s32 @!p0 $0x1;
	_ =	shalt  }
.Lfunc_end2:
_tile_overlayer_lowered:
.L_overlay_start_2:
0x5d: {  	(tag) =	ssettag $0x2  }
0x5e: {  	s0 =	rddreg [dreg:$0x0];
	s2 =	stileid.u32  }
0x5f: {  	s1 =	rddreg [dreg:$0x1];
	p0 =	sne.s32 s2, $0x0  }
0x60: {  	s3 =	rddreg [dreg:$0x2];
	[bflag:$0x3] =	sbarrier.arrive $0xFFFF;
	s2 =	simm.s32 @!p0 $0x1C02  }
0x61: {  	[timem:s3], [sflag:s2] =	dma.local @!p0 [hbm:s0], s1  }
0x62: {  	s0 =	simm.s32 @!p0 $0x2  }
0x63: {  	_ =	swait.ge @!p0 [sflag:s0], s1  }
0x64: {  	s1 =	ssub.s32 @!p0 $0x0, s1;
	[sflag:s0] =	ssyncset.done @!p0 $0x0  }
0x65: {  	[sflag:s0] =	ssyncadd.s32 @!p0 s1  }
0x66: {  	[bflag:$0x3] =	sbarrier.arrive $0xFFFF  }
0x67: {  	_ =	shalt  }

// kernel: kernel.27.cloned.1.call-start
scs
__scs_entry_jumppad:
0x0: {  	(pc) =	sbr.rel $0x88, $3  }
0x1: {  	(tag) =	ssettag $0x0;
	lr =	simm.s32 $0x1  }
0x2: {  	[smem:$0x3F93] =	sst lr;
	_ =	strace $0xD0000000  }
0x3: {  	_ = 	snop  }
0x4: {  	_ = 	snop  }
0x5: {  	_ = 	snop  }
0x6: {  	_ = 	snop  }
0x7: {  	_ = 	snop  }
__scs_overlays_trampoline_lowered:
0x8: {  	[smem:$0x3FA2] =	sst s0  }
0x9: {  	[smem:$0x3FA3] =	sst s1  }
0xa: {  	[smem:$0x3FA4] =	sst s2  }
0xb: {  	[smem:$0x3FA5] =	sst s3  }
0xc: {  	[smem:$0x3FA6] =	sst s4  }
0xd: {  	[smem:$0x3FA7] =	sst s5  }
0xe: {  	[smem:$0x3FA8] =	sst s6  }
0xf: {  	[smem:$0x3FA9] =	sst s7  }
0x10: {  	[smem:$0x3FAA] =	sst s8  }
0x11: {  	[smem:$0x3FAB] =	sst s9;
	s0 =	simm.s32 @!p0 $0x0  }
0x12: {  	s1 =	sld [smem:$0x3F91];
	s0 =	simm.s32 @p0 $0x1  }
0x13: {  	[smem:$0x3FAC] =	sst s0;
	s0 =	simm.s32 @!p1 $0x0  }
0x14: {  	s2 =	sld [smem:$0x3F90];
	s0 =	simm.s32 @p1 $0x1  }
0x15: {  	[smem:$0x3FAD] =	sst s0;
	s0 =	simm.s32 @!p2 $0x0  }
0x16: {  	s3 =	sld [smem:$0x3FDB];
	s0 =	simm.s32 @p2 $0x1  }
0x17: {  	s4 =	simm.s32 $0x1BF5;
	[smem:$0x3FAF] =	sst s0  }
0x18: {  	s0 =	sld [smem:$0x3F92];
	_ =	swait.ge [sflag:s4], $0x0  }
0x19: {  	s7 =	sld [smem:$0x3F93]  }
0x1a: {  	s8 =	sadd.s32 $0xFFFFE003, lr  }
0x1b: {  	s9 =	sadd.s32 $0xFFFFFEF7, lr;
	s5 =	simm.s32 $0xFFFFFFFF;
	p2 =	slt.u32 s8, $0xFFFFF086  }
0x1c: {  	p1 =	slt.u32 s9, $0xF7A;
	s5 =	simm.s32 @!p2 $0x0  }
0x1d: {  	s5 =	simm.s32 @p1 $0x1;
	p0 =	seq.s32 s7, s2  }
0x1e: {  	s7 =	smul.u32 @!p0 $0xF7A, s2;
	p2 =	seq.s32 @!p0 s5, $0x0  }
0x1f: {  	s9 =	smul.u32 $0xF7A, s1;
	s8 =	simm.s32 @!p0 $0x1BF5;
	p2 =	por !p2, p0  }
0x20: {  	[sflag:s8] =	ssyncset.s32 @!p0 $0xFFFFF086;
	s6 =	sadd.s32 @!p0 s3, s7;
	s7 =	simm.s32 @!p0 $0x108  }
0x21: {  	s3 =	sadd.s32 s3, s9;
	s6 =	sadd.s32 @!p0 $0x88, s6;
	s7 =	simm.s32 @p2 $0x1082  }
0x22: {  	[simem:s7], [sflag:s8] =	dma.local @!p0 [hbm:s6], $0xF7A  }
0x23: {  	s9 =	sor.u32 $0xD0000000, s2;
	s6 =	simm.s32 $0x108;
	_ =	swait.ge @!p0 [sflag:s8], $0x0  }
0x24: {  	s3 =	sadd.s32 $0x88, s3;
	s6 =	simm.s32 @!p1 $0x1082;
	[sflag:s4] =	ssyncset.s32 $0xFFFFF086  }
0x25: {  	[simem:s6], [sflag:s4] =	dma.local [hbm:s3], $0xF7A  }
0x26: {  	[smem:$0x3F93] =	sst s1;
	(tag) =	ssettag s2;
	_ =	strace s9  }
0x27: {  	s1 =	sld [smem:$0x3FA3]  }
0x28: {  	s2 =	sld [smem:$0x3FA4]  }
0x29: {  	s4 =	sld [smem:$0x3FA6]  }
0x2a: {  	p0 =	seq.s32 s5, $0x0;
	s5 =	sld [smem:$0x3FA7]  }
0x2b: {  	s6 =	sld [smem:$0x3FA8]  }
0x2c: {  	s7 =	sld [smem:$0x3FA9]  }
0x2d: {  	s3 =	simm.s32 $0x108;
	s8 =	sld [smem:$0x3FAA]  }
0x2e: {  	s3 =	simm.s32 @!p0 $0x1082;
	s9 =	sld [smem:$0x3FAB]  }
0x2f: {  	lr =	sadd.s32 s0, s3;
	s0 =	sld [smem:$0x3FA2]  }
0x30: {  	s3 =	sld [smem:$0x3FA5]  }
0x31: {  	[smem:$0x3FAE] =	sst s10  }
0x32: {  	s10 =	sld [smem:$0x3FAC];
	_ =	sdelay $0x3  }
0x33: {  	p0 =	seq.s32 s10, $0x1;
	s10 =	sld [smem:$0x3FAE];
	_ =	sdelay $0x3  }
0x34: {  	[smem:$0x3FAE] =	sst s10  }
0x35: {  	s10 =	sld [smem:$0x3FAD];
	_ =	sdelay $0x3  }
0x36: {  	p1 =	seq.s32 s10, $0x1;
	s10 =	sld [smem:$0x3FAE];
	_ =	sdelay $0x3  }
0x37: {  	[smem:$0x3FAE] =	sst s10  }
0x38: {  	s10 =	sld [smem:$0x3FAF]  }
0x39: {  	_ = 	snop;
	(pc) =	sbr.ind lr, $3  }
0x3a: {  	_ = 	snop  }
0x3b: {  	_ = 	snop  }
0x3c: {  	p2 =	seq.s32 s10, $0x1;
	s10 =	sld [smem:$0x3FAE]  }
0x3d: {  	_ =	shalt  }
0x3e: {  	_ =	shalt  }
0x3f: {  	_ =	shalt  }
0x40: {  	_ =	shalt  }
0x41: {  	_ =	shalt  }
0x42: {  	_ =	shalt  }
0x43: {  	_ =	shalt  }
0x44: {  	_ =	shalt  }
0x45: {  	_ =	shalt  }
0x46: {  	_ =	shalt  }
0x47: {  	_ =	shalt  }
0x48: {  	_ =	shalt  }
0x49: {  	_ =	shalt  }
0x4a: {  	_ =	shalt  }
0x4b: {  	_ =	shalt  }
0x4c: {  	_ =	shalt  }
0x4d: {  	_ =	shalt  }
0x4e: {  	_ =	shalt  }
0x4f: {  	_ =	shalt  }
0x50: {  	_ =	shalt  }
0x51: {  	_ =	shalt  }
0x52: {  	_ =	shalt  }
0x53: {  	_ =	shalt  }
0x54: {  	_ =	shalt  }
0x55: {  	_ =	shalt  }
0x56: {  	_ =	shalt  }
0x57: {  	_ =	shalt  }
0x58: {  	_ =	shalt  }
0x59: {  	_ =	shalt  }
0x5a: {  	_ =	shalt  }
0x5b: {  	_ =	shalt  }
0x5c: {  	_ =	shalt  }
0x5d: {  	_ =	shalt  }
0x5e: {  	_ =	shalt  }
0x5f: {  	_ =	shalt  }
0x60: {  	_ =	shalt  }
0x61: {  	_ =	shalt  }
0x62: {  	_ =	shalt  }
0x63: {  	_ =	shalt  }
0x64: {  	_ =	shalt  }
0x65: {  	_ =	shalt  }
0x66: {  	_ =	shalt  }
0x67: {  	_ =	shalt  }
0x68: {  	_ =	shalt  }
0x69: {  	_ =	shalt  }
0x6a: {  	_ =	shalt  }
0x6b: {  	_ =	shalt  }
0x6c: {  	_ =	shalt  }
0x6d: {  	_ =	shalt  }
0x6e: {  	_ =	shalt  }
0x6f: {  	_ =	shalt  }
0x70: {  	_ =	shalt  }
0x71: {  	_ =	shalt  }
0x72: {  	_ =	shalt  }
0x73: {  	_ =	shalt  }
0x74: {  	_ =	shalt  }
0x75: {  	_ =	shalt  }
0x76: {  	_ =	shalt  }
0x77: {  	_ =	shalt  }
0x78: {  	_ =	shalt  }
0x79: {  	_ =	shalt  }
0x7a: {  	_ =	shalt  }
0x7b: {  	_ =	shalt  }
0x7c: {  	_ =	shalt  }
0x7d: {  	_ =	shalt  }
0x7e: {  	_ =	shalt  }
0x7f: {  	_ =	shalt  }
0x80: {  	_ =	shalt  }
0x81: {  	_ =	shalt  }
0x82: {  	_ =	shalt  }
0x83: {  	_ =	shalt  }
0x84: {  	_ =	shalt  }
0x85: {  	_ =	shalt  }
0x86: {  	_ =	shalt  }
0x87: {  	_ =	shalt  }
.Lfunc_end0:
.L_simem_size_0:
called_computation.3_lowered:
.L_overlay_start_0:
0x88: {  	s2 =	sld [smem:$0x3FD9]  }
0x89: {  	s3 =	sld [smem:$0x3FFE];
	_ =	sdelay $0x1  }
0x8a: {  	s1 =	srdreg.scid  }
0x8b: {  	s0 =	sand.u32 $0x1, s1  }
0x8c: {  	s17 =	sshll.u32 s0, $0xA;
	s2 =	sadd.s32 s3, s2  }
0x8d: {  	s2 =	sadd.s32 s2, s17  }
0x8e: {  	[smem:$0x3FBA] =	sst s2  }
0x8f: {  	_ = 	snop  }
0x90: {  	(tm) =	ssettm $0x1  }
0x91: {  	s18 =	sld [smem:$0x3FFB];
	_ =	sdelay $0x3  }
0x92: {  	_ =	strace s18  }
0x93: {  	s2 =	sld [smem:$0x3FFC];
	_ =	sdelay $0x3  }
0x94: {  	_ =	strace s2  }
0x95: {  	s2 =	sld [smem:$0x3FFD];
	_ =	sdelay $0x3  }
0x96: {  	_ =	strace s2  }
0x97: {  	_ =	strace $0x8FFFFFFF  }
0x98: {  	s19 =	sld [smem:$0x3FDB];
	_ =	sdelay $0x1  }
0x99: {  	s20 =	simm.s32 $_scs_section_size  }
0x9a: {  	s4 =	simm.s32 $_size__tile_overlayer_lowered;
	s5 =	simm.s32 $_tile_overlayer_lowered  }
0x9b: {  	s6 =	simm.s32 $0x1BFF;
	s21 =	sshll.u32 s5, $0x1;
	s3 =	sadd.s32 s20, s19  }
0x9c: {  	s22 =	simm.s32 $0x0;
	s4 =	sshll.u32 s4, $0x1;
	s5 =	sadd.s32 s21, s3  }
0x9d: {  	[timem:s22], [sflag:s6] =	dma.local [hbm:s5], s4  }
0x9e: {  	_ =	swait.ge [sflag:s6], s4  }
0x9f: {  	s4 =	ssub.s32 $0x0, s4;
	[sflag:s6] =	ssyncset.done $0x0  }
0xa0: {  	[sflag:s6] =	ssyncadd.s32 s4;
	_ =	sdelay $0x1  }
0xa1: {  	s23 =	simm.s32 $0x1B8B  }
0xa2: {  	_ =	swait.ge [sflag:s23], $0x1  }
0xa3: {  	[sflag:s23] =	ssyncset.done $0x0  }
0xa4: {  	[sflag:s23] =	ssyncadd.s32 $0xFFFFFFFF  }
0xa5: {  	s4 =	sld [smem:$0x0]  }
0xa6: {  	s5 =	sand.u32 $0xFFFFFFFE, s1  }
0xa7: {  	p0 =	sne.s32 s1, s5  }
0xa8: {  	s5 =	sshll.u32 @p0 s5, $0xE  }
0xa9: {  	s5 =	sadd.s32 @p0 $0x11B8D, s5;
	s6 =	sshll.u32 @p0 s4, $0x11  }
0xaa: {  	s5 =	sor.u32 @p0 s6, s5  }
0xab: {  	[sflag:s5] =	ssyncadd.remote.s32 @p0 $0x1;
	_ =	sdelay $0x1  }
0xac: {  	s5 =	simm.s32 @p0 $0x1B8D  }
0xad: {  	_ =	swait.eq @p0 [sflag:s5], $0x1  }
0xae: {  	[sflag:s5] =	ssyncadd.s32 @p0 $0xFFFFFFFF  }
0xaf: {  	s6 =	sshll.u32 @!p0 s1, $0xE  }
0xb0: {  	s6 =	sor.u32 @!p0 $0x4000, s6;
	s5 =	simm.s32 @!p0 $0x1B8D  }
0xb1: {  	s4 =	sshll.u32 @!p0 s4, $0x11;
	s6 =	sadd.s32 @!p0 $0x11B8D, s6;
	_ =	swait.eq @!p0 [sflag:s5], $0x1  }
0xb2: {  	s4 =	sor.u32 @!p0 s4, s6;
	[sflag:s5] =	ssyncadd.s32 @!p0 $0xFFFFFFFF  }
0xb3: {  	s25 =	simm.s32 $0x1B8E;
	s24 =	sld [smem:$0x3FFE];
	[sflag:s4] =	ssyncadd.remote.s32 @!p0 $0x1  }
0xb4: {  	s26 =	simm.s32 $execute0_lowered;
	[smem:$0x3FD2] =	sst s25  }
0xb5: {  	s5 =	sshll.u32 s26, $0x1;
	_ =	strace $0x80000052;
	[dreg:$0x1] =	wrdreg $0xFFFFFFFF  }
0xb6: {  	s28 =	simm.s32 $_size_execute0_lowered;
	s3 =	sadd.s32 s3, s5;
	[dreg:$0x0] =	wrdreg $0x0  }
0xb7: {  	s5 =	sshll.u32 s28, $0x1;
	[dreg:$0x2] =	wrdreg s3  }
0xb8: {  	[dreg:$0x3] =	wrdreg s5  }
0xb9: {  	[dreg:$0x4] =	wrdreg $0xC0  }
0xba: {  	_ =	task [dreg:s22], $0x5FFFF  }
0xbb: {  	[dreg:$0x1] =	wrdreg $0xFFFFFFFF  }
0xbc: {  	[dreg:$0x0] =	wrdreg $0x60  }
0xbd: {  	[dreg:$0x2] =	wrdreg s24  }
0xbe: {  	[dreg:$0x3] =	wrdreg $0x0  }
0xbf: {  	[dreg:$0x4] =	wrdreg $0x9  }
0xc0: {  	_ =	task.clear_ibuf [dreg:s22], $0x5FFFF;
	_ =	strace $0x90000052  }
0xc1: {  	s29 =	simm.s32 $0x9;
	_ =	strace $0x80000054  }
0xc2: {  	_ =	swait.ge [sflag:s29], $0x1  }
0xc3: {  	[sflag:s29] =	ssyncadd.s32 $0xFFFFFFFF  }
0xc4: {  	_ =	strace $0x90000054  }
0xc5: {  	_ =	sfence  }
0xc6: {  	s30 =	sld [smem:$0x0];
	_ =	sdelay $0x2  }
0xc7: {  	s31 =	sshll.u32 s1, $0xD;
	s1 =	sshrl.u32 s1, $0x2  }
0xc8: {  	s4 =	sand.u32 $0x4000, s31;
	s1 =	sadd.s32 s1, s30  }
0xc9: {  	s0 =	sor.u32 s4, s0;
	s1 =	sshll.u32 s1, $0x11  }
0xca: {  	s0 =	sor.u32 s1, s0  }
0xcb: {  	s0 =	sadd.s32 $0x8F2B, s0  }
0xcc: {  	[sflag:s0] =	ssyncadd.remote.s32 $0x1  }
0xcd: {  	_ =	sfence.sel $0xFFFF  }
0xce: {  	[dreg:$0x0] =	wrdreg $0xFFFFFFFF;
	(pc) =	sbr.abs _section_cstart, $3  }
0xcf: {  	[dreg:$0x1] =	wrdreg $0xFFFFFFFF  }
0xd0: {  	_ =	task.clear_ibuf [dreg:s22], $0x2FFFF;
	_ =	strace $0x9FFFFFFF  }
0xd1: {  	(tm) =	ssettm $0x7FFFFFFF  }
tec
execute0_lowered:
.L_overlay_start_1:
0x0: {  	(tag) =	ssettag $0x1  }
0x1: {  	s6 =	rddreg [dreg:$0x0]  }
0x2: {  	s2 =	rddreg [dreg:$0x1]  }
0x3: {  	s0 =	srdreg.scid;
	s1 =	rddreg [dreg:$0x2];
	s3 =	simm.s32 $0x0  }
0x4: {  	s15 =	simm.s32 $0x9C60;
	s16 =	simm.s32 $0x2;
	s17 =	simm.s32 $0x9E60  }
0x5: {  	s18 =	simm.s32 $0x200;
	s19 =	simm.s32 $0xA060;
	s5 =	sand.u32 $0x1, s0  }
0x6: {  	s20 =	simm.s32 $0x1;
	s0 =	stileid.u32;
	s4 =	smul.u32 $0x28000, s5  }
0x7: {  	s21 =	simm.s32 $0x0;
	[smem:$0x7FF] =	sst s3;
	s7 =	smul.u32 $0x2800, s0  }
0x8: {  	s9 =	sadd.s32 $0x55400, s6;
	_ =	strace $0x80000053;
	s8 =	smul.u32 $0x9C00, s0  }
0x9: {  	s28 =	ssub.s32 $0x2, s5;
	s12 =	smul.u32 $0x9C400, s5;
	p0 =	seq.s32 s0, $0xF  }
0xa: {  	s10 =	sshrl.u32 s28, $0x1;
	s13 =	sshll.u32 @!p0 s0, $0x6;
	s7 =	sadd.s32 s7, s4  }
0xb: {  	s4 =	sadd.s32 $0x41A00, s6;
	s10 =	ssub.s32 s28, s10;
	s14 =	sadd.s32 s8, s2  }
0xc: {  	s29 =	sshrl.u32 s8, $0x3;
	s30 =	sadd.s32 s8, s12;
	s31 =	sshrl.u32 s12, $0x3  }
0xd: {  	s12 =	sadd.s32 $0x92400, s2;
	s13 =	sor.u32 @!p0 $0x1C02, s13;
	s7 =	sshrl.u32 s7, $0x3  }
0xe: {  	s5 =	sadd.s32 s4, s29;
	s8 =	sadd.s32 s9, s31;
	s12 =	sshrl.u32 @p0 s12, $0x3  }
0xf: {  	s14 =	sshrl.u32 @!p0 s14, $0x3;
	s11 =	sadd.s32 s7, s6;
	s7 =	sshrl.u32 s30, $0x3  }
0x10: {  	s6 =	sadd.s32 $0x53E80, s6;
	s8 =	sadd.s32 $0x12480, s8;
	s7 =	sadd.s32 s9, s7  }
0x11: {  	s9 =	smax.u32 s10, $0x1;
	s10 =	sadd.s32 $0x6800, s11;
	s11 =	sadd.s32 $0x10800, s11  }
.LBB2_1:
0x12: {  	s22 =	simm.s32 @p0 $0x1FC2  }
0x13: {  	[spmem:s12], [sflag:s22] =	dma.local @p0 [hbm:s6], $0x1400  }
0x14: {  	s22 =	simm.s32 @p0 $0x2  }
0x15: {  	_ =	swait.ge @p0 [sflag:s22], $0x1400  }
0x16: {  	[sflag:s22] =	ssyncset.done @p0 $0x0  }
0x17: {  	[sflag:s22] =	ssyncadd.s32 @p0 $0xFFFFEC00;
	s22 =	simm.s32 @!p0 $0x2  }
0x18: {  	[spmem:s14], [sflag:s13] =	dma.local @!p0 [hbm:s5], $0x1380  }
0x19: {  	_ =	swait.ge @!p0 [sflag:s22], $0x1380  }
0x1a: {  	[sflag:s22] =	ssyncset.done @!p0 $0x0  }
0x1b: {  	[sflag:s22] =	ssyncadd.s32 @!p0 $0xFFFFEC80  }
0x1c: {  	s30 =	sadd.s32 $0x0, s11;
	[bflag:$0x0] =	sbarrier.arrive $0xFFFF  }
0x1d: {  	[tilespmem:s15], [sflag:$0x2] =	stream.linear.gather [hbm4b:s30+s3], $0x200, $0x38;
	[tilespmem:$0x12060] =	vst v63  }
0x1e: {  	_ =	swait.ge [sflag:s16], $0x200  }
0x1f: {  	[sflag:s16] =	ssyncset.done $0x0  }
0x20: {  	s31 =	sadd.s32 $0x0, s10;
	[sflag:s16] =	ssyncadd.s32 $0xFFFFFE00  }
0x21: {  	[tilespmem:s17], [sflag:$0x2] =	stream.linear.gather [hbm4b:s31+s3], $0x200, $0x38;
	[tilespmem:$0x12060] =	vst v63  }
0x22: {  	_ =	swait.ge [sflag:s16], $0x200  }
0x23: {  	[sflag:s16] =	ssyncset.done $0x0  }
0x24: {  	[sflag:s16] =	ssyncadd.s32 $0xFFFFFE00  }
0x25: {  	[tilespmem:s19], [sflag:$0x1] =	stream.indirect.gather [hbm4b:s4+s18], $0x40, s15, s18, $0xb8;
	[tilespmem:$0x12060] =	vst v63  }
0x26: {  	_ =	swait.ge [sflag:s20], $0x8000  }
0x27: {  	[sflag:s20] =	ssyncset.done $0x0  }
0x28: {  	[sflag:s20] =	ssyncadd.s32 $0xFFFF8000  }
0x29: {  	[spmem:s2] =	stream.indirect.scatter.add.f32 [tilespmem:s19], [sflag:$0x2], $0x40, s17, s18, $0xb8;
	[tilespmem:$0x12060] =	vst v63  }
0x2a: {  	_ =	swait.ge [sflag:s16], $0x8000  }
0x2b: {  	s23 =	simm.s32 $0x80;
	s22 =	simm.s32 $0x40;
	[sflag:s16] =	ssyncset.done $0x0  }
.LBB2_2:
0x2c: {  	s24 =	sadd.s32 s22, s11  }
0x2d: {  	[sflag:s16] =	ssyncadd.s32 $0xFFFF8000;
	s25 =	smov.u32 s23;
	s26 =	sadd.s32 $0x40, s23  }
0x2e: {  	[tilespmem:s15], [sflag:$0x2] =	stream.linear.gather [hbm4b:s24+s3], $0x200, $0x38;
	[tilespmem:$0x12060] =	vst v63  }
0x2f: {  	p1 =	sne.s32 s23, $0x4C0;
	_ =	swait.ge [sflag:s16], $0x200  }
0x30: {  	[sflag:s16] =	ssyncset.done $0x0  }
0x31: {  	s23 =	sadd.s32 s22, s10;
	s22 =	smov.u32 s25;
	[sflag:s16] =	ssyncadd.s32 $0xFFFFFE00  }
0x32: {  	[tilespmem:s17], [sflag:$0x2] =	stream.linear.gather [hbm4b:s23+s3], $0x200, $0x38;
	[tilespmem:$0x12060] =	vst v63  }
0x33: {  	_ =	swait.ge [sflag:s16], $0x200  }
0x34: {  	[sflag:s16] =	ssyncset.done $0x0  }
0x35: {  	[sflag:s16] =	ssyncadd.s32 $0xFFFFFE00  }
0x36: {  	[tilespmem:s19], [sflag:$0x1] =	stream.indirect.gather [hbm4b:s4+s18], $0x40, s15, s18, $0xb8;
	[tilespmem:$0x12060] =	vst v63  }
0x37: {  	_ =	swait.ge [sflag:s20], $0x8000  }
.Ltmp0:
0x38: {  	[sflag:s20] =	ssyncset.done $0x0;
	(pc) =	sbr.rel @p1 .LBB2_2-.Ltmp0, $4  }
0x39: {  	[sflag:s20] =	ssyncadd.s32 $0xFFFF8000  }
0x3a: {  	[spmem:s2] =	stream.indirect.scatter.add.f32 [tilespmem:s19], [sflag:$0x2], $0x40, s17, s18, $0xb8;
	[tilespmem:$0x12060] =	vst v63  }
0x3b: {  	_ =	swait.ge [sflag:s16], $0x8000  }
0x3c: {  	s23 =	smov.u32 s26;
	[sflag:s16] =	ssyncset.done $0x0  }
0x3d: {  	s23 =	sadd.s32 s22, s11;
	[sflag:s16] =	ssyncadd.s32 $0xFFFF8000  }
0x3e: {  	[tilespmem:s15], [sflag:$0x2] =	stream.linear.gather [hbm4b:s23+s3], $0x200, $0x38;
	[tilespmem:$0x12060] =	vst v63  }
0x3f: {  	_ =	swait.ge [sflag:s16], $0x200  }
0x40: {  	[sflag:s16] =	ssyncset.done $0x0  }
0x41: {  	s31 =	sadd.s32 s22, s10;
	[sflag:s16] =	ssyncadd.s32 $0xFFFFFE00  }
0x42: {  	[tilespmem:s17], [sflag:$0x2] =	stream.linear.gather [hbm4b:s31+s3], $0x200, $0x38;
	[tilespmem:$0x12060] =	vst v63  }
0x43: {  	_ =	swait.ge [sflag:s16], $0x200  }
0x44: {  	[sflag:s16] =	ssyncset.done $0x0  }
0x45: {  	[sflag:s16] =	ssyncadd.s32 $0xFFFFFE00  }
0x46: {  	[tilespmem:s19], [sflag:$0x1] =	stream.indirect.gather [hbm4b:s4+s18], $0x40, s15, s18, $0xb8;
	[tilespmem:$0x12060] =	vst v63  }
0x47: {  	_ =	swait.ge [sflag:s20], $0x8000  }
0x48: {  	[sflag:s20] =	ssyncset.done $0x0  }
0x49: {  	[sflag:s20] =	ssyncadd.s32 $0xFFFF8000  }
0x4a: {  	[spmem:s2] =	stream.indirect.scatter.add.f32 [tilespmem:s19], [sflag:$0x2], $0x40, s17, s18, $0xb8;
	[tilespmem:$0x12060] =	vst v63  }
0x4b: {  	_ =	swait.ge [sflag:s16], $0x8000  }
0x4c: {  	[sflag:s16] =	ssyncset.done $0x0  }
0x4d: {  	[sflag:s16] =	ssyncadd.s32 $0xFFFF8000  }
0x4e: {  	s22 =	simm.s32 @p0 $0x1FC2;
	[bflag:$0x0] =	sbarrier.arrive $0xFFFF  }
0x4f: {  	[hbm:s8], [sflag:s22] =	dma.local @p0 [spmem:s12], $0x1400  }
0x50: {  	s22 =	simm.s32 @p0 $0x2  }
0x51: {  	s21 =	sadd.s32 $0x1, s21;
	_ =	swait.ge @p0 [sflag:s22], $0x1400  }
0x52: {  	p1 =	sne.s32 s21, s9;
	[sflag:s22] =	ssyncset.done @p0 $0x0  }
.Ltmp1:
0x53: {  	[sflag:s22] =	ssyncadd.s32 @p0 $0xFFFFEC00;
	s22 =	simm.s32 @!p0 $0x2;
	(pc) =	sbr.rel @p1 .LBB2_1-.Ltmp1, $4  }
0x54: {  	[hbm:s7], [sflag:s13] =	dma.local @!p0 [spmem:s14], $0x1380  }
0x55: {  	_ =	swait.ge @!p0 [sflag:s22], $0x1380  }
0x56: {  	[sflag:s22] =	ssyncset.done @!p0 $0x0  }
0x57: {  	[sflag:s22] =	ssyncadd.s32 @!p0 $0xFFFFEC80  }
0x58: {  	_ =	sfence.sel $0x180000  }
0x59: {  	[bflag:$0x0] =	sbarrier.arrive $0xFFFF  }
0x5a: {  	p0 =	sne.s32 s0, $0x0;
	_ =	strace $0x90000053  }
0x5b: {  	s0 =	sadd.s32 @!p0 $0x100000, s1;
	[bflag:$0x2] =	sbarrier.arrive $0xFFFF  }
0x5c: {  	[sflag:s0] =	ssyncadd.tile.s32 @!p0 $0x1;
	_ =	shalt  }
.Lfunc_end2:
_tile_overlayer_lowered:
.L_overlay_start_2:
0x5d: {  	(tag) =	ssettag $0x2  }
0x5e: {  	s0 =	rddreg [dreg:$0x0];
	s2 =	stileid.u32  }
0x5f: {  	s1 =	rddreg [dreg:$0x1];
	p0 =	sne.s32 s2, $0x0  }
0x60: {  	s3 =	rddreg [dreg:$0x2];
	[bflag:$0x3] =	sbarrier.arrive $0xFFFF;
	s2 =	simm.s32 @!p0 $0x1C02  }
0x61: {  	[timem:s3], [sflag:s2] =	dma.local @!p0 [hbm:s0], s1  }
0x62: {  	s0 =	simm.s32 @!p0 $0x2  }
0x63: {  	_ =	swait.ge @!p0 [sflag:s0], s1  }
0x64: {  	s1 =	ssub.s32 @!p0 $0x0, s1;
	[sflag:s0] =	ssyncset.done @!p0 $0x0  }
0x65: {  	[sflag:s0] =	ssyncadd.s32 @!p0 s1  }
0x66: {  	[bflag:$0x3] =	sbarrier.arrive $0xFFFF  }
0x67: {  	_ =	shalt  }

// kernel: kernel.30.cloned.1.call-start
scs
__scs_entry_jumppad:
0x0: {  	(pc) =	sbr.rel $0x88, $3  }
0x1: {  	(tag) =	ssettag $0x0;
	lr =	simm.s32 $0x1  }
0x2: {  	[smem:$0x3F93] =	sst lr;
	_ =	strace $0xD0000000  }
0x3: {  	_ = 	snop  }
0x4: {  	_ = 	snop  }
0x5: {  	_ = 	snop  }
0x6: {  	_ = 	snop  }
0x7: {  	_ = 	snop  }
__scs_overlays_trampoline_lowered:
0x8: {  	[smem:$0x3FA2] =	sst s0  }
0x9: {  	[smem:$0x3FA3] =	sst s1  }
0xa: {  	[smem:$0x3FA4] =	sst s2  }
0xb: {  	[smem:$0x3FA5] =	sst s3  }
0xc: {  	[smem:$0x3FA6] =	sst s4  }
0xd: {  	[smem:$0x3FA7] =	sst s5  }
0xe: {  	[smem:$0x3FA8] =	sst s6  }
0xf: {  	[smem:$0x3FA9] =	sst s7  }
0x10: {  	[smem:$0x3FAA] =	sst s8  }
0x11: {  	[smem:$0x3FAB] =	sst s9;
	s0 =	simm.s32 @!p0 $0x0  }
0x12: {  	s1 =	sld [smem:$0x3F91];
	s0 =	simm.s32 @p0 $0x1  }
0x13: {  	[smem:$0x3FAC] =	sst s0;
	s0 =	simm.s32 @!p1 $0x0  }
0x14: {  	s2 =	sld [smem:$0x3F90];
	s0 =	simm.s32 @p1 $0x1  }
0x15: {  	[smem:$0x3FAD] =	sst s0;
	s0 =	simm.s32 @!p2 $0x0  }
0x16: {  	s3 =	sld [smem:$0x3FDB];
	s0 =	simm.s32 @p2 $0x1  }
0x17: {  	s4 =	simm.s32 $0x1BF5;
	[smem:$0x3FAF] =	sst s0  }
0x18: {  	s0 =	sld [smem:$0x3F92];
	_ =	swait.ge [sflag:s4], $0x0  }
0x19: {  	s7 =	sld [smem:$0x3F93]  }
0x1a: {  	s8 =	sadd.s32 $0xFFFFE003, lr  }
0x1b: {  	s9 =	sadd.s32 $0xFFFFFEF7, lr;
	s5 =	simm.s32 $0xFFFFFFFF;
	p2 =	slt.u32 s8, $0xFFFFF086  }
0x1c: {  	p1 =	slt.u32 s9, $0xF7A;
	s5 =	simm.s32 @!p2 $0x0  }
0x1d: {  	s5 =	simm.s32 @p1 $0x1;
	p0 =	seq.s32 s7, s2  }
0x1e: {  	s7 =	smul.u32 @!p0 $0xF7A, s2;
	p2 =	seq.s32 @!p0 s5, $0x0  }
0x1f: {  	s9 =	smul.u32 $0xF7A, s1;
	s8 =	simm.s32 @!p0 $0x1BF5;
	p2 =	por !p2, p0  }
0x20: {  	[sflag:s8] =	ssyncset.s32 @!p0 $0xFFFFF086;
	s6 =	sadd.s32 @!p0 s3, s7;
	s7 =	simm.s32 @!p0 $0x108  }
0x21: {  	s3 =	sadd.s32 s3, s9;
	s6 =	sadd.s32 @!p0 $0x88, s6;
	s7 =	simm.s32 @p2 $0x1082  }
0x22: {  	[simem:s7], [sflag:s8] =	dma.local @!p0 [hbm:s6], $0xF7A  }
0x23: {  	s9 =	sor.u32 $0xD0000000, s2;
	s6 =	simm.s32 $0x108;
	_ =	swait.ge @!p0 [sflag:s8], $0x0  }
0x24: {  	s3 =	sadd.s32 $0x88, s3;
	s6 =	simm.s32 @!p1 $0x1082;
	[sflag:s4] =	ssyncset.s32 $0xFFFFF086  }
0x25: {  	[simem:s6], [sflag:s4] =	dma.local [hbm:s3], $0xF7A  }
0x26: {  	[smem:$0x3F93] =	sst s1;
	(tag) =	ssettag s2;
	_ =	strace s9  }
0x27: {  	s1 =	sld [smem:$0x3FA3]  }
0x28: {  	s2 =	sld [smem:$0x3FA4]  }
0x29: {  	s4 =	sld [smem:$0x3FA6]  }
0x2a: {  	p0 =	seq.s32 s5, $0x0;
	s5 =	sld [smem:$0x3FA7]  }
0x2b: {  	s6 =	sld [smem:$0x3FA8]  }
0x2c: {  	s7 =	sld [smem:$0x3FA9]  }
0x2d: {  	s3 =	simm.s32 $0x108;
	s8 =	sld [smem:$0x3FAA]  }
0x2e: {  	s3 =	simm.s32 @!p0 $0x1082;
	s9 =	sld [smem:$0x3FAB]  }
0x2f: {  	lr =	sadd.s32 s0, s3;
	s0 =	sld [smem:$0x3FA2]  }
0x30: {  	s3 =	sld [smem:$0x3FA5]  }
0x31: {  	[smem:$0x3FAE] =	sst s10  }
0x32: {  	s10 =	sld [smem:$0x3FAC];
	_ =	sdelay $0x3  }
0x33: {  	p0 =	seq.s32 s10, $0x1;
	s10 =	sld [smem:$0x3FAE];
	_ =	sdelay $0x3  }
0x34: {  	[smem:$0x3FAE] =	sst s10  }
0x35: {  	s10 =	sld [smem:$0x3FAD];
	_ =	sdelay $0x3  }
0x36: {  	p1 =	seq.s32 s10, $0x1;
	s10 =	sld [smem:$0x3FAE];
	_ =	sdelay $0x3  }
0x37: {  	[smem:$0x3FAE] =	sst s10  }
0x38: {  	s10 =	sld [smem:$0x3FAF]  }
0x39: {  	_ = 	snop;
	(pc) =	sbr.ind lr, $3  }
0x3a: {  	_ = 	snop  }
0x3b: {  	_ = 	snop  }
0x3c: {  	p2 =	seq.s32 s10, $0x1;
	s10 =	sld [smem:$0x3FAE]  }
0x3d: {  	_ =	shalt  }
0x3e: {  	_ =	shalt  }
0x3f: {  	_ =	shalt  }
0x40: {  	_ =	shalt  }
0x41: {  	_ =	shalt  }
0x42: {  	_ =	shalt  }
0x43: {  	_ =	shalt  }
0x44: {  	_ =	shalt  }
0x45: {  	_ =	shalt  }
0x46: {  	_ =	shalt  }
0x47: {  	_ =	shalt  }
0x48: {  	_ =	shalt  }
0x49: {  	_ =	shalt  }
0x4a: {  	_ =	shalt  }
0x4b: {  	_ =	shalt  }
0x4c: {  	_ =	shalt  }
0x4d: {  	_ =	shalt  }
0x4e: {  	_ =	shalt  }
0x4f: {  	_ =	shalt  }
0x50: {  	_ =	shalt  }
0x51: {  	_ =	shalt  }
0x52: {  	_ =	shalt  }
0x53: {  	_ =	shalt  }
0x54: {  	_ =	shalt  }
0x55: {  	_ =	shalt  }
0x56: {  	_ =	shalt  }
0x57: {  	_ =	shalt  }
0x58: {  	_ =	shalt  }
0x59: {  	_ =	shalt  }
0x5a: {  	_ =	shalt  }
0x5b: {  	_ =	shalt  }
0x5c: {  	_ =	shalt  }
0x5d: {  	_ =	shalt  }
0x5e: {  	_ =	shalt  }
0x5f: {  	_ =	shalt  }
0x60: {  	_ =	shalt  }
0x61: {  	_ =	shalt  }
0x62: {  	_ =	shalt  }
0x63: {  	_ =	shalt  }
0x64: {  	_ =	shalt  }
0x65: {  	_ =	shalt  }
0x66: {  	_ =	shalt  }
0x67: {  	_ =	shalt  }
0x68: {  	_ =	shalt  }
0x69: {  	_ =	shalt  }
0x6a: {  	_ =	shalt  }
0x6b: {  	_ =	shalt  }
0x6c: {  	_ =	shalt  }
0x6d: {  	_ =	shalt  }
0x6e: {  	_ =	shalt  }
0x6f: {  	_ =	shalt  }
0x70: {  	_ =	shalt  }
0x71: {  	_ =	shalt  }
0x72: {  	_ =	shalt  }
0x73: {  	_ =	shalt  }
0x74: {  	_ =	shalt  }
0x75: {  	_ =	shalt  }
0x76: {  	_ =	shalt  }
0x77: {  	_ =	shalt  }
0x78: {  	_ =	shalt  }
0x79: {  	_ =	shalt  }
0x7a: {  	_ =	shalt  }
0x7b: {  	_ =	shalt  }
0x7c: {  	_ =	shalt  }
0x7d: {  	_ =	shalt  }
0x7e: {  	_ =	shalt  }
0x7f: {  	_ =	shalt  }
0x80: {  	_ =	shalt  }
0x81: {  	_ =	shalt  }
0x82: {  	_ =	shalt  }
0x83: {  	_ =	shalt  }
0x84: {  	_ =	shalt  }
0x85: {  	_ =	shalt  }
0x86: {  	_ =	shalt  }
0x87: {  	_ =	shalt  }
.Lfunc_end0:
.L_simem_size_0:
called_computation.4_lowered:
.L_overlay_start_0:
0x88: {  	s2 =	sld [smem:$0x3FD9]  }
0x89: {  	s3 =	sld [smem:$0x3FFE];
	_ =	sdelay $0x1  }
0x8a: {  	s1 =	srdreg.scid  }
0x8b: {  	s0 =	sand.u32 $0x1, s1  }
0x8c: {  	s17 =	sshll.u32 s0, $0xA;
	s2 =	sadd.s32 s3, s2  }
0x8d: {  	s2 =	sadd.s32 s2, s17  }
0x8e: {  	[smem:$0x3FBA] =	sst s2  }
0x8f: {  	_ = 	snop  }
0x90: {  	(tm) =	ssettm $0x1  }
0x91: {  	s18 =	sld [smem:$0x3FFB];
	_ =	sdelay $0x3  }
0x92: {  	_ =	strace s18  }
0x93: {  	s2 =	sld [smem:$0x3FFC];
	_ =	sdelay $0x3  }
0x94: {  	_ =	strace s2  }
0x95: {  	s2 =	sld [smem:$0x3FFD];
	_ =	sdelay $0x3  }
0x96: {  	_ =	strace s2  }
0x97: {  	_ =	strace $0x8FFFFFFF  }
0x98: {  	s19 =	sld [smem:$0x3FDB];
	_ =	sdelay $0x1  }
0x99: {  	s20 =	simm.s32 $_scs_section_size  }
0x9a: {  	s4 =	simm.s32 $_size__tile_overlayer_lowered;
	s5 =	simm.s32 $_tile_overlayer_lowered  }
0x9b: {  	s6 =	simm.s32 $0x1BFF;
	s21 =	sshll.u32 s5, $0x1;
	s3 =	sadd.s32 s20, s19  }
0x9c: {  	s22 =	simm.s32 $0x0;
	s4 =	sshll.u32 s4, $0x1;
	s5 =	sadd.s32 s21, s3  }
0x9d: {  	[timem:s22], [sflag:s6] =	dma.local [hbm:s5], s4  }
0x9e: {  	_ =	swait.ge [sflag:s6], s4  }
0x9f: {  	s4 =	ssub.s32 $0x0, s4;
	[sflag:s6] =	ssyncset.done $0x0  }
0xa0: {  	[sflag:s6] =	ssyncadd.s32 s4;
	_ =	sdelay $0x1  }
0xa1: {  	s23 =	simm.s32 $0x1B8B  }
0xa2: {  	_ =	swait.ge [sflag:s23], $0x1  }
0xa3: {  	[sflag:s23] =	ssyncset.done $0x0  }
0xa4: {  	[sflag:s23] =	ssyncadd.s32 $0xFFFFFFFF  }
0xa5: {  	s4 =	sld [smem:$0x0]  }
0xa6: {  	s5 =	sand.u32 $0xFFFFFFFE, s1  }
0xa7: {  	p0 =	sne.s32 s1, s5  }
0xa8: {  	s5 =	sshll.u32 @p0 s5, $0xE  }
0xa9: {  	s5 =	sadd.s32 @p0 $0x11B8D, s5;
	s6 =	sshll.u32 @p0 s4, $0x11  }
0xaa: {  	s5 =	sor.u32 @p0 s6, s5  }
0xab: {  	[sflag:s5] =	ssyncadd.remote.s32 @p0 $0x1;
	_ =	sdelay $0x1  }
0xac: {  	s5 =	simm.s32 @p0 $0x1B8D  }
0xad: {  	_ =	swait.eq @p0 [sflag:s5], $0x1  }
0xae: {  	[sflag:s5] =	ssyncadd.s32 @p0 $0xFFFFFFFF  }
0xaf: {  	s6 =	sshll.u32 @!p0 s1, $0xE  }
0xb0: {  	s6 =	sor.u32 @!p0 $0x4000, s6;
	s5 =	simm.s32 @!p0 $0x1B8D  }
0xb1: {  	s4 =	sshll.u32 @!p0 s4, $0x11;
	s6 =	sadd.s32 @!p0 $0x11B8D, s6;
	_ =	swait.eq @!p0 [sflag:s5], $0x1  }
0xb2: {  	s4 =	sor.u32 @!p0 s4, s6;
	[sflag:s5] =	ssyncadd.s32 @!p0 $0xFFFFFFFF  }
0xb3: {  	s25 =	simm.s32 $0x1B8E;
	s24 =	sld [smem:$0x3FFE];
	[sflag:s4] =	ssyncadd.remote.s32 @!p0 $0x1  }
0xb4: {  	s26 =	simm.s32 $execute0_lowered;
	[smem:$0x3FD2] =	sst s25  }
0xb5: {  	s5 =	sshll.u32 s26, $0x1;
	_ =	strace $0x80000058;
	[dreg:$0x1] =	wrdreg $0xFFFFFFFF  }
0xb6: {  	s28 =	simm.s32 $_size_execute0_lowered;
	s3 =	sadd.s32 s3, s5;
	[dreg:$0x0] =	wrdreg $0x0  }
0xb7: {  	s5 =	sshll.u32 s28, $0x1;
	[dreg:$0x2] =	wrdreg s3  }
0xb8: {  	[dreg:$0x3] =	wrdreg s5  }
0xb9: {  	[dreg:$0x4] =	wrdreg $0xC0  }
0xba: {  	_ =	task [dreg:s22], $0x5FFFF  }
0xbb: {  	[dreg:$0x1] =	wrdreg $0xFFFFFFFF  }
0xbc: {  	[dreg:$0x0] =	wrdreg $0x60  }
0xbd: {  	[dreg:$0x2] =	wrdreg s24  }
0xbe: {  	[dreg:$0x3] =	wrdreg $0x0  }
0xbf: {  	[dreg:$0x4] =	wrdreg $0x9  }
0xc0: {  	_ =	task.clear_ibuf [dreg:s22], $0x5FFFF;
	_ =	strace $0x90000058  }
0xc1: {  	s29 =	simm.s32 $0x9;
	_ =	strace $0x8000005A  }
0xc2: {  	_ =	swait.ge [sflag:s29], $0x1  }
0xc3: {  	[sflag:s29] =	ssyncadd.s32 $0xFFFFFFFF  }
0xc4: {  	_ =	strace $0x9000005A  }
0xc5: {  	_ =	sfence  }
0xc6: {  	s30 =	sld [smem:$0x0];
	_ =	sdelay $0x2  }
0xc7: {  	s31 =	sshll.u32 s1, $0xD;
	s1 =	sshrl.u32 s1, $0x2  }
0xc8: {  	s4 =	sand.u32 $0x4000, s31;
	s1 =	sadd.s32 s1, s30  }
0xc9: {  	s0 =	sor.u32 s4, s0;
	s1 =	sshll.u32 s1, $0x11  }
0xca: {  	s0 =	sor.u32 s1, s0  }
0xcb: {  	s0 =	sadd.s32 $0x8F2B, s0  }
0xcc: {  	[sflag:s0] =	ssyncadd.remote.s32 $0x1  }
0xcd: {  	_ =	sfence.sel $0xFFFF  }
0xce: {  	[dreg:$0x0] =	wrdreg $0xFFFFFFFF;
	(pc) =	sbr.abs _section_cstart, $3  }
0xcf: {  	[dreg:$0x1] =	wrdreg $0xFFFFFFFF  }
0xd0: {  	_ =	task.clear_ibuf [dreg:s22], $0x2FFFF;
	_ =	strace $0x9FFFFFFF  }
0xd1: {  	(tm) =	ssettm $0x7FFFFFFF  }
tec
execute0_lowered:
.L_overlay_start_1:
0x0: {  	(tag) =	ssettag $0x1  }
0x1: {  	s6 =	rddreg [dreg:$0x0]  }
0x2: {  	s2 =	rddreg [dreg:$0x1]  }
0x3: {  	s0 =	srdreg.scid;
	s1 =	rddreg [dreg:$0x2];
	s3 =	simm.s32 $0x0  }
0x4: {  	s15 =	simm.s32 $0x9C60;
	s16 =	simm.s32 $0x2;
	s17 =	simm.s32 $0x9E60  }
0x5: {  	s18 =	simm.s32 $0x200;
	s19 =	simm.s32 $0xA060;
	s5 =	sand.u32 $0x1, s0  }
0x6: {  	s20 =	simm.s32 $0x1;
	s0 =	stileid.u32;
	s4 =	smul.u32 $0x28000, s5  }
0x7: {  	s21 =	simm.s32 $0x0;
	[smem:$0x7FF] =	sst s3;
	s7 =	smul.u32 $0x2800, s0  }
0x8: {  	s9 =	sadd.s32 $0x90000, s6;
	_ =	strace $0x80000059;
	s8 =	smul.u32 $0x9C00, s0  }
0x9: {  	s28 =	ssub.s32 $0x2, s5;
	s12 =	smul.u32 $0x9C400, s5;
	p0 =	seq.s32 s0, $0xF  }
0xa: {  	s10 =	sshrl.u32 s28, $0x1;
	s13 =	sshll.u32 @!p0 s0, $0x6;
	s7 =	sadd.s32 s7, s4  }
0xb: {  	s4 =	sadd.s32 $0x68C00, s6;
	s10 =	ssub.s32 s28, s10;
	s14 =	sadd.s32 s8, s2  }
0xc: {  	s29 =	sshrl.u32 s8, $0x3;
	s30 =	sadd.s32 s8, s12;
	s31 =	sshrl.u32 s12, $0x3  }
0xd: {  	s12 =	sadd.s32 $0x92400, s2;
	s13 =	sor.u32 @!p0 $0x1C02, s13;
	s7 =	sshrl.u32 s7, $0x3  }
0xe: {  	s5 =	sadd.s32 s4, s29;
	s8 =	sadd.s32 s9, s31;
	s12 =	sshrl.u32 @p0 s12, $0x3  }
0xf: {  	s14 =	sshrl.u32 @!p0 s14, $0x3;
	s11 =	sadd.s32 s7, s6;
	s7 =	sshrl.u32 s30, $0x3  }
0x10: {  	s6 =	sadd.s32 $0x7B080, s6;
	s8 =	sadd.s32 $0x12480, s8;
	s7 =	sadd.s32 s9, s7  }
0x11: {  	s9 =	smax.u32 s10, $0x1;
	s10 =	sadd.s32 $0x6800, s11;
	s11 =	sadd.s32 $0x10800, s11  }
.LBB2_1:
0x12: {  	s22 =	simm.s32 @p0 $0x1FC2  }
0x13: {  	[spmem:s12], [sflag:s22] =	dma.local @p0 [hbm:s6], $0x1400  }
0x14: {  	s22 =	simm.s32 @p0 $0x2  }
0x15: {  	_ =	swait.ge @p0 [sflag:s22], $0x1400  }
0x16: {  	[sflag:s22] =	ssyncset.done @p0 $0x0  }
0x17: {  	[sflag:s22] =	ssyncadd.s32 @p0 $0xFFFFEC00;
	s22 =	simm.s32 @!p0 $0x2  }
0x18: {  	[spmem:s14], [sflag:s13] =	dma.local @!p0 [hbm:s5], $0x1380  }
0x19: {  	_ =	swait.ge @!p0 [sflag:s22], $0x1380  }
0x1a: {  	[sflag:s22] =	ssyncset.done @!p0 $0x0  }
0x1b: {  	[sflag:s22] =	ssyncadd.s32 @!p0 $0xFFFFEC80  }
0x1c: {  	s30 =	sadd.s32 $0x0, s11;
	[bflag:$0x0] =	sbarrier.arrive $0xFFFF  }
0x1d: {  	[tilespmem:s15], [sflag:$0x2] =	stream.linear.gather [hbm4b:s30+s3], $0x200, $0x38;
	[tilespmem:$0x12060] =	vst v63  }
0x1e: {  	_ =	swait.ge [sflag:s16], $0x200  }
0x1f: {  	[sflag:s16] =	ssyncset.done $0x0  }
0x20: {  	s31 =	sadd.s32 $0x0, s10;
	[sflag:s16] =	ssyncadd.s32 $0xFFFFFE00  }
0x21: {  	[tilespmem:s17], [sflag:$0x2] =	stream.linear.gather [hbm4b:s31+s3], $0x200, $0x38;
	[tilespmem:$0x12060] =	vst v63  }
0x22: {  	_ =	swait.ge [sflag:s16], $0x200  }
0x23: {  	[sflag:s16] =	ssyncset.done $0x0  }
0x24: {  	[sflag:s16] =	ssyncadd.s32 $0xFFFFFE00  }
0x25: {  	[tilespmem:s19], [sflag:$0x1] =	stream.indirect.gather [hbm4b:s4+s18], $0x40, s15, s18, $0xb8;
	[tilespmem:$0x12060] =	vst v63  }
0x26: {  	_ =	swait.ge [sflag:s20], $0x8000  }
0x27: {  	[sflag:s20] =	ssyncset.done $0x0  }
0x28: {  	[sflag:s20] =	ssyncadd.s32 $0xFFFF8000  }
0x29: {  	[spmem:s2] =	stream.indirect.scatter.add.f32 [tilespmem:s19], [sflag:$0x2], $0x40, s17, s18, $0xb8;
	[tilespmem:$0x12060] =	vst v63  }
0x2a: {  	_ =	swait.ge [sflag:s16], $0x8000  }
0x2b: {  	s23 =	simm.s32 $0x80;
	s22 =	simm.s32 $0x40;
	[sflag:s16] =	ssyncset.done $0x0  }
.LBB2_2:
0x2c: {  	s24 =	sadd.s32 s22, s11  }
0x2d: {  	[sflag:s16] =	ssyncadd.s32 $0xFFFF8000;
	s25 =	smov.u32 s23;
	s26 =	sadd.s32 $0x40, s23  }
0x2e: {  	[tilespmem:s15], [sflag:$0x2] =	stream.linear.gather [hbm4b:s24+s3], $0x200, $0x38;
	[tilespmem:$0x12060] =	vst v63  }
0x2f: {  	p1 =	sne.s32 s23, $0x4C0;
	_ =	swait.ge [sflag:s16], $0x200  }
0x30: {  	[sflag:s16] =	ssyncset.done $0x0  }
0x31: {  	s23 =	sadd.s32 s22, s10;
	s22 =	smov.u32 s25;
	[sflag:s16] =	ssyncadd.s32 $0xFFFFFE00  }
0x32: {  	[tilespmem:s17], [sflag:$0x2] =	stream.linear.gather [hbm4b:s23+s3], $0x200, $0x38;
	[tilespmem:$0x12060] =	vst v63  }
0x33: {  	_ =	swait.ge [sflag:s16], $0x200  }
0x34: {  	[sflag:s16] =	ssyncset.done $0x0  }
0x35: {  	[sflag:s16] =	ssyncadd.s32 $0xFFFFFE00  }
0x36: {  	[tilespmem:s19], [sflag:$0x1] =	stream.indirect.gather [hbm4b:s4+s18], $0x40, s15, s18, $0xb8;
	[tilespmem:$0x12060] =	vst v63  }
0x37: {  	_ =	swait.ge [sflag:s20], $0x8000  }
.Ltmp0:
0x38: {  	[sflag:s20] =	ssyncset.done $0x0;
	(pc) =	sbr.rel @p1 .LBB2_2-.Ltmp0, $4  }
0x39: {  	[sflag:s20] =	ssyncadd.s32 $0xFFFF8000  }
0x3a: {  	[spmem:s2] =	stream.indirect.scatter.add.f32 [tilespmem:s19], [sflag:$0x2], $0x40, s17, s18, $0xb8;
	[tilespmem:$0x12060] =	vst v63  }
0x3b: {  	_ =	swait.ge [sflag:s16], $0x8000  }
0x3c: {  	s23 =	smov.u32 s26;
	[sflag:s16] =	ssyncset.done $0x0  }
0x3d: {  	s23 =	sadd.s32 s22, s11;
	[sflag:s16] =	ssyncadd.s32 $0xFFFF8000  }
0x3e: {  	[tilespmem:s15], [sflag:$0x2] =	stream.linear.gather [hbm4b:s23+s3], $0x200, $0x38;
	[tilespmem:$0x12060] =	vst v63  }
0x3f: {  	_ =	swait.ge [sflag:s16], $0x200  }
0x40: {  	[sflag:s16] =	ssyncset.done $0x0  }
0x41: {  	s31 =	sadd.s32 s22, s10;
	[sflag:s16] =	ssyncadd.s32 $0xFFFFFE00  }
0x42: {  	[tilespmem:s17], [sflag:$0x2] =	stream.linear.gather [hbm4b:s31+s3], $0x200, $0x38;
	[tilespmem:$0x12060] =	vst v63  }
0x43: {  	_ =	swait.ge [sflag:s16], $0x200  }
0x44: {  	[sflag:s16] =	ssyncset.done $0x0  }
0x45: {  	[sflag:s16] =	ssyncadd.s32 $0xFFFFFE00  }
0x46: {  	[tilespmem:s19], [sflag:$0x1] =	stream.indirect.gather [hbm4b:s4+s18], $0x40, s15, s18, $0xb8;
	[tilespmem:$0x12060] =	vst v63  }
0x47: {  	_ =	swait.ge [sflag:s20], $0x8000  }
0x48: {  	[sflag:s20] =	ssyncset.done $0x0  }
0x49: {  	[sflag:s20] =	ssyncadd.s32 $0xFFFF8000  }
0x4a: {  	[spmem:s2] =	stream.indirect.scatter.add.f32 [tilespmem:s19], [sflag:$0x2], $0x40, s17, s18, $0xb8;
	[tilespmem:$0x12060] =	vst v63  }
0x4b: {  	_ =	swait.ge [sflag:s16], $0x8000  }
0x4c: {  	[sflag:s16] =	ssyncset.done $0x0  }
0x4d: {  	[sflag:s16] =	ssyncadd.s32 $0xFFFF8000  }
0x4e: {  	s22 =	simm.s32 @p0 $0x1FC2;
	[bflag:$0x0] =	sbarrier.arrive $0xFFFF  }
0x4f: {  	[hbm:s8], [sflag:s22] =	dma.local @p0 [spmem:s12], $0x1400  }
0x50: {  	s22 =	simm.s32 @p0 $0x2  }
0x51: {  	s21 =	sadd.s32 $0x1, s21;
	_ =	swait.ge @p0 [sflag:s22], $0x1400  }
0x52: {  	p1 =	sne.s32 s21, s9;
	[sflag:s22] =	ssyncset.done @p0 $0x0  }
.Ltmp1:
0x53: {  	[sflag:s22] =	ssyncadd.s32 @p0 $0xFFFFEC00;
	s22 =	simm.s32 @!p0 $0x2;
	(pc) =	sbr.rel @p1 .LBB2_1-.Ltmp1, $4  }
0x54: {  	[hbm:s7], [sflag:s13] =	dma.local @!p0 [spmem:s14], $0x1380  }
0x55: {  	_ =	swait.ge @!p0 [sflag:s22], $0x1380  }
0x56: {  	[sflag:s22] =	ssyncset.done @!p0 $0x0  }
0x57: {  	[sflag:s22] =	ssyncadd.s32 @!p0 $0xFFFFEC80  }
0x58: {  	_ =	sfence.sel $0x180000  }
0x59: {  	[bflag:$0x0] =	sbarrier.arrive $0xFFFF  }
0x5a: {  	p0 =	sne.s32 s0, $0x0;
	_ =	strace $0x90000059  }
0x5b: {  	s0 =	sadd.s32 @!p0 $0x100000, s1;
	[bflag:$0x2] =	sbarrier.arrive $0xFFFF  }
0x5c: {  	[sflag:s0] =	ssyncadd.tile.s32 @!p0 $0x1;
	_ =	shalt  }
.Lfunc_end2:
_tile_overlayer_lowered:
.L_overlay_start_2:
0x5d: {  	(tag) =	ssettag $0x2  }
0x5e: {  	s0 =	rddreg [dreg:$0x0];
	s2 =	stileid.u32  }
0x5f: {  	s1 =	rddreg [dreg:$0x1];
	p0 =	sne.s32 s2, $0x0  }
0x60: {  	s3 =	rddreg [dreg:$0x2];
	[bflag:$0x3] =	sbarrier.arrive $0xFFFF;
	s2 =	simm.s32 @!p0 $0x1C02  }
0x61: {  	[timem:s3], [sflag:s2] =	dma.local @!p0 [hbm:s0], s1  }
0x62: {  	s0 =	simm.s32 @!p0 $0x2  }
0x63: {  	_ =	swait.ge @!p0 [sflag:s0], s1  }
0x64: {  	s1 =	ssub.s32 @!p0 $0x0, s1;
	[sflag:s0] =	ssyncset.done @!p0 $0x0  }
0x65: {  	[sflag:s0] =	ssyncadd.s32 @!p0 s1  }
0x66: {  	[bflag:$0x3] =	sbarrier.arrive $0xFFFF  }
0x67: {  	_ =	shalt  }

// kernel: kernel.33.cloned.1.call-start
scs
__scs_entry_jumppad:
0x0: {  	(pc) =	sbr.rel $0x88, $3  }
0x1: {  	(tag) =	ssettag $0x0;
	lr =	simm.s32 $0x1  }
0x2: {  	[smem:$0x3F93] =	sst lr;
	_ =	strace $0xD0000000  }
0x3: {  	_ = 	snop  }
0x4: {  	_ = 	snop  }
0x5: {  	_ = 	snop  }
0x6: {  	_ = 	snop  }
0x7: {  	_ = 	snop  }
__scs_overlays_trampoline_lowered:
0x8: {  	[smem:$0x3FA2] =	sst s0  }
0x9: {  	[smem:$0x3FA3] =	sst s1  }
0xa: {  	[smem:$0x3FA4] =	sst s2  }
0xb: {  	[smem:$0x3FA5] =	sst s3  }
0xc: {  	[smem:$0x3FA6] =	sst s4  }
0xd: {  	[smem:$0x3FA7] =	sst s5  }
0xe: {  	[smem:$0x3FA8] =	sst s6  }
0xf: {  	[smem:$0x3FA9] =	sst s7  }
0x10: {  	[smem:$0x3FAA] =	sst s8  }
0x11: {  	[smem:$0x3FAB] =	sst s9;
	s0 =	simm.s32 @!p0 $0x0  }
0x12: {  	s1 =	sld [smem:$0x3F91];
	s0 =	simm.s32 @p0 $0x1  }
0x13: {  	[smem:$0x3FAC] =	sst s0;
	s0 =	simm.s32 @!p1 $0x0  }
0x14: {  	s2 =	sld [smem:$0x3F90];
	s0 =	simm.s32 @p1 $0x1  }
0x15: {  	[smem:$0x3FAD] =	sst s0;
	s0 =	simm.s32 @!p2 $0x0  }
0x16: {  	s3 =	sld [smem:$0x3FDB];
	s0 =	simm.s32 @p2 $0x1  }
0x17: {  	s4 =	simm.s32 $0x1BF5;
	[smem:$0x3FAF] =	sst s0  }
0x18: {  	s0 =	sld [smem:$0x3F92];
	_ =	swait.ge [sflag:s4], $0x0  }
0x19: {  	s7 =	sld [smem:$0x3F93]  }
0x1a: {  	s8 =	sadd.s32 $0xFFFFE003, lr  }
0x1b: {  	s9 =	sadd.s32 $0xFFFFFEF7, lr;
	s5 =	simm.s32 $0xFFFFFFFF;
	p2 =	slt.u32 s8, $0xFFFFF086  }
0x1c: {  	p1 =	slt.u32 s9, $0xF7A;
	s5 =	simm.s32 @!p2 $0x0  }
0x1d: {  	s5 =	simm.s32 @p1 $0x1;
	p0 =	seq.s32 s7, s2  }
0x1e: {  	s7 =	smul.u32 @!p0 $0xF7A, s2;
	p2 =	seq.s32 @!p0 s5, $0x0  }
0x1f: {  	s9 =	smul.u32 $0xF7A, s1;
	s8 =	simm.s32 @!p0 $0x1BF5;
	p2 =	por !p2, p0  }
0x20: {  	[sflag:s8] =	ssyncset.s32 @!p0 $0xFFFFF086;
	s6 =	sadd.s32 @!p0 s3, s7;
	s7 =	simm.s32 @!p0 $0x108  }
0x21: {  	s3 =	sadd.s32 s3, s9;
	s6 =	sadd.s32 @!p0 $0x88, s6;
	s7 =	simm.s32 @p2 $0x1082  }
0x22: {  	[simem:s7], [sflag:s8] =	dma.local @!p0 [hbm:s6], $0xF7A  }
0x23: {  	s9 =	sor.u32 $0xD0000000, s2;
	s6 =	simm.s32 $0x108;
	_ =	swait.ge @!p0 [sflag:s8], $0x0  }
0x24: {  	s3 =	sadd.s32 $0x88, s3;
	s6 =	simm.s32 @!p1 $0x1082;
	[sflag:s4] =	ssyncset.s32 $0xFFFFF086  }
0x25: {  	[simem:s6], [sflag:s4] =	dma.local [hbm:s3], $0xF7A  }
0x26: {  	[smem:$0x3F93] =	sst s1;
	(tag) =	ssettag s2;
	_ =	strace s9  }
0x27: {  	s1 =	sld [smem:$0x3FA3]  }
0x28: {  	s2 =	sld [smem:$0x3FA4]  }
0x29: {  	s4 =	sld [smem:$0x3FA6]  }
0x2a: {  	p0 =	seq.s32 s5, $0x0;
	s5 =	sld [smem:$0x3FA7]  }
0x2b: {  	s6 =	sld [smem:$0x3FA8]  }
0x2c: {  	s7 =	sld [smem:$0x3FA9]  }
0x2d: {  	s3 =	simm.s32 $0x108;
	s8 =	sld [smem:$0x3FAA]  }
0x2e: {  	s3 =	simm.s32 @!p0 $0x1082;
	s9 =	sld [smem:$0x3FAB]  }
0x2f: {  	lr =	sadd.s32 s0, s3;
	s0 =	sld [smem:$0x3FA2]  }
0x30: {  	s3 =	sld [smem:$0x3FA5]  }
0x31: {  	[smem:$0x3FAE] =	sst s10  }
0x32: {  	s10 =	sld [smem:$0x3FAC];
	_ =	sdelay $0x3  }
0x33: {  	p0 =	seq.s32 s10, $0x1;
	s10 =	sld [smem:$0x3FAE];
	_ =	sdelay $0x3  }
0x34: {  	[smem:$0x3FAE] =	sst s10  }
0x35: {  	s10 =	sld [smem:$0x3FAD];
	_ =	sdelay $0x3  }
0x36: {  	p1 =	seq.s32 s10, $0x1;
	s10 =	sld [smem:$0x3FAE];
	_ =	sdelay $0x3  }
0x37: {  	[smem:$0x3FAE] =	sst s10  }
0x38: {  	s10 =	sld [smem:$0x3FAF]  }
0x39: {  	_ = 	snop;
	(pc) =	sbr.ind lr, $3  }
0x3a: {  	_ = 	snop  }
0x3b: {  	_ = 	snop  }
0x3c: {  	p2 =	seq.s32 s10, $0x1;
	s10 =	sld [smem:$0x3FAE]  }
0x3d: {  	_ =	shalt  }
0x3e: {  	_ =	shalt  }
0x3f: {  	_ =	shalt  }
0x40: {  	_ =	shalt  }
0x41: {  	_ =	shalt  }
0x42: {  	_ =	shalt  }
0x43: {  	_ =	shalt  }
0x44: {  	_ =	shalt  }
0x45: {  	_ =	shalt  }
0x46: {  	_ =	shalt  }
0x47: {  	_ =	shalt  }
0x48: {  	_ =	shalt  }
0x49: {  	_ =	shalt  }
0x4a: {  	_ =	shalt  }
0x4b: {  	_ =	shalt  }
0x4c: {  	_ =	shalt  }
0x4d: {  	_ =	shalt  }
0x4e: {  	_ =	shalt  }
0x4f: {  	_ =	shalt  }
0x50: {  	_ =	shalt  }
0x51: {  	_ =	shalt  }
0x52: {  	_ =	shalt  }
0x53: {  	_ =	shalt  }
0x54: {  	_ =	shalt  }
0x55: {  	_ =	shalt  }
0x56: {  	_ =	shalt  }
0x57: {  	_ =	shalt  }
0x58: {  	_ =	shalt  }
0x59: {  	_ =	shalt  }
0x5a: {  	_ =	shalt  }
0x5b: {  	_ =	shalt  }
0x5c: {  	_ =	shalt  }
0x5d: {  	_ =	shalt  }
0x5e: {  	_ =	shalt  }
0x5f: {  	_ =	shalt  }
0x60: {  	_ =	shalt  }
0x61: {  	_ =	shalt  }
0x62: {  	_ =	shalt  }
0x63: {  	_ =	shalt  }
0x64: {  	_ =	shalt  }
0x65: {  	_ =	shalt  }
0x66: {  	_ =	shalt  }
0x67: {  	_ =	shalt  }
0x68: {  	_ =	shalt  }
0x69: {  	_ =	shalt  }
0x6a: {  	_ =	shalt  }
0x6b: {  	_ =	shalt  }
0x6c: {  	_ =	shalt  }
0x6d: {  	_ =	shalt  }
0x6e: {  	_ =	shalt  }
0x6f: {  	_ =	shalt  }
0x70: {  	_ =	shalt  }
0x71: {  	_ =	shalt  }
0x72: {  	_ =	shalt  }
0x73: {  	_ =	shalt  }
0x74: {  	_ =	shalt  }
0x75: {  	_ =	shalt  }
0x76: {  	_ =	shalt  }
0x77: {  	_ =	shalt  }
0x78: {  	_ =	shalt  }
0x79: {  	_ =	shalt  }
0x7a: {  	_ =	shalt  }
0x7b: {  	_ =	shalt  }
0x7c: {  	_ =	shalt  }
0x7d: {  	_ =	shalt  }
0x7e: {  	_ =	shalt  }
0x7f: {  	_ =	shalt  }
0x80: {  	_ =	shalt  }
0x81: {  	_ =	shalt  }
0x82: {  	_ =	shalt  }
0x83: {  	_ =	shalt  }
0x84: {  	_ =	shalt  }
0x85: {  	_ =	shalt  }
0x86: {  	_ =	shalt  }
0x87: {  	_ =	shalt  }
.Lfunc_end0:
.L_simem_size_0:
called_computation.5_lowered:
.L_overlay_start_0:
0x88: {  	s2 =	sld [smem:$0x3FD9]  }
0x89: {  	s3 =	sld [smem:$0x3FFE];
	_ =	sdelay $0x1  }
0x8a: {  	s1 =	srdreg.scid  }
0x8b: {  	s0 =	sand.u32 $0x1, s1  }
0x8c: {  	s14 =	sshll.u32 s0, $0xA;
	s2 =	sadd.s32 s3, s2  }
0x8d: {  	s2 =	sadd.s32 s2, s14  }
0x8e: {  	[smem:$0x3FBA] =	sst s2  }
0x8f: {  	_ = 	snop  }
0x90: {  	s2 =	sld [smem:$0x3FD0];
	_ =	sdelay $0x2  }
0x91: {  	s15 =	simm.s32 $0xB;
	s4 =	simm.s32 $0x10  }
0x92: {  	[smem:s4], [sflag:s15] =	dma.local [hbm:s2], $0x1  }
0x93: {  	_ =	swait.eq [sflag:s15], $0x1  }
0x94: {  	[sflag:s15] =	ssyncset.done $0x0  }
0x95: {  	[sflag:s15] =	ssyncadd.s32 $0xFFFFFFFF  }
0x96: {  	s16 =	sld [smem:$0x10];
	(tm) =	ssettm $0x1  }
0x97: {  	s17 =	sld [smem:$0x3FFB];
	_ =	sdelay $0x3  }
0x98: {  	_ =	strace s17  }
0x99: {  	s3 =	sld [smem:$0x3FFC];
	_ =	sdelay $0x3  }
0x9a: {  	_ =	strace s3  }
0x9b: {  	s3 =	sld [smem:$0x3FFD];
	_ =	sdelay $0x3  }
0x9c: {  	_ =	strace s3  }
0x9d: {  	_ =	strace $0x8FFFFFFF  }
0x9e: {  	s18 =	sld [smem:$0x3FDB];
	_ =	sdelay $0x1  }
0x9f: {  	s19 =	simm.s32 $_scs_section_size  }
0xa0: {  	s5 =	simm.s32 $_size__tile_overlayer_lowered;
	s6 =	simm.s32 $_tile_overlayer_lowered  }
0xa1: {  	s22 =	simm.s32 $0x1BFF;
	s21 =	sshll.u32 s6, $0x1;
	s3 =	sadd.s32 s19, s18  }
0xa2: {  	s7 =	simm.s32 $0x0;
	s20 =	sshll.u32 s5, $0x1;
	s5 =	sadd.s32 s21, s3  }
0xa3: {  	[timem:s7], [sflag:s22] =	dma.local [hbm:s5], s20  }
0xa4: {  	_ =	swait.ge [sflag:s22], s20  }
0xa5: {  	s4 =	ssub.s32 $0x0, s20;
	[sflag:s22] =	ssyncset.done $0x0  }
0xa6: {  	[sflag:s22] =	ssyncadd.s32 s4;
	_ =	sdelay $0x1  }
0xa7: {  	s23 =	simm.s32 $0x1B8B  }
0xa8: {  	_ =	swait.ge [sflag:s23], $0x1  }
0xa9: {  	[sflag:s23] =	ssyncset.done $0x0  }
0xaa: {  	s25 =	simm.s32 $0x1B8E;
	s24 =	sld [smem:$0x3FFE];
	[sflag:s23] =	ssyncadd.s32 $0xFFFFFFFF  }
0xab: {  	s26 =	simm.s32 $execute0_lowered;
	[smem:$0x3FD2] =	sst s25  }
0xac: {  	s5 =	sshll.u32 s26, $0x1;
	_ =	strace $0x8000004F;
	[dreg:$0x1] =	wrdreg $0xFFFFFFFF  }
0xad: {  	s28 =	simm.s32 $_size_execute0_lowered;
	s3 =	sadd.s32 s3, s5;
	[dreg:$0x0] =	wrdreg $0x0  }
0xae: {  	s5 =	sshll.u32 s28, $0x1;
	[dreg:$0x2] =	wrdreg s3  }
0xaf: {  	[dreg:$0x3] =	wrdreg s5  }
0xb0: {  	[dreg:$0x4] =	wrdreg $0xC0  }
0xb1: {  	_ =	task [dreg:s7], $0x5FFFF  }
0xb2: {  	[dreg:$0x1] =	wrdreg $0xFFFFFFFF  }
0xb3: {  	[dreg:$0x0] =	wrdreg $0x60  }
0xb4: {  	[dreg:$0x2] =	wrdreg s16  }
0xb5: {  	[dreg:$0x3] =	wrdreg s24  }
0xb6: {  	[dreg:$0x4] =	wrdreg $0x0  }
0xb7: {  	[dreg:$0x5] =	wrdreg $0xA  }
0xb8: {  	_ =	task.clear_ibuf [dreg:s7], $0x6FFFF;
	_ =	strace $0x9000004F  }
0xb9: {  	s29 =	simm.s32 $0xA;
	_ =	strace $0x80000051  }
0xba: {  	_ =	swait.ge [sflag:s29], $0x1  }
0xbb: {  	[sflag:s29] =	ssyncadd.s32 $0xFFFFFFFF  }
0xbc: {  	_ =	strace $0x90000051  }
0xbd: {  	_ =	sfence  }
0xbe: {  	s30 =	sld [smem:$0x0];
	_ =	sdelay $0x2  }
0xbf: {  	s31 =	sshll.u32 s1, $0xD;
	s1 =	sshrl.u32 s1, $0x2  }
0xc0: {  	s3 =	sand.u32 $0x4000, s31;
	s1 =	sadd.s32 s1, s30  }
0xc1: {  	s0 =	sor.u32 s3, s0;
	s1 =	sshll.u32 s1, $0x11  }
0xc2: {  	s0 =	sor.u32 s1, s0  }
0xc3: {  	s0 =	sadd.s32 $0x8F2B, s0  }
0xc4: {  	[sflag:s0] =	ssyncadd.remote.s32 $0x1  }
0xc5: {  	_ =	sfence.sel $0xFFFF  }
0xc6: {  	[dreg:$0x0] =	wrdreg $0xFFFFFFFF;
	(pc) =	sbr.abs _section_cstart, $3  }
0xc7: {  	[dreg:$0x1] =	wrdreg $0xFFFFFFFF  }
0xc8: {  	_ =	task.clear_ibuf [dreg:s7], $0x2FFFF;
	_ =	strace $0x9FFFFFFF  }
0xc9: {  	(tm) =	ssettm $0x7FFFFFFF  }
tec
execute0_lowered:
.L_overlay_start_1:
0x0: {  	(tag) =	ssettag $0x1  }
0x1: {  	s1 =	rddreg [dreg:$0x0]  }
0x2: {  	s5 =	rddreg [dreg:$0x1]  }
0x3: {  	s3 =	rddreg [dreg:$0x2]  }
0x4: {  	s0 =	srdreg.scid;
	s2 =	rddreg [dreg:$0x3]  }
0x5: {  	s4 =	simm.s32 $0x0;
	s15 =	simm.s32 $0x9C60;
	s16 =	simm.s32 $0x2  }
0x6: {  	s17 =	simm.s32 $0x9E60;
	s18 =	simm.s32 $0x200;
	s19 =	simm.s32 $0xA060  }
0x7: {  	s20 =	simm.s32 $0x1;
	s6 =	sand.u32 $0x1, s0;
	s0 =	stileid.u32  }
0x8: {  	s21 =	simm.s32 $0x0;
	[smem:$0x7FF] =	sst s4;
	s7 =	smul.u32 $0x28000, s6  }
0x9: {  	s9 =	sadd.s32 $0x1A800, s5;
	s12 =	sadd.s32 $0x92400, s3;
	s8 =	smul.u32 $0x2800, s0  }
0xa: {  	_ =	strace $0x80000050;
	s25 =	ssub.s32 $0x2, s6;
	s26 =	smul.u32 $0x9C00, s0  }
0xb: {  	s6 =	smul.u32 $0x9C400, s6;
	p0 =	seq.s32 s0, $0xF;
	s28 =	sshrl.u32 s25, $0x1  }
0xc: {  	s12 =	sshrl.u32 @p0 s12, $0x3;
	s13 =	sshll.u32 @!p0 s0, $0x6;
	s7 =	sadd.s32 s8, s7  }
0xd: {  	s10 =	ssub.s32 s25, s28;
	s14 =	sadd.s32 s26, s3;
	s29 =	sshrl.u32 s26, $0x3  }
0xe: {  	s30 =	sadd.s32 s26, s6;
	s6 =	sshrl.u32 s6, $0x3;
	s13 =	sor.u32 @!p0 $0x1C02, s13  }
0xf: {  	s7 =	sshrl.u32 s7, $0x3;
	s31 =	sadd.s32 s9, s6;
	s6 =	sadd.s32 $0x12480, s1  }
0x10: {  	s14 =	sshrl.u32 @!p0 s14, $0x3;
	s11 =	sadd.s32 s7, s5;
	s7 =	sshrl.u32 s30, $0x3  }
0x11: {  	s5 =	sadd.s32 s1, s29;
	s8 =	sadd.s32 $0x12480, s31;
	s7 =	sadd.s32 s9, s7  }
0x12: {  	s9 =	smax.u32 s10, $0x1;
	s10 =	sadd.s32 $0x6800, s11;
	s11 =	sadd.s32 $0x10800, s11  }
.LBB2_1:
0x13: {  	s22 =	simm.s32 @p0 $0x1FC2  }
0x14: {  	[spmem:s12], [sflag:s22] =	dma.local @p0 [hbm:s6], $0x1400  }
0x15: {  	s22 =	simm.s32 @p0 $0x2  }
0x16: {  	_ =	swait.ge @p0 [sflag:s22], $0x1400  }
0x17: {  	[sflag:s22] =	ssyncset.done @p0 $0x0  }
0x18: {  	[sflag:s22] =	ssyncadd.s32 @p0 $0xFFFFEC00;
	s22 =	simm.s32 @!p0 $0x2  }
0x19: {  	[spmem:s14], [sflag:s13] =	dma.local @!p0 [hbm:s5], $0x1380  }
0x1a: {  	_ =	swait.ge @!p0 [sflag:s22], $0x1380  }
0x1b: {  	[sflag:s22] =	ssyncset.done @!p0 $0x0  }
0x1c: {  	[sflag:s22] =	ssyncadd.s32 @!p0 $0xFFFFEC80  }
0x1d: {  	s30 =	sadd.s32 $0x0, s11;
	[bflag:$0x0] =	sbarrier.arrive $0xFFFF  }
0x1e: {  	[tilespmem:s15], [sflag:$0x2] =	stream.linear.gather [hbm4b:s30+s4], $0x200, $0x38;
	[tilespmem:$0x12060] =	vst v63  }
0x1f: {  	_ =	swait.ge [sflag:s16], $0x200  }
0x20: {  	[sflag:s16] =	ssyncset.done $0x0  }
0x21: {  	s31 =	sadd.s32 $0x0, s10;
	[sflag:s16] =	ssyncadd.s32 $0xFFFFFE00  }
0x22: {  	[tilespmem:s17], [sflag:$0x2] =	stream.linear.gather [hbm4b:s31+s4], $0x200, $0x38;
	[tilespmem:$0x12060] =	vst v63  }
0x23: {  	_ =	swait.ge [sflag:s16], $0x200  }
0x24: {  	[sflag:s16] =	ssyncset.done $0x0  }
0x25: {  	[sflag:s16] =	ssyncadd.s32 $0xFFFFFE00  }
0x26: {  	[tilespmem:s19], [sflag:$0x1] =	stream.indirect.gather [hbm4b:s1+s18], $0x40, s15, s18, $0xb8;
	[tilespmem:$0x12060] =	vst v63  }
0x27: {  	_ =	swait.ge [sflag:s20], $0x8000  }
0x28: {  	[sflag:s20] =	ssyncset.done $0x0  }
0x29: {  	[sflag:s20] =	ssyncadd.s32 $0xFFFF8000  }
0x2a: {  	[spmem:s3] =	stream.indirect.scatter.add.f32 [tilespmem:s19], [sflag:$0x2], $0x40, s17, s18, $0xb8;
	[tilespmem:$0x12060] =	vst v63  }
0x2b: {  	_ =	swait.ge [sflag:s16], $0x8000  }
0x2c: {  	s23 =	simm.s32 $0x80;
	s22 =	simm.s32 $0x40;
	[sflag:s16] =	ssyncset.done $0x0  }
.LBB2_2:
0x2d: {  	s24 =	sadd.s32 s22, s11  }
0x2e: {  	[sflag:s16] =	ssyncadd.s32 $0xFFFF8000;
	s25 =	smov.u32 s23;
	s26 =	sadd.s32 $0x40, s23  }
0x2f: {  	[tilespmem:s15], [sflag:$0x2] =	stream.linear.gather [hbm4b:s24+s4], $0x200, $0x38;
	[tilespmem:$0x12060] =	vst v63  }
0x30: {  	p1 =	sne.s32 s23, $0x4C0;
	_ =	swait.ge [sflag:s16], $0x200  }
0x31: {  	[sflag:s16] =	ssyncset.done $0x0  }
0x32: {  	s23 =	sadd.s32 s22, s10;
	s22 =	smov.u32 s25;
	[sflag:s16] =	ssyncadd.s32 $0xFFFFFE00  }
0x33: {  	[tilespmem:s17], [sflag:$0x2] =	stream.linear.gather [hbm4b:s23+s4], $0x200, $0x38;
	[tilespmem:$0x12060] =	vst v63  }
0x34: {  	_ =	swait.ge [sflag:s16], $0x200  }
0x35: {  	[sflag:s16] =	ssyncset.done $0x0  }
0x36: {  	[sflag:s16] =	ssyncadd.s32 $0xFFFFFE00  }
0x37: {  	[tilespmem:s19], [sflag:$0x1] =	stream.indirect.gather [hbm4b:s1+s18], $0x40, s15, s18, $0xb8;
	[tilespmem:$0x12060] =	vst v63  }
0x38: {  	_ =	swait.ge [sflag:s20], $0x8000  }
.Ltmp0:
0x39: {  	[sflag:s20] =	ssyncset.done $0x0;
	(pc) =	sbr.rel @p1 .LBB2_2-.Ltmp0, $4  }
0x3a: {  	[sflag:s20] =	ssyncadd.s32 $0xFFFF8000  }
0x3b: {  	[spmem:s3] =	stream.indirect.scatter.add.f32 [tilespmem:s19], [sflag:$0x2], $0x40, s17, s18, $0xb8;
	[tilespmem:$0x12060] =	vst v63  }
0x3c: {  	_ =	swait.ge [sflag:s16], $0x8000  }
0x3d: {  	s23 =	smov.u32 s26;
	[sflag:s16] =	ssyncset.done $0x0  }
0x3e: {  	s23 =	sadd.s32 s22, s11;
	[sflag:s16] =	ssyncadd.s32 $0xFFFF8000  }
0x3f: {  	[tilespmem:s15], [sflag:$0x2] =	stream.linear.gather [hbm4b:s23+s4], $0x200, $0x38;
	[tilespmem:$0x12060] =	vst v63  }
0x40: {  	_ =	swait.ge [sflag:s16], $0x200  }
0x41: {  	[sflag:s16] =	ssyncset.done $0x0  }
0x42: {  	s31 =	sadd.s32 s22, s10;
	[sflag:s16] =	ssyncadd.s32 $0xFFFFFE00  }
0x43: {  	[tilespmem:s17], [sflag:$0x2] =	stream.linear.gather [hbm4b:s31+s4], $0x200, $0x38;
	[tilespmem:$0x12060] =	vst v63  }
0x44: {  	_ =	swait.ge [sflag:s16], $0x200  }
0x45: {  	[sflag:s16] =	ssyncset.done $0x0  }
0x46: {  	[sflag:s16] =	ssyncadd.s32 $0xFFFFFE00  }
0x47: {  	[tilespmem:s19], [sflag:$0x1] =	stream.indirect.gather [hbm4b:s1+s18], $0x40, s15, s18, $0xb8;
	[tilespmem:$0x12060] =	vst v63  }
0x48: {  	_ =	swait.ge [sflag:s20], $0x8000  }
0x49: {  	[sflag:s20] =	ssyncset.done $0x0  }
0x4a: {  	[sflag:s20] =	ssyncadd.s32 $0xFFFF8000  }
0x4b: {  	[spmem:s3] =	stream.indirect.scatter.add.f32 [tilespmem:s19], [sflag:$0x2], $0x40, s17, s18, $0xb8;
	[tilespmem:$0x12060] =	vst v63  }
0x4c: {  	_ =	swait.ge [sflag:s16], $0x8000  }
0x4d: {  	[sflag:s16] =	ssyncset.done $0x0  }
0x4e: {  	[sflag:s16] =	ssyncadd.s32 $0xFFFF8000  }
0x4f: {  	s22 =	simm.s32 @p0 $0x1FC2;
	[bflag:$0x0] =	sbarrier.arrive $0xFFFF  }
0x50: {  	[hbm:s8], [sflag:s22] =	dma.local @p0 [spmem:s12], $0x1400  }
0x51: {  	s22 =	simm.s32 @p0 $0x2  }
0x52: {  	s21 =	sadd.s32 $0x1, s21;
	_ =	swait.ge @p0 [sflag:s22], $0x1400  }
0x53: {  	p1 =	sne.s32 s21, s9;
	[sflag:s22] =	ssyncset.done @p0 $0x0  }
.Ltmp1:
0x54: {  	[sflag:s22] =	ssyncadd.s32 @p0 $0xFFFFEC00;
	s22 =	simm.s32 @!p0 $0x2;
	(pc) =	sbr.rel @p1 .LBB2_1-.Ltmp1, $4  }
0x55: {  	[hbm:s7], [sflag:s13] =	dma.local @!p0 [spmem:s14], $0x1380  }
0x56: {  	_ =	swait.ge @!p0 [sflag:s22], $0x1380  }
0x57: {  	[sflag:s22] =	ssyncset.done @!p0 $0x0  }
0x58: {  	[sflag:s22] =	ssyncadd.s32 @!p0 $0xFFFFEC80  }
0x59: {  	_ =	sfence.sel $0x180000  }
0x5a: {  	[bflag:$0x0] =	sbarrier.arrive $0xFFFF  }
0x5b: {  	p0 =	sne.s32 s0, $0x0;
	_ =	strace $0x90000050  }
0x5c: {  	s0 =	sadd.s32 @!p0 $0x100000, s2;
	[bflag:$0x2] =	sbarrier.arrive $0xFFFF  }
0x5d: {  	[sflag:s0] =	ssyncadd.tile.s32 @!p0 $0x1;
	_ =	shalt  }
.Lfunc_end2:
_tile_overlayer_lowered:
.L_overlay_start_2:
0x5e: {  	(tag) =	ssettag $0x2  }
0x5f: {  	s0 =	rddreg [dreg:$0x0];
	s2 =	stileid.u32  }
0x60: {  	s1 =	rddreg [dreg:$0x1];
	p0 =	sne.s32 s2, $0x0  }
0x61: {  	s3 =	rddreg [dreg:$0x2];
	[bflag:$0x3] =	sbarrier.arrive $0xFFFF;
	s2 =	simm.s32 @!p0 $0x1C02  }
0x62: {  	[timem:s3], [sflag:s2] =	dma.local @!p0 [hbm:s0], s1  }
0x63: {  	s0 =	simm.s32 @!p0 $0x2  }
0x64: {  	_ =	swait.ge @!p0 [sflag:s0], s1  }
0x65: {  	s1 =	ssub.s32 @!p0 $0x0, s1;
	[sflag:s0] =	ssyncset.done @!p0 $0x0  }
0x66: {  	[sflag:s0] =	ssyncadd.s32 @!p0 s1  }
0x67: {  	[bflag:$0x3] =	sbarrier.arrive $0xFFFF  }
0x68: {  	_ =	shalt  }

// kernel: kernel.36.cloned.1.call-start
scs
__scs_entry_jumppad:
0x0: {  	(pc) =	sbr.rel $0x88, $3  }
0x1: {  	(tag) =	ssettag $0x0;
	lr =	simm.s32 $0x1  }
0x2: {  	[smem:$0x3F93] =	sst lr;
	_ =	strace $0xD0000000  }
0x3: {  	_ = 	snop  }
0x4: {  	_ = 	snop  }
0x5: {  	_ = 	snop  }
0x6: {  	_ = 	snop  }
0x7: {  	_ = 	snop  }
__scs_overlays_trampoline_lowered:
0x8: {  	[smem:$0x3FA2] =	sst s0  }
0x9: {  	[smem:$0x3FA3] =	sst s1  }
0xa: {  	[smem:$0x3FA4] =	sst s2  }
0xb: {  	[smem:$0x3FA5] =	sst s3  }
0xc: {  	[smem:$0x3FA6] =	sst s4  }
0xd: {  	[smem:$0x3FA7] =	sst s5  }
0xe: {  	[smem:$0x3FA8] =	sst s6  }
0xf: {  	[smem:$0x3FA9] =	sst s7  }
0x10: {  	[smem:$0x3FAA] =	sst s8  }
0x11: {  	[smem:$0x3FAB] =	sst s9;
	s0 =	simm.s32 @!p0 $0x0  }
0x12: {  	s1 =	sld [smem:$0x3F91];
	s0 =	simm.s32 @p0 $0x1  }
0x13: {  	[smem:$0x3FAC] =	sst s0;
	s0 =	simm.s32 @!p1 $0x0  }
0x14: {  	s2 =	sld [smem:$0x3F90];
	s0 =	simm.s32 @p1 $0x1  }
0x15: {  	[smem:$0x3FAD] =	sst s0;
	s0 =	simm.s32 @!p2 $0x0  }
0x16: {  	s3 =	sld [smem:$0x3FDB];
	s0 =	simm.s32 @p2 $0x1  }
0x17: {  	s4 =	simm.s32 $0x1BF5;
	[smem:$0x3FAF] =	sst s0  }
0x18: {  	s0 =	sld [smem:$0x3F92];
	_ =	swait.ge [sflag:s4], $0x0  }
0x19: {  	s7 =	sld [smem:$0x3F93]  }
0x1a: {  	s8 =	sadd.s32 $0xFFFFE003, lr  }
0x1b: {  	s9 =	sadd.s32 $0xFFFFFEF7, lr;
	s5 =	simm.s32 $0xFFFFFFFF;
	p2 =	slt.u32 s8, $0xFFFFF086  }
0x1c: {  	p1 =	slt.u32 s9, $0xF7A;
	s5 =	simm.s32 @!p2 $0x0  }
0x1d: {  	s5 =	simm.s32 @p1 $0x1;
	p0 =	seq.s32 s7, s2  }
0x1e: {  	s7 =	smul.u32 @!p0 $0xF7A, s2;
	p2 =	seq.s32 @!p0 s5, $0x0  }
0x1f: {  	s9 =	smul.u32 $0xF7A, s1;
	s8 =	simm.s32 @!p0 $0x1BF5;
	p2 =	por !p2, p0  }
0x20: {  	[sflag:s8] =	ssyncset.s32 @!p0 $0xFFFFF086;
	s6 =	sadd.s32 @!p0 s3, s7;
	s7 =	simm.s32 @!p0 $0x108  }
0x21: {  	s3 =	sadd.s32 s3, s9;
	s6 =	sadd.s32 @!p0 $0x88, s6;
	s7 =	simm.s32 @p2 $0x1082  }
0x22: {  	[simem:s7], [sflag:s8] =	dma.local @!p0 [hbm:s6], $0xF7A  }
0x23: {  	s9 =	sor.u32 $0xD0000000, s2;
	s6 =	simm.s32 $0x108;
	_ =	swait.ge @!p0 [sflag:s8], $0x0  }
0x24: {  	s3 =	sadd.s32 $0x88, s3;
	s6 =	simm.s32 @!p1 $0x1082;
	[sflag:s4] =	ssyncset.s32 $0xFFFFF086  }
0x25: {  	[simem:s6], [sflag:s4] =	dma.local [hbm:s3], $0xF7A  }
0x26: {  	[smem:$0x3F93] =	sst s1;
	(tag) =	ssettag s2;
	_ =	strace s9  }
0x27: {  	s1 =	sld [smem:$0x3FA3]  }
0x28: {  	s2 =	sld [smem:$0x3FA4]  }
0x29: {  	s4 =	sld [smem:$0x3FA6]  }
0x2a: {  	p0 =	seq.s32 s5, $0x0;
	s5 =	sld [smem:$0x3FA7]  }
0x2b: {  	s6 =	sld [smem:$0x3FA8]  }
0x2c: {  	s7 =	sld [smem:$0x3FA9]  }
0x2d: {  	s3 =	simm.s32 $0x108;
	s8 =	sld [smem:$0x3FAA]  }
0x2e: {  	s3 =	simm.s32 @!p0 $0x1082;
	s9 =	sld [smem:$0x3FAB]  }
0x2f: {  	lr =	sadd.s32 s0, s3;
	s0 =	sld [smem:$0x3FA2]  }
0x30: {  	s3 =	sld [smem:$0x3FA5]  }
0x31: {  	[smem:$0x3FAE] =	sst s10  }
0x32: {  	s10 =	sld [smem:$0x3FAC];
	_ =	sdelay $0x3  }
0x33: {  	p0 =	seq.s32 s10, $0x1;
	s10 =	sld [smem:$0x3FAE];
	_ =	sdelay $0x3  }
0x34: {  	[smem:$0x3FAE] =	sst s10  }
0x35: {  	s10 =	sld [smem:$0x3FAD];
	_ =	sdelay $0x3  }
0x36: {  	p1 =	seq.s32 s10, $0x1;
	s10 =	sld [smem:$0x3FAE];
	_ =	sdelay $0x3  }
0x37: {  	[smem:$0x3FAE] =	sst s10  }
0x38: {  	s10 =	sld [smem:$0x3FAF]  }
0x39: {  	_ = 	snop;
	(pc) =	sbr.ind lr, $3  }
0x3a: {  	_ = 	snop  }
0x3b: {  	_ = 	snop  }
0x3c: {  	p2 =	seq.s32 s10, $0x1;
	s10 =	sld [smem:$0x3FAE]  }
0x3d: {  	_ =	shalt  }
0x3e: {  	_ =	shalt  }
0x3f: {  	_ =	shalt  }
0x40: {  	_ =	shalt  }
0x41: {  	_ =	shalt  }
0x42: {  	_ =	shalt  }
0x43: {  	_ =	shalt  }
0x44: {  	_ =	shalt  }
0x45: {  	_ =	shalt  }
0x46: {  	_ =	shalt  }
0x47: {  	_ =	shalt  }
0x48: {  	_ =	shalt  }
0x49: {  	_ =	shalt  }
0x4a: {  	_ =	shalt  }
0x4b: {  	_ =	shalt  }
0x4c: {  	_ =	shalt  }
0x4d: {  	_ =	shalt  }
0x4e: {  	_ =	shalt  }
0x4f: {  	_ =	shalt  }
0x50: {  	_ =	shalt  }
0x51: {  	_ =	shalt  }
0x52: {  	_ =	shalt  }
0x53: {  	_ =	shalt  }
0x54: {  	_ =	shalt  }
0x55: {  	_ =	shalt  }
0x56: {  	_ =	shalt  }
0x57: {  	_ =	shalt  }
0x58: {  	_ =	shalt  }
0x59: {  	_ =	shalt  }
0x5a: {  	_ =	shalt  }
0x5b: {  	_ =	shalt  }
0x5c: {  	_ =	shalt  }
0x5d: {  	_ =	shalt  }
0x5e: {  	_ =	shalt  }
0x5f: {  	_ =	shalt  }
0x60: {  	_ =	shalt  }
0x61: {  	_ =	shalt  }
0x62: {  	_ =	shalt  }
0x63: {  	_ =	shalt  }
0x64: {  	_ =	shalt  }
0x65: {  	_ =	shalt  }
0x66: {  	_ =	shalt  }
0x67: {  	_ =	shalt  }
0x68: {  	_ =	shalt  }
0x69: {  	_ =	shalt  }
0x6a: {  	_ =	shalt  }
0x6b: {  	_ =	shalt  }
0x6c: {  	_ =	shalt  }
0x6d: {  	_ =	shalt  }
0x6e: {  	_ =	shalt  }
0x6f: {  	_ =	shalt  }
0x70: {  	_ =	shalt  }
0x71: {  	_ =	shalt  }
0x72: {  	_ =	shalt  }
0x73: {  	_ =	shalt  }
0x74: {  	_ =	shalt  }
0x75: {  	_ =	shalt  }
0x76: {  	_ =	shalt  }
0x77: {  	_ =	shalt  }
0x78: {  	_ =	shalt  }
0x79: {  	_ =	shalt  }
0x7a: {  	_ =	shalt  }
0x7b: {  	_ =	shalt  }
0x7c: {  	_ =	shalt  }
0x7d: {  	_ =	shalt  }
0x7e: {  	_ =	shalt  }
0x7f: {  	_ =	shalt  }
0x80: {  	_ =	shalt  }
0x81: {  	_ =	shalt  }
0x82: {  	_ =	shalt  }
0x83: {  	_ =	shalt  }
0x84: {  	_ =	shalt  }
0x85: {  	_ =	shalt  }
0x86: {  	_ =	shalt  }
0x87: {  	_ =	shalt  }
.Lfunc_end0:
.L_simem_size_0:
called_computation.6_lowered:
.L_overlay_start_0:
0x88: {  	s2 =	sld [smem:$0x3FD9]  }
0x89: {  	s3 =	sld [smem:$0x3FFE];
	_ =	sdelay $0x1  }
0x8a: {  	s1 =	srdreg.scid  }
0x8b: {  	s0 =	sand.u32 $0x1, s1  }
0x8c: {  	s15 =	sshll.u32 s0, $0xA;
	s2 =	sadd.s32 s3, s2  }
0x8d: {  	s2 =	sadd.s32 s2, s15  }
0x8e: {  	[smem:$0x3FBA] =	sst s2  }
0x8f: {  	_ = 	snop  }
0x90: {  	s2 =	sld [smem:$0x3FD0];
	_ =	sdelay $0x2  }
0x91: {  	s16 =	simm.s32 $0xB;
	s4 =	simm.s32 $0x10  }
0x92: {  	[smem:s4], [sflag:s16] =	dma.local [hbm:s2], $0x1  }
0x93: {  	_ =	swait.eq [sflag:s16], $0x1  }
0x94: {  	[sflag:s16] =	ssyncset.done $0x0  }
0x95: {  	[sflag:s16] =	ssyncadd.s32 $0xFFFFFFFF  }
0x96: {  	s17 =	sld [smem:$0x10];
	(tm) =	ssettm $0x1  }
0x97: {  	s18 =	sld [smem:$0x3FFB];
	_ =	sdelay $0x3  }
0x98: {  	_ =	strace s18  }
0x99: {  	s2 =	sld [smem:$0x3FFC];
	_ =	sdelay $0x3  }
0x9a: {  	_ =	strace s2  }
0x9b: {  	s2 =	sld [smem:$0x3FFD];
	_ =	sdelay $0x3  }
0x9c: {  	_ =	strace s2  }
0x9d: {  	_ =	strace $0x8FFFFFFF  }
0x9e: {  	s19 =	sld [smem:$0x3FDB];
	_ =	sdelay $0x1  }
0x9f: {  	s20 =	simm.s32 $_scs_section_size  }
0xa0: {  	s5 =	simm.s32 $_size__tile_overlayer_lowered;
	s6 =	simm.s32 $_tile_overlayer_lowered  }
0xa1: {  	s7 =	simm.s32 $0x1BFF;
	s21 =	sshll.u32 s6, $0x1;
	s4 =	sadd.s32 s20, s19  }
0xa2: {  	s22 =	simm.s32 $0x0;
	s5 =	sshll.u32 s5, $0x1;
	s6 =	sadd.s32 s21, s4  }
0xa3: {  	[timem:s22], [sflag:s7] =	dma.local [hbm:s6], s5  }
0xa4: {  	_ =	swait.ge [sflag:s7], s5  }
0xa5: {  	s5 =	ssub.s32 $0x0, s5;
	[sflag:s7] =	ssyncset.done $0x0  }
0xa6: {  	[sflag:s7] =	ssyncadd.s32 s5;
	_ =	sdelay $0x1  }
0xa7: {  	s23 =	simm.s32 $0x1B8B  }
0xa8: {  	_ =	swait.ge [sflag:s23], $0x1  }
0xa9: {  	[sflag:s23] =	ssyncset.done $0x0  }
0xaa: {  	[sflag:s23] =	ssyncadd.s32 $0xFFFFFFFF  }
0xab: {  	s5 =	sld [smem:$0x0]  }
0xac: {  	s6 =	sand.u32 $0xFFFFFFFE, s1  }
0xad: {  	p0 =	sne.s32 s1, s6  }
0xae: {  	s6 =	sshll.u32 @p0 s6, $0xE  }
0xaf: {  	s6 =	sadd.s32 @p0 $0x11B8D, s6;
	s7 =	sshll.u32 @p0 s5, $0x11  }
0xb0: {  	s6 =	sor.u32 @p0 s7, s6  }
0xb1: {  	[sflag:s6] =	ssyncadd.remote.s32 @p0 $0x1;
	_ =	sdelay $0x1  }
0xb2: {  	s6 =	simm.s32 @p0 $0x1B8D  }
0xb3: {  	_ =	swait.eq @p0 [sflag:s6], $0x1  }
0xb4: {  	[sflag:s6] =	ssyncadd.s32 @p0 $0xFFFFFFFF  }
0xb5: {  	s7 =	sshll.u32 @!p0 s1, $0xE  }
0xb6: {  	s7 =	sor.u32 @!p0 $0x4000, s7;
	s6 =	simm.s32 @!p0 $0x1B8D  }
0xb7: {  	s5 =	sshll.u32 @!p0 s5, $0x11;
	s7 =	sadd.s32 @!p0 $0x11B8D, s7;
	_ =	swait.eq @!p0 [sflag:s6], $0x1  }
0xb8: {  	s5 =	sor.u32 @!p0 s5, s7;
	[sflag:s6] =	ssyncadd.s32 @!p0 $0xFFFFFFFF  }
0xb9: {  	s25 =	simm.s32 $0x1B8E;
	s24 =	sld [smem:$0x3FFE];
	[sflag:s5] =	ssyncadd.remote.s32 @!p0 $0x1  }
0xba: {  	s26 =	simm.s32 $execute0_lowered;
	[smem:$0x3FD2] =	sst s25  }
0xbb: {  	s6 =	sshll.u32 s26, $0x1;
	_ =	strace $0x80000055;
	[dreg:$0x1] =	wrdreg $0xFFFFFFFF  }
0xbc: {  	s28 =	simm.s32 $_size_execute0_lowered;
	s4 =	sadd.s32 s4, s6;
	[dreg:$0x0] =	wrdreg $0x0  }
0xbd: {  	s6 =	sshll.u32 s28, $0x1;
	[dreg:$0x2] =	wrdreg s4  }
0xbe: {  	[dreg:$0x3] =	wrdreg s6  }
0xbf: {  	[dreg:$0x4] =	wrdreg $0xC0  }
0xc0: {  	_ =	task [dreg:s22], $0x5FFFF  }
0xc1: {  	[dreg:$0x1] =	wrdreg $0xFFFFFFFF  }
0xc2: {  	[dreg:$0x0] =	wrdreg $0x60  }
0xc3: {  	[dreg:$0x2] =	wrdreg s24  }
0xc4: {  	[dreg:$0x3] =	wrdreg s17  }
0xc5: {  	[dreg:$0x4] =	wrdreg $0x0  }
0xc6: {  	[dreg:$0x5] =	wrdreg $0xA  }
0xc7: {  	_ =	task.clear_ibuf [dreg:s22], $0x6FFFF;
	_ =	strace $0x90000055  }
0xc8: {  	s29 =	simm.s32 $0xA;
	_ =	strace $0x80000057  }
0xc9: {  	_ =	swait.ge [sflag:s29], $0x1  }
0xca: {  	[sflag:s29] =	ssyncadd.s32 $0xFFFFFFFF  }
0xcb: {  	_ =	strace $0x90000057  }
0xcc: {  	_ =	sfence  }
0xcd: {  	s30 =	sld [smem:$0x0];
	_ =	sdelay $0x2  }
0xce: {  	s31 =	sshll.u32 s1, $0xD;
	s1 =	sshrl.u32 s1, $0x2  }
0xcf: {  	s4 =	sand.u32 $0x4000, s31;
	s1 =	sadd.s32 s1, s30  }
0xd0: {  	s0 =	sor.u32 s4, s0;
	s1 =	sshll.u32 s1, $0x11  }
0xd1: {  	s0 =	sor.u32 s1, s0  }
0xd2: {  	s0 =	sadd.s32 $0x8F2B, s0  }
0xd3: {  	[sflag:s0] =	ssyncadd.remote.s32 $0x1  }
0xd4: {  	_ =	sfence.sel $0xFFFF  }
0xd5: {  	[dreg:$0x0] =	wrdreg $0xFFFFFFFF;
	(pc) =	sbr.abs _section_cstart, $3  }
0xd6: {  	[dreg:$0x1] =	wrdreg $0xFFFFFFFF  }
0xd7: {  	_ =	task.clear_ibuf [dreg:s22], $0x2FFFF;
	_ =	strace $0x9FFFFFFF  }
0xd8: {  	(tm) =	ssettm $0x7FFFFFFF  }
0xd9: {  	_ =	shalt  }
tec
execute0_lowered:
.L_overlay_start_1:
0x0: {  	(tag) =	ssettag $0x1  }
0x1: {  	s6 =	rddreg [dreg:$0x0]  }
0x2: {  	s7 =	rddreg [dreg:$0x1];
	s0 =	srdreg.scid  }
0x3: {  	s2 =	rddreg [dreg:$0x2];
	s1 =	stileid.u32  }
0x4: {  	s3 =	simm.s32 $0x0;
	s15 =	simm.s32 $0x9C60;
	s16 =	simm.s32 $0x2  }
0x5: {  	s17 =	simm.s32 $0x9E60;
	s18 =	simm.s32 $0x200;
	s19 =	simm.s32 $0xA060  }
0x6: {  	s20 =	simm.s32 $0x1;
	s5 =	sand.u32 $0x1, s0;
	s0 =	rddreg [dreg:$0x3]  }
0x7: {  	s21 =	simm.s32 $0x0;
	s9 =	smul.u32 $0x2800, s1;
	[smem:$0x7FF] =	sst s3  }
0x8: {  	s4 =	sadd.s32 $0x7C600, s6;
	s10 =	smul.u32 $0x9C00, s1;
	p0 =	seq.s32 s1, $0xF  }
0x9: {  	s8 =	smul.u32 $0x28000, s5;
	_ =	strace $0x80000056;
	s26 =	ssub.s32 $0x2, s5  }
0xa: {  	s12 =	smul.u32 $0x9C400, s5;
	s13 =	sshll.u32 @!p0 s1, $0x6;
	s28 =	sshrl.u32 s26, $0x1  }
0xb: {  	s14 =	sadd.s32 s10, s2;
	s29 =	sshrl.u32 s10, $0x3;
	s13 =	sor.u32 @!p0 $0x1C02, s13  }
0xc: {  	s8 =	sadd.s32 s9, s8;
	s9 =	ssub.s32 s26, s28;
	s5 =	sadd.s32 s4, s29  }
0xd: {  	s30 =	sadd.s32 s10, s12;
	s31 =	sshrl.u32 s12, $0x3;
	s12 =	sadd.s32 $0x92400, s2  }
0xe: {  	s14 =	sshrl.u32 @!p0 s14, $0x3;
	s8 =	sshrl.u32 s8, $0x3;
	s10 =	sadd.s32 s7, s31  }
0xf: {  	s9 =	smax.u32 s9, $0x1;
	s11 =	sadd.s32 s8, s6;
	s8 =	sshrl.u32 s30, $0x3  }
0x10: {  	s12 =	sshrl.u32 @p0 s12, $0x3;
	s6 =	sadd.s32 $0x8EA80, s6;
	s7 =	sadd.s32 s7, s8  }
0x11: {  	s8 =	sadd.s32 $0x12480, s10;
	s10 =	sadd.s32 $0x6800, s11;
	s11 =	sadd.s32 $0x10800, s11  }
.LBB2_1:
0x12: {  	s22 =	simm.s32 @p0 $0x1FC2  }
0x13: {  	[spmem:s12], [sflag:s22] =	dma.local @p0 [hbm:s6], $0x1400  }
0x14: {  	s22 =	simm.s32 @p0 $0x2  }
0x15: {  	_ =	swait.ge @p0 [sflag:s22], $0x1400  }
0x16: {  	[sflag:s22] =	ssyncset.done @p0 $0x0  }
0x17: {  	[sflag:s22] =	ssyncadd.s32 @p0 $0xFFFFEC00;
	s22 =	simm.s32 @!p0 $0x2  }
0x18: {  	[spmem:s14], [sflag:s13] =	dma.local @!p0 [hbm:s5], $0x1380  }
0x19: {  	_ =	swait.ge @!p0 [sflag:s22], $0x1380  }
0x1a: {  	[sflag:s22] =	ssyncset.done @!p0 $0x0  }
0x1b: {  	[sflag:s22] =	ssyncadd.s32 @!p0 $0xFFFFEC80  }
0x1c: {  	s30 =	sadd.s32 $0x0, s11;
	[bflag:$0x0] =	sbarrier.arrive $0xFFFF  }
0x1d: {  	[tilespmem:s15], [sflag:$0x2] =	stream.linear.gather [hbm4b:s30+s3], $0x200, $0x38;
	[tilespmem:$0x12060] =	vst v63  }
0x1e: {  	_ =	swait.ge [sflag:s16], $0x200  }
0x1f: {  	[sflag:s16] =	ssyncset.done $0x0  }
0x20: {  	s31 =	sadd.s32 $0x0, s10;
	[sflag:s16] =	ssyncadd.s32 $0xFFFFFE00  }
0x21: {  	[tilespmem:s17], [sflag:$0x2] =	stream.linear.gather [hbm4b:s31+s3], $0x200, $0x38;
	[tilespmem:$0x12060] =	vst v63  }
0x22: {  	_ =	swait.ge [sflag:s16], $0x200  }
0x23: {  	[sflag:s16] =	ssyncset.done $0x0  }
0x24: {  	[sflag:s16] =	ssyncadd.s32 $0xFFFFFE00  }
0x25: {  	[tilespmem:s19], [sflag:$0x1] =	stream.indirect.gather [hbm4b:s4+s18], $0x40, s15, s18, $0xb8;
	[tilespmem:$0x12060] =	vst v63  }
0x26: {  	_ =	swait.ge [sflag:s20], $0x8000  }
0x27: {  	[sflag:s20] =	ssyncset.done $0x0  }
0x28: {  	[sflag:s20] =	ssyncadd.s32 $0xFFFF8000  }
0x29: {  	[spmem:s2] =	stream.indirect.scatter.add.f32 [tilespmem:s19], [sflag:$0x2], $0x40, s17, s18, $0xb8;
	[tilespmem:$0x12060] =	vst v63  }
0x2a: {  	_ =	swait.ge [sflag:s16], $0x8000  }
0x2b: {  	s23 =	simm.s32 $0x80;
	s22 =	simm.s32 $0x40;
	[sflag:s16] =	ssyncset.done $0x0  }
.LBB2_2:
0x2c: {  	s24 =	sadd.s32 s22, s11  }
0x2d: {  	[sflag:s16] =	ssyncadd.s32 $0xFFFF8000;
	s25 =	smov.u32 s23;
	s26 =	sadd.s32 $0x40, s23  }
0x2e: {  	[tilespmem:s15], [sflag:$0x2] =	stream.linear.gather [hbm4b:s24+s3], $0x200, $0x38;
	[tilespmem:$0x12060] =	vst v63  }
0x2f: {  	p1 =	sne.s32 s23, $0x4C0;
	_ =	swait.ge [sflag:s16], $0x200  }
0x30: {  	[sflag:s16] =	ssyncset.done $0x0  }
0x31: {  	s23 =	sadd.s32 s22, s10;
	s22 =	smov.u32 s25;
	[sflag:s16] =	ssyncadd.s32 $0xFFFFFE00  }
0x32: {  	[tilespmem:s17], [sflag:$0x2] =	stream.linear.gather [hbm4b:s23+s3], $0x200, $0x38;
	[tilespmem:$0x12060] =	vst v63  }
0x33: {  	_ =	swait.ge [sflag:s16], $0x200  }
0x34: {  	[sflag:s16] =	ssyncset.done $0x0  }
0x35: {  	[sflag:s16] =	ssyncadd.s32 $0xFFFFFE00  }
0x36: {  	[tilespmem:s19], [sflag:$0x1] =	stream.indirect.gather [hbm4b:s4+s18], $0x40, s15, s18, $0xb8;
	[tilespmem:$0x12060] =	vst v63  }
0x37: {  	_ =	swait.ge [sflag:s20], $0x8000  }
.Ltmp0:
0x38: {  	[sflag:s20] =	ssyncset.done $0x0;
	(pc) =	sbr.rel @p1 .LBB2_2-.Ltmp0, $4  }
0x39: {  	[sflag:s20] =	ssyncadd.s32 $0xFFFF8000  }
0x3a: {  	[spmem:s2] =	stream.indirect.scatter.add.f32 [tilespmem:s19], [sflag:$0x2], $0x40, s17, s18, $0xb8;
	[tilespmem:$0x12060] =	vst v63  }
0x3b: {  	_ =	swait.ge [sflag:s16], $0x8000  }
0x3c: {  	s23 =	smov.u32 s26;
	[sflag:s16] =	ssyncset.done $0x0  }
0x3d: {  	s23 =	sadd.s32 s22, s11;
	[sflag:s16] =	ssyncadd.s32 $0xFFFF8000  }
0x3e: {  	[tilespmem:s15], [sflag:$0x2] =	stream.linear.gather [hbm4b:s23+s3], $0x200, $0x38;
	[tilespmem:$0x12060] =	vst v63  }
0x3f: {  	_ =	swait.ge [sflag:s16], $0x200  }
0x40: {  	[sflag:s16] =	ssyncset.done $0x0  }
0x41: {  	s31 =	sadd.s32 s22, s10;
	[sflag:s16] =	ssyncadd.s32 $0xFFFFFE00  }
0x42: {  	[tilespmem:s17], [sflag:$0x2] =	stream.linear.gather [hbm4b:s31+s3], $0x200, $0x38;
	[tilespmem:$0x12060] =	vst v63  }
0x43: {  	_ =	swait.ge [sflag:s16], $0x200  }
0x44: {  	[sflag:s16] =	ssyncset.done $0x0  }
0x45: {  	[sflag:s16] =	ssyncadd.s32 $0xFFFFFE00  }
0x46: {  	[tilespmem:s19], [sflag:$0x1] =	stream.indirect.gather [hbm4b:s4+s18], $0x40, s15, s18, $0xb8;
	[tilespmem:$0x12060] =	vst v63  }
0x47: {  	_ =	swait.ge [sflag:s20], $0x8000  }
0x48: {  	[sflag:s20] =	ssyncset.done $0x0  }
0x49: {  	[sflag:s20] =	ssyncadd.s32 $0xFFFF8000  }
0x4a: {  	[spmem:s2] =	stream.indirect.scatter.add.f32 [tilespmem:s19], [sflag:$0x2], $0x40, s17, s18, $0xb8;
	[tilespmem:$0x12060] =	vst v63  }
0x4b: {  	_ =	swait.ge [sflag:s16], $0x8000  }
0x4c: {  	[sflag:s16] =	ssyncset.done $0x0  }
0x4d: {  	[sflag:s16] =	ssyncadd.s32 $0xFFFF8000  }
0x4e: {  	s22 =	simm.s32 @p0 $0x1FC2;
	[bflag:$0x0] =	sbarrier.arrive $0xFFFF  }
0x4f: {  	[hbm:s8], [sflag:s22] =	dma.local @p0 [spmem:s12], $0x1400  }
0x50: {  	s22 =	simm.s32 @p0 $0x2  }
0x51: {  	s21 =	sadd.s32 $0x1, s21;
	_ =	swait.ge @p0 [sflag:s22], $0x1400  }
0x52: {  	p1 =	sne.s32 s21, s9;
	[sflag:s22] =	ssyncset.done @p0 $0x0  }
.Ltmp1:
0x53: {  	[sflag:s22] =	ssyncadd.s32 @p0 $0xFFFFEC00;
	s22 =	simm.s32 @!p0 $0x2;
	(pc) =	sbr.rel @p1 .LBB2_1-.Ltmp1, $4  }
0x54: {  	[hbm:s7], [sflag:s13] =	dma.local @!p0 [spmem:s14], $0x1380  }
0x55: {  	_ =	swait.ge @!p0 [sflag:s22], $0x1380  }
0x56: {  	[sflag:s22] =	ssyncset.done @!p0 $0x0  }
0x57: {  	[sflag:s22] =	ssyncadd.s32 @!p0 $0xFFFFEC80  }
0x58: {  	_ =	sfence.sel $0x180000  }
0x59: {  	[bflag:$0x0] =	sbarrier.arrive $0xFFFF  }
0x5a: {  	p0 =	sne.s32 s1, $0x0;
	_ =	strace $0x90000056  }
0x5b: {  	s0 =	sadd.s32 @!p0 $0x100000, s0;
	[bflag:$0x2] =	sbarrier.arrive $0xFFFF  }
0x5c: {  	[sflag:s0] =	ssyncadd.tile.s32 @!p0 $0x1;
	_ =	shalt  }
.Lfunc_end2:
_tile_overlayer_lowered:
.L_overlay_start_2:
0x5d: {  	(tag) =	ssettag $0x2  }
0x5e: {  	s0 =	rddreg [dreg:$0x0];
	s2 =	stileid.u32  }
0x5f: {  	s1 =	rddreg [dreg:$0x1];
	p0 =	sne.s32 s2, $0x0  }
0x60: {  	s3 =	rddreg [dreg:$0x2];
	[bflag:$0x3] =	sbarrier.arrive $0xFFFF;
	s2 =	simm.s32 @!p0 $0x1C02  }
0x61: {  	[timem:s3], [sflag:s2] =	dma.local @!p0 [hbm:s0], s1  }
0x62: {  	s0 =	simm.s32 @!p0 $0x2  }
0x63: {  	_ =	swait.ge @!p0 [sflag:s0], s1  }
0x64: {  	s1 =	ssub.s32 @!p0 $0x0, s1;
	[sflag:s0] =	ssyncset.done @!p0 $0x0  }
0x65: {  	[sflag:s0] =	ssyncadd.s32 @!p0 s1  }
0x66: {  	[bflag:$0x3] =	sbarrier.arrive $0xFFFF  }
0x67: {  	_ =	shalt  }

</sc_bundles>
